<compile_context>
chip_gen: v7x
topology: tpu7x:2x2x1
jax: 0.10.2.dev20260603
libtpu: 0.0.44.dev20260713+nightly
codegen_flags: <defaults>
</compile_context>

<pallas_src>
import jax
import jax.numpy as jnp
from jax import lax
from jax.experimental import pallas as pl
from jax.experimental.pallas import tpu as pltpu
from jax.experimental.pallas import tpu_sc as plsc

_N = 10000
_E = 320000
_D = 128
_DH = _D // 2

_NC = 2
_NS = 16
_NW = _NC * _NS

_CHUNK = 80

_EPW_DEG = _E // _NW
_NCH_DEG = _EPW_DEG // _CHUNK

_EPS = _E // _NS
_NCH = _EPS // _CHUNK

_NPAD = 10000
_RPT = _NPAD // _NS
_ZCH = 125

_BM = 2000
_GRID = _NPAD // _BM

_MESH = plsc.VectorSubcoreMesh(
    core_axis_name="c", subcore_axis_name="s", num_cores=_NC, num_subcores=_NS
)
_SC_PARAMS = pltpu.CompilerParams(use_tc_tiling_on_sc=False)


_DEGW = 16
_DEG_WIN = 8


def _sc_degree_body(dst_hbm, ones_hbm, z16_hbm, deg_hbm, dst_v, ones_v, deg_sh, dsem):
    c = lax.axis_index("c")
    s = lax.axis_index("s")
    wid = s * _NC + c
    pltpu.sync_copy(dst_hbm.at[wid], dst_v)
    pltpu.sync_copy(ones_hbm, ones_v)
    base = s * _RPT
    for k in range(_RPT // _ZCH):
        pltpu.sync_copy(z16_hbm, deg_sh.at[pl.ds(base + k * _ZCH, _ZCH)])
    plsc.subcore_barrier()

    for j in range(_DEG_WIN):
        pltpu.async_copy(ones_v, deg_sh.at[dst_v.at[j]], dsem, add=True)

    def chunk(j, carry):
        pltpu.make_async_copy(ones_v, deg_sh.at[dst_v.at[0]], dsem).wait()
        pltpu.async_copy(ones_v, deg_sh.at[dst_v.at[j + _DEG_WIN]], dsem, add=True)
        return carry

    lax.fori_loop(0, _NCH_DEG - _DEG_WIN, chunk, 0)
    for _ in range(_DEG_WIN):
        pltpu.make_async_copy(ones_v, deg_sh.at[dst_v.at[0]], dsem).wait()
    plsc.subcore_barrier()
    out_base = c * _NPAD + base
    for k in range(_RPT // _ZCH):
        pltpu.sync_copy(
            deg_sh.at[pl.ds(base + k * _ZCH, _ZCH)],
            deg_hbm.at[pl.ds(out_base + k * _ZCH, _ZCH)],
        )


_sc_degree = pl.kernel(
    _sc_degree_body,
    out_type=jax.ShapeDtypeStruct((_NC * _NPAD, _DEGW), jnp.float32),
    mesh=_MESH,
    scratch_types=[
        pltpu.VMEM((_NCH_DEG, _CHUNK), jnp.int32),
        pltpu.VMEM((_CHUNK, _DEGW), jnp.float32),
        pltpu.VMEM_SHARED((_NPAD, _DEGW), jnp.float32),
        pltpu.SemaphoreType.DMA,
    ],
    compiler_params=_SC_PARAMS,
)


_NRING = 5


def _sc_scatter_body(
    g2n_hbm, src2_hbm, dst_hbm, z64_hbm, acc_hbm,
    src_v, dst_v, rbufs, acc_sh, gsems
):
    c = lax.axis_index("c")
    s = lax.axis_index("s")
    pltpu.sync_copy(src2_hbm.at[c * _NS + s], src_v)
    pltpu.sync_copy(dst_hbm.at[s], dst_v)
    base = s * _RPT
    for k in range(_RPT // _ZCH):
        pltpu.sync_copy(z64_hbm, acc_sh.at[pl.ds(base + k * _ZCH, _ZCH)])
    plsc.subcore_barrier()

    for b in range(_NRING):
        pltpu.async_copy(g2n_hbm.at[src_v.at[b]], rbufs[b], gsems[b])

    def outer(o, carry):
        for b in range(_NRING):
            cc = o * _NRING + b
            pltpu.make_async_copy(g2n_hbm.at[src_v.at[cc]], rbufs[b], gsems[b]).wait()
            pltpu.sync_copy(rbufs[b], acc_sh.at[dst_v.at[cc]], add=True)
            nxt = cc + _NRING

            @pl.when(nxt < _NCH)
            def _start_next():
                pltpu.async_copy(g2n_hbm.at[src_v.at[nxt]], rbufs[b], gsems[b])

        return carry

    lax.fori_loop(0, _NCH // _NRING, outer, 0)
    plsc.subcore_barrier()
    out_base = c * _NPAD + base
    for k in range(_RPT // _ZCH):
        pltpu.sync_copy(
            acc_sh.at[pl.ds(base + k * _ZCH, _ZCH)],
            acc_hbm.at[pl.ds(out_base + k * _ZCH, _ZCH)],
        )


_sc_scatter = pl.kernel(
    _sc_scatter_body,
    out_type=jax.ShapeDtypeStruct((_NC * _NPAD, _DH), jnp.float32),
    mesh=_MESH,
    scratch_types=[
        pltpu.VMEM((_NCH, _CHUNK), jnp.int32),
        pltpu.VMEM((_NCH, _CHUNK), jnp.int32),
        tuple(pltpu.VMEM((_CHUNK, _DH), jnp.float32) for _ in range(_NRING)),
        pltpu.VMEM_SHARED((_NPAD, _DH), jnp.float32),
        tuple(pltpu.SemaphoreType.DMA for _ in range(_NRING)),
    ],
    compiler_params=_SC_PARAMS,
)


def _tc_mm_body(x_ref, w_ref, h_ref):
    h_ref[...] = jnp.dot(x_ref[...], w_ref[...], precision=lax.Precision.HIGHEST,
                         preferred_element_type=jnp.float32)


def _tc_a_body(deg_ref, h_ref, g_ref, dinv_ref):
    dp = deg_ref[...]
    deg = dp[0, :, 0:1] + dp[1, :, 0:1] + 1.0
    dinv = lax.rsqrt(deg)
    g_ref[...] = h_ref[...] * dinv
    dinv_ref[...] = dinv


def _tc_b_body(acc_ref, g_ref, dinv_ref, b_ref, w_ref, g2_ref):
    dinv = dinv_ref[...]
    acc = jnp.concatenate([acc_ref[0], acc_ref[1]], axis=1)
    z = jnp.maximum(dinv * (acc + g_ref[...]) + b_ref[...], 0.0)
    h2 = jnp.dot(z, w_ref[...], precision=lax.Precision.HIGHEST,
                 preferred_element_type=jnp.float32)
    g2_ref[...] = h2 * dinv


def _tc_c_body(acc_ref, g_ref, dinv_ref, b_ref, o_ref):
    acc = jnp.concatenate([acc_ref[0], acc_ref[1]], axis=1)
    o_ref[...] = dinv_ref[...] * (acc + g_ref[...]) + b_ref[...]


def _tc_mm(x, W1):
    return pl.pallas_call(
        _tc_mm_body,
        grid=(_GRID,),
        in_specs=[
            pl.BlockSpec((_BM, _D), lambda i: (i, 0)),
            pl.BlockSpec((_D, _D), lambda i: (0, 0)),
        ],
        out_specs=pl.BlockSpec((_BM, _D), lambda i: (i, 0)),
        out_shape=jax.ShapeDtypeStruct((_N, _D), jnp.float32),
    )(x, W1)


def _tc_a(deg_parts, h1):
    return pl.pallas_call(
        _tc_a_body,
        grid=(_GRID,),
        in_specs=[
            pl.BlockSpec((_NC, _BM, _DEGW), lambda i: (0, i, 0)),
            pl.BlockSpec((_BM, _D), lambda i: (i, 0)),
        ],
        out_specs=[
            pl.BlockSpec((_BM, _D), lambda i: (i, 0)),
            pl.BlockSpec((_BM, 1), lambda i: (i, 0)),
        ],
        out_shape=[
            jax.ShapeDtypeStruct((_N, _D), jnp.float32),
            jax.ShapeDtypeStruct((_N, 1), jnp.float32),
        ],
    )(deg_parts, h1)


def _tc_b(acc_parts, g1, dinv, b1, W2):
    return pl.pallas_call(
        _tc_b_body,
        grid=(_GRID,),
        in_specs=[
            pl.BlockSpec((_NC, _BM, _DH), lambda i: (0, i, 0)),
            pl.BlockSpec((_BM, _D), lambda i: (i, 0)),
            pl.BlockSpec((_BM, 1), lambda i: (i, 0)),
            pl.BlockSpec((1, _D), lambda i: (0, 0)),
            pl.BlockSpec((_D, _D), lambda i: (0, 0)),
        ],
        out_specs=pl.BlockSpec((_BM, _D), lambda i: (i, 0)),
        out_shape=jax.ShapeDtypeStruct((_N, _D), jnp.float32),
    )(acc_parts, g1, dinv, b1, W2)


def _tc_c(acc_parts, g2, dinv, b2):
    return pl.pallas_call(
        _tc_c_body,
        grid=(_GRID,),
        in_specs=[
            pl.BlockSpec((_NC, _BM, _DH), lambda i: (0, i, 0)),
            pl.BlockSpec((_BM, _D), lambda i: (i, 0)),
            pl.BlockSpec((_BM, 1), lambda i: (i, 0)),
            pl.BlockSpec((1, _D), lambda i: (0, 0)),
        ],
        out_specs=pl.BlockSpec((_BM, _D), lambda i: (i, 0)),
        out_shape=jax.ShapeDtypeStruct((_N, _D), jnp.float32),
    )(acc_parts, g2, dinv, b2)


def kernel(x, edge_index, W1, b1, W2, b2):
    ei = edge_index.astype(jnp.int32)
    dst_deg = ei[1].reshape(_NW, _NCH_DEG, _CHUNK)
    src_s = ei[0].reshape(_NS, _NCH, _CHUNK)
    dst_s = ei[1].reshape(_NS, _NCH, _CHUNK)
    src2 = jnp.stack([2 * src_s, 2 * src_s + 1]).reshape(_NC * _NS, _NCH, _CHUNK)
    ones16 = jnp.ones((_CHUNK, _DEGW), jnp.float32)
    z16 = jnp.zeros((_ZCH, _DEGW), jnp.float32)
    z64 = jnp.zeros((_ZCH, _DH), jnp.float32)
    b1r = b1.reshape(1, _D)
    b2r = b2.reshape(1, _D)

    h1 = _tc_mm(x, W1)
    deg_parts = _sc_degree(dst_deg, ones16, z16).reshape(_NC, _NPAD, _DEGW)
    g1, dinv = _tc_a(deg_parts, h1)
    acc1 = _sc_scatter(g1.reshape(2 * _N, _DH), src2, dst_s, z64)
    g2 = _tc_b(acc1.reshape(_NC, _NPAD, _DH), g1, dinv, b1r, W2)
    acc2 = _sc_scatter(g2.reshape(2 * _N, _DH), src2, dst_s, z64)
    return _tc_c(acc2.reshape(_NC, _NPAD, _DH), g2, dinv, b2r)

# --- scband reference (transcript-rebuilt; emitter-appended) ---
"""Pipeline reference for scband-gcn-1357209665855 (READ-ONLY COPY).

The authoritative reference and input builder live on the scoring server;
editing this copy changes nothing except your own understanding.
"""

import jax, jax.numpy as jnp
import numpy as np

N = 10000
E = 320000
D_IN = 128
D_HID = 128
D_OUT = 128


def gcn_conv(x, edge_index, W, b):
    # Faithful GCNConv (Kipf & Welling, PyG defaults): add self-loops,
    # symmetric deg^{-1/2} A_hat deg^{-1/2} normalization, then linear + bias.
    n = x.shape[0]
    loop = jnp.arange(n, dtype=edge_index.dtype)
    src = jnp.concatenate([edge_index[0], loop])
    dst = jnp.concatenate([edge_index[1], loop])
    h = x @ W  # linear transform first (standard GCNConv order)
    ones = jnp.ones_like(dst, dtype=h.dtype)
    deg = jax.ops.segment_sum(ones, dst, num_segments=n)
    dinv = jnp.where(deg > 0, jax.lax.rsqrt(deg), 0.0)
    norm = dinv[src] * dinv[dst]
    msg = h[src] * norm[:, None]          # gather (SparseCore)
    out = jax.ops.segment_sum(msg, dst, num_segments=n)  # scatter-add
    return out + b


def setup_inputs(seed: int = 0) -> dict:
    key = jax.random.key(seed)
    k1, k2, k3, k4, k5, k6 = jax.random.split(key, 6)
    x = jax.random.normal(k1, (N, D_IN), dtype=jnp.float32)
    edge_index = jax.random.randint(k2, (2, E), 0, N)
    s1 = 1.0 / np.sqrt(D_IN)
    s2 = 1.0 / np.sqrt(D_HID)
    W1 = jax.random.uniform(k3, (D_IN, D_HID), dtype=jnp.float32, minval=-s1, maxval=s1)
    b1 = jax.random.uniform(k4, (D_HID,), dtype=jnp.float32, minval=-s1, maxval=s1)
    W2 = jax.random.uniform(k5, (D_HID, D_OUT), dtype=jnp.float32, minval=-s2, maxval=s2)
    b2 = jax.random.uniform(k6, (D_OUT,), dtype=jnp.float32, minval=-s2, maxval=s2)
    return {"x": x, "edge_index": edge_index, "W1": W1, "b1": b1, "W2": W2, "b2": b2}


def reference(x, edge_index, W1, b1, W2, b2):
    h = gcn_conv(x, edge_index, W1, b1)
    h = jax.nn.relu(h)
    # dropout is identity in eval mode; omitted for deterministic reference
    out = gcn_conv(h, edge_index, W2, b2)
    return out

if __name__ == "__main__":
    import jax
    _d = setup_inputs()
    print(jax.jit(kernel)(*tuple(_d.values())))

</pallas_src>

<mosaic_0001>
#map = affine_map<(d0, d1) -> (0, 0)>
#map1 = affine_map<(d0, d1) -> (0, 0, 0)>
module attributes {stable_mosaic.version = 14 : i64} {
  func.func @_sc_scatter_body(%arg0: i32, %arg1: i32, %arg2: memref<20000x64xf32, #tpu.memory_space<hbm>>, %arg3: memref<32x250x80xi32, #tpu.memory_space<hbm>>, %arg4: memref<16x250x80xi32, #tpu.memory_space<hbm>>, %arg5: memref<125x64xf32, #tpu.memory_space<hbm>>, %arg6: memref<20000x64xf32, #tpu.memory_space<hbm>>, %arg7: memref<250x80xi32, #tpu.memory_space<vmem>>, %arg8: memref<250x80xi32, #tpu.memory_space<vmem>>, %arg9: memref<80x64xf32, #tpu.memory_space<vmem>>, %arg10: memref<80x64xf32, #tpu.memory_space<vmem>>, %arg11: memref<80x64xf32, #tpu.memory_space<vmem>>, %arg12: memref<80x64xf32, #tpu.memory_space<vmem>>, %arg13: memref<80x64xf32, #tpu.memory_space<vmem>>, %arg14: memref<10000x64xf32, #tpu.memory_space<vmem_shared>>, %arg15: memref<!tpu.dma_semaphore, #tpu.memory_space<semaphore_mem>>, %arg16: memref<!tpu.dma_semaphore, #tpu.memory_space<semaphore_mem>>, %arg17: memref<!tpu.dma_semaphore, #tpu.memory_space<semaphore_mem>>, %arg18: memref<!tpu.dma_semaphore, #tpu.memory_space<semaphore_mem>>, %arg19: memref<!tpu.dma_semaphore, #tpu.memory_space<semaphore_mem>>) attributes {dimension_semantics = [#tpu.dimension_semantics<core_parallel>, #tpu.dimension_semantics<subcore_parallel>], iteration_bounds = array<i64: 2, 16>, scalar_prefetch = 0 : i64, scratch_operands = 13 : i64, tpu.core_type = #tpu.core_type<sc_vector_subcore>, window_params = [{transform_indices = #map}, {transform_indices = #map1}, {transform_indices = #map1}, {transform_indices = #map}, {transform_indices = #map}]} {
    %mul3A = arith.constant 16 : i32
    %mul3A_0 = arith.muli %arg0, %mul3A : i32
    %add3A = arith.addi %mul3A_0, %arg1 : i32
    "tpu.region"() ({
      %run_scoped3A = tpu.sem_alloc : memref<!tpu.dma_semaphore, #tpu.memory_space<semaphore_mem>>
      %dma_start3A_76 = arith.constant 0 : i32
      %dma_start3A_77 = arith.constant 0 : i32
      %dma_start3A_78 = tpu.memref_slice %arg3[%add3A, %dma_start3A_76, %dma_start3A_77] : memref<32x250x80xi32, #tpu.memory_space<hbm>> -> memref<1x250x80xi32, #tpu.memory_space<hbm>>
      %dma_start3A_79 = tpu.memref_squeeze %dma_start3A_78 : memref<1x250x80xi32, #tpu.memory_space<hbm>> -> memref<250x80xi32, #tpu.memory_space<hbm>>
      %dma_start3A_80 = arith.constant 0 : i32
      %dma_start3A_81 = arith.constant 0 : i32
      %dma_start3A_82 = tpu.memref_slice %arg3[%add3A, %dma_start3A_80, %dma_start3A_81] : memref<32x250x80xi32, #tpu.memory_space<hbm>> -> memref<1x250x80xi32, #tpu.memory_space<hbm>>
      %dma_start3A_83 = tpu.memref_squeeze %dma_start3A_82 : memref<1x250x80xi32, #tpu.memory_space<hbm>> -> memref<250x80xi32, #tpu.memory_space<hbm>>
      tpu.enqueue_dma source(%dma_start3A_83 : memref<250x80xi32, #tpu.memory_space<hbm>>) target(%arg7 : memref<250x80xi32, #tpu.memory_space<vmem>>) target_semaphore(%run_scoped3A : memref<!tpu.dma_semaphore, #tpu.memory_space<semaphore_mem>>)
      %dma_wait3A = arith.constant 0 : i32
      %dma_wait3A_84 = arith.constant 0 : i32
      %dma_wait3A_85 = tpu.memref_slice %arg3[%add3A, %dma_wait3A, %dma_wait3A_84] : memref<32x250x80xi32, #tpu.memory_space<hbm>> -> memref<1x250x80xi32, #tpu.memory_space<hbm>>
      %dma_wait3A_86 = tpu.memref_squeeze %dma_wait3A_85 : memref<1x250x80xi32, #tpu.memory_space<hbm>> -> memref<250x80xi32, #tpu.memory_space<hbm>>
      %dma_wait3A_87 = arith.constant 0 : i32
      %dma_wait3A_88 = arith.constant 0 : i32
      %dma_wait3A_89 = tpu.memref_slice %arg3[%add3A, %dma_wait3A_87, %dma_wait3A_88] : memref<32x250x80xi32, #tpu.memory_space<hbm>> -> memref<1x250x80xi32, #tpu.memory_space<hbm>>
      %dma_wait3A_90 = tpu.memref_squeeze %dma_wait3A_89 : memref<1x250x80xi32, #tpu.memory_space<hbm>> -> memref<250x80xi32, #tpu.memory_space<hbm>>
      tpu.wait_dma2 semaphore(%run_scoped3A : memref<!tpu.dma_semaphore, #tpu.memory_space<semaphore_mem>>) src(%dma_wait3A_90 : memref<250x80xi32, #tpu.memory_space<hbm>>) dst(%arg7 : memref<250x80xi32, #tpu.memory_space<vmem>>)
      tpu.yield
    }) : () -> ()
    "tpu.region"() ({
      %run_scoped3A = tpu.sem_alloc : memref<!tpu.dma_semaphore, #tpu.memory_space<semaphore_mem>>
      %dma_start3A_76 = arith.constant 0 : i32
      %dma_start3A_77 = arith.constant 0 : i32
      %dma_start3A_78 = tpu.memref_slice %arg4[%arg1, %dma_start3A_76, %dma_start3A_77] : memref<16x250x80xi32, #tpu.memory_space<hbm>> -> memref<1x250x80xi32, #tpu.memory_space<hbm>>
      %dma_start3A_79 = tpu.memref_squeeze %dma_start3A_78 : memref<1x250x80xi32, #tpu.memory_space<hbm>> -> memref<250x80xi32, #tpu.memory_space<hbm>>
      %dma_start3A_80 = arith.constant 0 : i32
      %dma_start3A_81 = arith.constant 0 : i32
      %dma_start3A_82 = tpu.memref_slice %arg4[%arg1, %dma_start3A_80, %dma_start3A_81] : memref<16x250x80xi32, #tpu.memory_space<hbm>> -> memref<1x250x80xi32, #tpu.memory_space<hbm>>
      %dma_start3A_83 = tpu.memref_squeeze %dma_start3A_82 : memref<1x250x80xi32, #tpu.memory_space<hbm>> -> memref<250x80xi32, #tpu.memory_space<hbm>>
      tpu.enqueue_dma source(%dma_start3A_83 : memref<250x80xi32, #tpu.memory_space<hbm>>) target(%arg8 : memref<250x80xi32, #tpu.memory_space<vmem>>) target_semaphore(%run_scoped3A : memref<!tpu.dma_semaphore, #tpu.memory_space<semaphore_mem>>)
      %dma_wait3A = arith.constant 0 : i32
      %dma_wait3A_84 = arith.constant 0 : i32
      %dma_wait3A_85 = tpu.memref_slice %arg4[%arg1, %dma_wait3A, %dma_wait3A_84] : memref<16x250x80xi32, #tpu.memory_space<hbm>> -> memref<1x250x80xi32, #tpu.memory_space<hbm>>
      %dma_wait3A_86 = tpu.memref_squeeze %dma_wait3A_85 : memref<1x250x80xi32, #tpu.memory_space<hbm>> -> memref<250x80xi32, #tpu.memory_space<hbm>>
      %dma_wait3A_87 = arith.constant 0 : i32
      %dma_wait3A_88 = arith.constant 0 : i32
      %dma_wait3A_89 = tpu.memref_slice %arg4[%arg1, %dma_wait3A_87, %dma_wait3A_88] : memref<16x250x80xi32, #tpu.memory_space<hbm>> -> memref<1x250x80xi32, #tpu.memory_space<hbm>>
      %dma_wait3A_90 = tpu.memref_squeeze %dma_wait3A_89 : memref<1x250x80xi32, #tpu.memory_space<hbm>> -> memref<250x80xi32, #tpu.memory_space<hbm>>
      tpu.wait_dma2 semaphore(%run_scoped3A : memref<!tpu.dma_semaphore, #tpu.memory_space<semaphore_mem>>) src(%dma_wait3A_90 : memref<250x80xi32, #tpu.memory_space<hbm>>) dst(%arg8 : memref<250x80xi32, #tpu.memory_space<vmem>>)
      tpu.yield
    }) : () -> ()
    %mul3A_1 = arith.constant 625 : i32
    %mul3A_2 = arith.muli %arg1, %mul3A_1 : i32
    %add3A_3 = arith.constant 0 : i32
    %add3A_4 = arith.addi %mul3A_2, %add3A_3 : i32
    "tpu.region"() ({
      %run_scoped3A = tpu.sem_alloc : memref<!tpu.dma_semaphore, #tpu.memory_space<semaphore_mem>>
      %dma_start3A_76 = arith.constant 0 : i32
      %dma_start3A_77 = tpu.memref_slice %arg14[%add3A_4, %dma_start3A_76] : memref<10000x64xf32, #tpu.memory_space<vmem_shared>> -> memref<125x64xf32, #tpu.memory_space<vmem_shared>>
      tpu.enqueue_dma source(%arg5 : memref<125x64xf32, #tpu.memory_space<hbm>>) target(%dma_start3A_77 : memref<125x64xf32, #tpu.memory_space<vmem_shared>>) target_semaphore(%run_scoped3A : memref<!tpu.dma_semaphore, #tpu.memory_space<semaphore_mem>>)
      %dma_wait3A = arith.constant 0 : i32
      %dma_wait3A_78 = tpu.memref_slice %arg14[%add3A_4, %dma_wait3A] : memref<10000x64xf32, #tpu.memory_space<vmem_shared>> -> memref<125x64xf32, #tpu.memory_space<vmem_shared>>
      tpu.wait_dma2 semaphore(%run_scoped3A : memref<!tpu.dma_semaphore, #tpu.memory_space<semaphore_mem>>) src(%arg5 : memref<125x64xf32, #tpu.memory_space<hbm>>) dst(%dma_wait3A_78 : memref<125x64xf32, #tpu.memory_space<vmem_shared>>)
      tpu.yield
    }) : () -> ()
    %add3A_5 = arith.constant 125 : i32
    %add3A_6 = arith.addi %mul3A_2, %add3A_5 : i32
    "tpu.region"() ({
      %run_scoped3A = tpu.sem_alloc : memref<!tpu.dma_semaphore, #tpu.memory_space<semaphore_mem>>
      %dma_start3A_76 = arith.constant 0 : i32
      %dma_start3A_77 = tpu.memref_slice %arg14[%add3A_6, %dma_start3A_76] : memref<10000x64xf32, #tpu.memory_space<vmem_shared>> -> memref<125x64xf32, #tpu.memory_space<vmem_shared>>
      tpu.enqueue_dma source(%arg5 : memref<125x64xf32, #tpu.memory_space<hbm>>) target(%dma_start3A_77 : memref<125x64xf32, #tpu.memory_space<vmem_shared>>) target_semaphore(%run_scoped3A : memref<!tpu.dma_semaphore, #tpu.memory_space<semaphore_mem>>)
      %dma_wait3A = arith.constant 0 : i32
      %dma_wait3A_78 = tpu.memref_slice %arg14[%add3A_6, %dma_wait3A] : memref<10000x64xf32, #tpu.memory_space<vmem_shared>> -> memref<125x64xf32, #tpu.memory_space<vmem_shared>>
      tpu.wait_dma2 semaphore(%run_scoped3A : memref<!tpu.dma_semaphore, #tpu.memory_space<semaphore_mem>>) src(%arg5 : memref<125x64xf32, #tpu.memory_space<hbm>>) dst(%dma_wait3A_78 : memref<125x64xf32, #tpu.memory_space<vmem_shared>>)
      tpu.yield
    }) : () -> ()
    %add3A_7 = arith.constant 250 : i32
    %add3A_8 = arith.addi %mul3A_2, %add3A_7 : i32
    "tpu.region"() ({
      %run_scoped3A = tpu.sem_alloc : memref<!tpu.dma_semaphore, #tpu.memory_space<semaphore_mem>>
      %dma_start3A_76 = arith.constant 0 : i32
      %dma_start3A_77 = tpu.memref_slice %arg14[%add3A_8, %dma_start3A_76] : memref<10000x64xf32, #tpu.memory_space<vmem_shared>> -> memref<125x64xf32, #tpu.memory_space<vmem_shared>>
      tpu.enqueue_dma source(%arg5 : memref<125x64xf32, #tpu.memory_space<hbm>>) target(%dma_start3A_77 : memref<125x64xf32, #tpu.memory_space<vmem_shared>>) target_semaphore(%run_scoped3A : memref<!tpu.dma_semaphore, #tpu.memory_space<semaphore_mem>>)
      %dma_wait3A = arith.constant 0 : i32
      %dma_wait3A_78 = tpu.memref_slice %arg14[%add3A_8, %dma_wait3A] : memref<10000x64xf32, #tpu.memory_space<vmem_shared>> -> memref<125x64xf32, #tpu.memory_space<vmem_shared>>
      tpu.wait_dma2 semaphore(%run_scoped3A : memref<!tpu.dma_semaphore, #tpu.memory_space<semaphore_mem>>) src(%arg5 : memref<125x64xf32, #tpu.memory_space<hbm>>) dst(%dma_wait3A_78 : memref<125x64xf32, #tpu.memory_space<vmem_shared>>)
      tpu.yield
    }) : () -> ()
    %add3A_9 = arith.constant 375 : i32
    %add3A_10 = arith.addi %mul3A_2, %add3A_9 : i32
    "tpu.region"() ({
      %run_scoped3A = tpu.sem_alloc : memref<!tpu.dma_semaphore, #tpu.memory_space<semaphore_mem>>
      %dma_start3A_76 = arith.constant 0 : i32
      %dma_start3A_77 = tpu.memref_slice %arg14[%add3A_10, %dma_start3A_76] : memref<10000x64xf32, #tpu.memory_space<vmem_shared>> -> memref<125x64xf32, #tpu.memory_space<vmem_shared>>
      tpu.enqueue_dma source(%arg5 : memref<125x64xf32, #tpu.memory_space<hbm>>) target(%dma_start3A_77 : memref<125x64xf32, #tpu.memory_space<vmem_shared>>) target_semaphore(%run_scoped3A : memref<!tpu.dma_semaphore, #tpu.memory_space<semaphore_mem>>)
      %dma_wait3A = arith.constant 0 : i32
      %dma_wait3A_78 = tpu.memref_slice %arg14[%add3A_10, %dma_wait3A] : memref<10000x64xf32, #tpu.memory_space<vmem_shared>> -> memref<125x64xf32, #tpu.memory_space<vmem_shared>>
      tpu.wait_dma2 semaphore(%run_scoped3A : memref<!tpu.dma_semaphore, #tpu.memory_space<semaphore_mem>>) src(%arg5 : memref<125x64xf32, #tpu.memory_space<hbm>>) dst(%dma_wait3A_78 : memref<125x64xf32, #tpu.memory_space<vmem_shared>>)
      tpu.yield
    }) : () -> ()
    %add3A_11 = arith.constant 500 : i32
    %add3A_12 = arith.addi %mul3A_2, %add3A_11 : i32
    "tpu.region"() ({
      %run_scoped3A = tpu.sem_alloc : memref<!tpu.dma_semaphore, #tpu.memory_space<semaphore_mem>>
      %dma_start3A_76 = arith.constant 0 : i32
      %dma_start3A_77 = tpu.memref_slice %arg14[%add3A_12, %dma_start3A_76] : memref<10000x64xf32, #tpu.memory_space<vmem_shared>> -> memref<125x64xf32, #tpu.memory_space<vmem_shared>>
      tpu.enqueue_dma source(%arg5 : memref<125x64xf32, #tpu.memory_space<hbm>>) target(%dma_start3A_77 : memref<125x64xf32, #tpu.memory_space<vmem_shared>>) target_semaphore(%run_scoped3A : memref<!tpu.dma_semaphore, #tpu.memory_space<semaphore_mem>>)
      %dma_wait3A = arith.constant 0 : i32
      %dma_wait3A_78 = tpu.memref_slice %arg14[%add3A_12, %dma_wait3A] : memref<10000x64xf32, #tpu.memory_space<vmem_shared>> -> memref<125x64xf32, #tpu.memory_space<vmem_shared>>
      tpu.wait_dma2 semaphore(%run_scoped3A : memref<!tpu.dma_semaphore, #tpu.memory_space<semaphore_mem>>) src(%arg5 : memref<125x64xf32, #tpu.memory_space<hbm>>) dst(%dma_wait3A_78 : memref<125x64xf32, #tpu.memory_space<vmem_shared>>)
      tpu.yield
    }) : () -> ()
    %barrier3A = arith.constant 0 : index
    tpu.barrier barrier_id(%barrier3A)
    %dma_start3A = arith.constant 0 : i32
    %dma_start3A_13 = arith.constant 0 : i32
    %dma_start3A_14 = tpu.memref_slice %arg7[%dma_start3A, %dma_start3A_13] : memref<250x80xi32, #tpu.memory_space<vmem>> -> memref<1x80xi32, #tpu.memory_space<vmem>>
    %dma_start3A_15 = tpu.memref_squeeze %dma_start3A_14 : memref<1x80xi32, #tpu.memory_space<vmem>> -> memref<80xi32, #tpu.memory_space<vmem>>
    %dma_start3A_16 = arith.constant 0 : i32
    %dma_start3A_17 = arith.constant 0 : i32
    %dma_start3A_18 = tpu.memref_slice %arg2[%dma_start3A_16, %dma_start3A_17] : memref<20000x64xf32, #tpu.memory_space<hbm>> -> memref<20000x64xf32, #tpu.memory_space<hbm>>
    tpu.enqueue_indirect_dma source(%dma_start3A_18 : memref<20000x64xf32, #tpu.memory_space<hbm>>) target(%arg9 : memref<80x64xf32, #tpu.memory_space<vmem>>) offsets(%dma_start3A_15 : memref<80xi32, #tpu.memory_space<vmem>>) semaphore(%arg15 : memref<!tpu.dma_semaphore, #tpu.memory_space<semaphore_mem>>)
    %dma_start3A_19 = arith.constant 1 : i32
    %dma_start3A_20 = arith.constant 0 : i32
    %dma_start3A_21 = tpu.memref_slice %arg7[%dma_start3A_19, %dma_start3A_20] : memref<250x80xi32, #tpu.memory_space<vmem>> -> memref<1x80xi32, #tpu.memory_space<vmem>>
    %dma_start3A_22 = tpu.memref_squeeze %dma_start3A_21 : memref<1x80xi32, #tpu.memory_space<vmem>> -> memref<80xi32, #tpu.memory_space<vmem>>
    %dma_start3A_23 = arith.constant 0 : i32
    %dma_start3A_24 = arith.constant 0 : i32
    %dma_start3A_25 = tpu.memref_slice %arg2[%dma_start3A_23, %dma_start3A_24] : memref<20000x64xf32, #tpu.memory_space<hbm>> -> memref<20000x64xf32, #tpu.memory_space<hbm>>
    tpu.enqueue_indirect_dma source(%dma_start3A_25 : memref<20000x64xf32, #tpu.memory_space<hbm>>) target(%arg10 : memref<80x64xf32, #tpu.memory_space<vmem>>) offsets(%dma_start3A_22 : memref<80xi32, #tpu.memory_space<vmem>>) semaphore(%arg16 : memref<!tpu.dma_semaphore, #tpu.memory_space<semaphore_mem>>)
    %dma_start3A_26 = arith.constant 2 : i32
    %dma_start3A_27 = arith.constant 0 : i32
    %dma_start3A_28 = tpu.memref_slice %arg7[%dma_start3A_26, %dma_start3A_27] : memref<250x80xi32, #tpu.memory_space<vmem>> -> memref<1x80xi32, #tpu.memory_space<vmem>>
    %dma_start3A_29 = tpu.memref_squeeze %dma_start3A_28 : memref<1x80xi32, #tpu.memory_space<vmem>> -> memref<80xi32, #tpu.memory_space<vmem>>
    %dma_start3A_30 = arith.constant 0 : i32
    %dma_start3A_31 = arith.constant 0 : i32
    %dma_start3A_32 = tpu.memref_slice %arg2[%dma_start3A_30, %dma_start3A_31] : memref<20000x64xf32, #tpu.memory_space<hbm>> -> memref<20000x64xf32, #tpu.memory_space<hbm>>
    tpu.enqueue_indirect_dma source(%dma_start3A_32 : memref<20000x64xf32, #tpu.memory_space<hbm>>) target(%arg11 : memref<80x64xf32, #tpu.memory_space<vmem>>) offsets(%dma_start3A_29 : memref<80xi32, #tpu.memory_space<vmem>>) semaphore(%arg17 : memref<!tpu.dma_semaphore, #tpu.memory_space<semaphore_mem>>)
    %dma_start3A_33 = arith.constant 3 : i32
    %dma_start3A_34 = arith.constant 0 : i32
    %dma_start3A_35 = tpu.memref_slice %arg7[%dma_start3A_33, %dma_start3A_34] : memref<250x80xi32, #tpu.memory_space<vmem>> -> memref<1x80xi32, #tpu.memory_space<vmem>>
    %dma_start3A_36 = tpu.memref_squeeze %dma_start3A_35 : memref<1x80xi32, #tpu.memory_space<vmem>> -> memref<80xi32, #tpu.memory_space<vmem>>
    %dma_start3A_37 = arith.constant 0 : i32
    %dma_start3A_38 = arith.constant 0 : i32
    %dma_start3A_39 = tpu.memref_slice %arg2[%dma_start3A_37, %dma_start3A_38] : memref<20000x64xf32, #tpu.memory_space<hbm>> -> memref<20000x64xf32, #tpu.memory_space<hbm>>
    tpu.enqueue_indirect_dma source(%dma_start3A_39 : memref<20000x64xf32, #tpu.memory_space<hbm>>) target(%arg12 : memref<80x64xf32, #tpu.memory_space<vmem>>) offsets(%dma_start3A_36 : memref<80xi32, #tpu.memory_space<vmem>>) semaphore(%arg18 : memref<!tpu.dma_semaphore, #tpu.memory_space<semaphore_mem>>)
    %dma_start3A_40 = arith.constant 4 : i32
    %dma_start3A_41 = arith.constant 0 : i32
    %dma_start3A_42 = tpu.memref_slice %arg7[%dma_start3A_40, %dma_start3A_41] : memref<250x80xi32, #tpu.memory_space<vmem>> -> memref<1x80xi32, #tpu.memory_space<vmem>>
    %dma_start3A_43 = tpu.memref_squeeze %dma_start3A_42 : memref<1x80xi32, #tpu.memory_space<vmem>> -> memref<80xi32, #tpu.memory_space<vmem>>
    %dma_start3A_44 = arith.constant 0 : i32
    %dma_start3A_45 = arith.constant 0 : i32
    %dma_start3A_46 = tpu.memref_slice %arg2[%dma_start3A_44, %dma_start3A_45] : memref<20000x64xf32, #tpu.memory_space<hbm>> -> memref<20000x64xf32, #tpu.memory_space<hbm>>
    tpu.enqueue_indirect_dma source(%dma_start3A_46 : memref<20000x64xf32, #tpu.memory_space<hbm>>) target(%arg13 : memref<80x64xf32, #tpu.memory_space<vmem>>) offsets(%dma_start3A_43 : memref<80xi32, #tpu.memory_space<vmem>>) semaphore(%arg19 : memref<!tpu.dma_semaphore, #tpu.memory_space<semaphore_mem>>)
    %scan3A = arith.constant 0 : i32
    %scan3A_47 = arith.constant 0 : i32
    %scan3A_48 = arith.constant 50 : i32
    %scan3A_49 = arith.addi %scan3A_47, %scan3A_48 : i32
    %scan3A_50 = arith.constant 1 : i32
    scf.for %scan3A_76 = %scan3A_47 to %scan3A_49 step %scan3A_50  : i32 {
      %mul3A_77 = arith.constant 5 : i32
      %mul3A_78 = arith.muli %scan3A_76, %mul3A_77 : i32
      %add3A_79 = arith.constant 0 : i32
      %add3A_80 = arith.addi %mul3A_78, %add3A_79 : i32
      %dma_wait3A = arith.constant 0 : i32
      %dma_wait3A_81 = tpu.memref_slice %arg7[%add3A_80, %dma_wait3A] : memref<250x80xi32, #tpu.memory_space<vmem>> -> memref<1x80xi32, #tpu.memory_space<vmem>>
      %dma_wait3A_82 = tpu.memref_squeeze %dma_wait3A_81 : memref<1x80xi32, #tpu.memory_space<vmem>> -> memref<80xi32, #tpu.memory_space<vmem>>
      %dma_wait3A_83 = arith.constant 0 : i32
      %dma_wait3A_84 = arith.constant 0 : i32
      %dma_wait3A_85 = tpu.memref_slice %arg2[%dma_wait3A_83, %dma_wait3A_84] : memref<20000x64xf32, #tpu.memory_space<hbm>> -> memref<20000x64xf32, #tpu.memory_space<hbm>>
      tpu.wait_indirect_dma semaphore(%arg15 : memref<!tpu.dma_semaphore, #tpu.memory_space<semaphore_mem>>) src(%dma_wait3A_85 : memref<20000x64xf32, #tpu.memory_space<hbm>>) dst(%arg9 : memref<80x64xf32, #tpu.memory_space<vmem>>)
      "tpu.region"() ({
        %run_scoped3A = tpu.sem_alloc : memref<!tpu.dma_semaphore, #tpu.memory_space<semaphore_mem>>
        %dma_start3A_158 = arith.constant 0 : i32
        %dma_start3A_159 = tpu.memref_slice %arg8[%add3A_80, %dma_start3A_158] : memref<250x80xi32, #tpu.memory_space<vmem>> -> memref<1x80xi32, #tpu.memory_space<vmem>>
        %dma_start3A_160 = tpu.memref_squeeze %dma_start3A_159 : memref<1x80xi32, #tpu.memory_space<vmem>> -> memref<80xi32, #tpu.memory_space<vmem>>
        %dma_start3A_161 = arith.constant 0 : i32
        %dma_start3A_162 = arith.constant 0 : i32
        %dma_start3A_163 = tpu.memref_slice %arg14[%dma_start3A_161, %dma_start3A_162] : memref<10000x64xf32, #tpu.memory_space<vmem_shared>> -> memref<10000x64xf32, #tpu.memory_space<vmem_shared>>
        tpu.enqueue_indirect_dma source(%arg9 : memref<80x64xf32, #tpu.memory_space<vmem>>) target(%dma_start3A_163 : memref<10000x64xf32, #tpu.memory_space<vmem_shared>>) offsets(%dma_start3A_160 : memref<80xi32, #tpu.memory_space<vmem>>) semaphore(%run_scoped3A : memref<!tpu.dma_semaphore, #tpu.memory_space<semaphore_mem>>) {add = true}
        %dma_wait3A_164 = arith.constant 0 : i32
        %dma_wait3A_165 = tpu.memref_slice %arg8[%add3A_80, %dma_wait3A_164] : memref<250x80xi32, #tpu.memory_space<vmem>> -> memref<1x80xi32, #tpu.memory_space<vmem>>
        %dma_wait3A_166 = tpu.memref_squeeze %dma_wait3A_165 : memref<1x80xi32, #tpu.memory_space<vmem>> -> memref<80xi32, #tpu.memory_space<vmem>>
        %dma_wait3A_167 = arith.constant 0 : i32
        %dma_wait3A_168 = arith.constant 0 : i32
        %dma_wait3A_169 = tpu.memref_slice %arg14[%dma_wait3A_167, %dma_wait3A_168] : memref<10000x64xf32, #tpu.memory_space<vmem_shared>> -> memref<10000x64xf32, #tpu.memory_space<vmem_shared>>
        tpu.wait_indirect_dma semaphore(%run_scoped3A : memref<!tpu.dma_semaphore, #tpu.memory_space<semaphore_mem>>) src(%arg9 : memref<80x64xf32, #tpu.memory_space<vmem>>) dst(%dma_wait3A_169 : memref<10000x64xf32, #tpu.memory_space<vmem_shared>>)
        tpu.yield
      }) : () -> ()
      %add3A_86 = arith.constant 5 : i32
      %add3A_87 = arith.addi %add3A_80, %add3A_86 : i32
      %lt3A = arith.constant 250 : i32
      %lt3A_88 = arith.cmpi slt, %add3A_87, %lt3A : i32
      %convert_element_type3A = arith.extui %lt3A_88 : i1 to i32
      %cond3A = arith.constant 0 : i32
      %cond3A_89 = arith.cmpi ne, %convert_element_type3A, %cond3A : i32
      scf.if %cond3A_89 {
        %dma_start3A_158 = arith.constant 0 : i32
        %dma_start3A_159 = tpu.memref_slice %arg7[%add3A_87, %dma_start3A_158] : memref<250x80xi32, #tpu.memory_space<vmem>> -> memref<1x80xi32, #tpu.memory_space<vmem>>
        %dma_start3A_160 = tpu.memref_squeeze %dma_start3A_159 : memref<1x80xi32, #tpu.memory_space<vmem>> -> memref<80xi32, #tpu.memory_space<vmem>>
        %dma_start3A_161 = arith.constant 0 : i32
        %dma_start3A_162 = arith.constant 0 : i32
        %dma_start3A_163 = tpu.memref_slice %arg2[%dma_start3A_161, %dma_start3A_162] : memref<20000x64xf32, #tpu.memory_space<hbm>> -> memref<20000x64xf32, #tpu.memory_space<hbm>>
        tpu.enqueue_indirect_dma source(%dma_start3A_163 : memref<20000x64xf32, #tpu.memory_space<hbm>>) target(%arg9 : memref<80x64xf32, #tpu.memory_space<vmem>>) offsets(%dma_start3A_160 : memref<80xi32, #tpu.memory_space<vmem>>) semaphore(%arg15 : memref<!tpu.dma_semaphore, #tpu.memory_space<semaphore_mem>>)
      } else {
      }
      %mul3A_90 = arith.constant 5 : i32
      %mul3A_91 = arith.muli %scan3A_76, %mul3A_90 : i32
      %add3A_92 = arith.constant 1 : i32
      %add3A_93 = arith.addi %mul3A_91, %add3A_92 : i32
      %dma_wait3A_94 = arith.constant 0 : i32
      %dma_wait3A_95 = tpu.memref_slice %arg7[%add3A_93, %dma_wait3A_94] : memref<250x80xi32, #tpu.memory_space<vmem>> -> memref<1x80xi32, #tpu.memory_space<vmem>>
      %dma_wait3A_96 = tpu.memref_squeeze %dma_wait3A_95 : memref<1x80xi32, #tpu.memory_space<vmem>> -> memref<80xi32, #tpu.memory_space<vmem>>
      %dma_wait3A_97 = arith.constant 0 : i32
      %dma_wait3A_98 = arith.constant 0 : i32
      %dma_wait3A_99 = tpu.memref_slice %arg2[%dma_wait3A_97, %dma_wait3A_98] : memref<20000x64xf32, #tpu.memory_space<hbm>> -> memref<20000x64xf32, #tpu.memory_space<hbm>>
      tpu.wait_indirect_dma semaphore(%arg16 : memref<!tpu.dma_semaphore, #tpu.memory_space<semaphore_mem>>) src(%dma_wait3A_99 : memref<20000x64xf32, #tpu.memory_space<hbm>>) dst(%arg10 : memref<80x64xf32, #tpu.memory_space<vmem>>)
      "tpu.region"() ({
        %run_scoped3A = tpu.sem_alloc : memref<!tpu.dma_semaphore, #tpu.memory_space<semaphore_mem>>
        %dma_start3A_158 = arith.constant 0 : i32
        %dma_start3A_159 = tpu.memref_slice %arg8[%add3A_93, %dma_start3A_158] : memref<250x80xi32, #tpu.memory_space<vmem>> -> memref<1x80xi32, #tpu.memory_space<vmem>>
        %dma_start3A_160 = tpu.memref_squeeze %dma_start3A_159 : memref<1x80xi32, #tpu.memory_space<vmem>> -> memref<80xi32, #tpu.memory_space<vmem>>
        %dma_start3A_161 = arith.constant 0 : i32
        %dma_start3A_162 = arith.constant 0 : i32
        %dma_start3A_163 = tpu.memref_slice %arg14[%dma_start3A_161, %dma_start3A_162] : memref<10000x64xf32, #tpu.memory_space<vmem_shared>> -> memref<10000x64xf32, #tpu.memory_space<vmem_shared>>
        tpu.enqueue_indirect_dma source(%arg10 : memref<80x64xf32, #tpu.memory_space<vmem>>) target(%dma_start3A_163 : memref<10000x64xf32, #tpu.memory_space<vmem_shared>>) offsets(%dma_start3A_160 : memref<80xi32, #tpu.memory_space<vmem>>) semaphore(%run_scoped3A : memref<!tpu.dma_semaphore, #tpu.memory_space<semaphore_mem>>) {add = true}
        %dma_wait3A_164 = arith.constant 0 : i32
        %dma_wait3A_165 = tpu.memref_slice %arg8[%add3A_93, %dma_wait3A_164] : memref<250x80xi32, #tpu.memory_space<vmem>> -> memref<1x80xi32, #tpu.memory_space<vmem>>
        %dma_wait3A_166 = tpu.memref_squeeze %dma_wait3A_165 : memref<1x80xi32, #tpu.memory_space<vmem>> -> memref<80xi32, #tpu.memory_space<vmem>>
        %dma_wait3A_167 = arith.constant 0 : i32
        %dma_wait3A_168 = arith.constant 0 : i32
        %dma_wait3A_169 = tpu.memref_slice %arg14[%dma_wait3A_167, %dma_wait3A_168] : memref<10000x64xf32, #tpu.memory_space<vmem_shared>> -> memref<10000x64xf32, #tpu.memory_space<vmem_shared>>
        tpu.wait_indirect_dma semaphore(%run_scoped3A : memref<!tpu.dma_semaphore, #tpu.memory_space<semaphore_mem>>) src(%arg10 : memref<80x64xf32, #tpu.memory_space<vmem>>) dst(%dma_wait3A_169 : memref<10000x64xf32, #tpu.memory_space<vmem_shared>>)
        tpu.yield
      }) : () -> ()
      %add3A_100 = arith.constant 5 : i32
      %add3A_101 = arith.addi %add3A_93, %add3A_100 : i32
      %lt3A_102 = arith.constant 250 : i32
      %lt3A_103 = arith.cmpi slt, %add3A_101, %lt3A_102 : i32
      %convert_element_type3A_104 = arith.extui %lt3A_103 : i1 to i32
      %cond3A_105 = arith.constant 0 : i32
      %cond3A_106 = arith.cmpi ne, %convert_element_type3A_104, %cond3A_105 : i32
      scf.if %cond3A_106 {
        %dma_start3A_158 = arith.constant 0 : i32
        %dma_start3A_159 = tpu.memref_slice %arg7[%add3A_101, %dma_start3A_158] : memref<250x80xi32, #tpu.memory_space<vmem>> -> memref<1x80xi32, #tpu.memory_space<vmem>>
        %dma_start3A_160 = tpu.memref_squeeze %dma_start3A_159 : memref<1x80xi32, #tpu.memory_space<vmem>> -> memref<80xi32, #tpu.memory_space<vmem>>
        %dma_start3A_161 = arith.constant 0 : i32
        %dma_start3A_162 = arith.constant 0 : i32
        %dma_start3A_163 = tpu.memref_slice %arg2[%dma_start3A_161, %dma_start3A_162] : memref<20000x64xf32, #tpu.memory_space<hbm>> -> memref<20000x64xf32, #tpu.memory_space<hbm>>
        tpu.enqueue_indirect_dma source(%dma_start3A_163 : memref<20000x64xf32, #tpu.memory_space<hbm>>) target(%arg10 : memref<80x64xf32, #tpu.memory_space<vmem>>) offsets(%dma_start3A_160 : memref<80xi32, #tpu.memory_space<vmem>>) semaphore(%arg16 : memref<!tpu.dma_semaphore, #tpu.memory_space<semaphore_mem>>)
      } else {
      }
      %mul3A_107 = arith.constant 5 : i32
      %mul3A_108 = arith.muli %scan3A_76, %mul3A_107 : i32
      %add3A_109 = arith.constant 2 : i32
      %add3A_110 = arith.addi %mul3A_108, %add3A_109 : i32
      %dma_wait3A_111 = arith.constant 0 : i32
      %dma_wait3A_112 = tpu.memref_slice %arg7[%add3A_110, %dma_wait3A_111] : memref<250x80xi32, #tpu.memory_space<vmem>> -> memref<1x80xi32, #tpu.memory_space<vmem>>
      %dma_wait3A_113 = tpu.memref_squeeze %dma_wait3A_112 : memref<1x80xi32, #tpu.memory_space<vmem>> -> memref<80xi32, #tpu.memory_space<vmem>>
      %dma_wait3A_114 = arith.constant 0 : i32
      %dma_wait3A_115 = arith.constant 0 : i32
      %dma_wait3A_116 = tpu.memref_slice %arg2[%dma_wait3A_114, %dma_wait3A_115] : memref<20000x64xf32, #tpu.memory_space<hbm>> -> memref<20000x64xf32, #tpu.memory_space<hbm>>
      tpu.wait_indirect_dma semaphore(%arg17 : memref<!tpu.dma_semaphore, #tpu.memory_space<semaphore_mem>>) src(%dma_wait3A_116 : memref<20000x64xf32, #tpu.memory_space<hbm>>) dst(%arg11 : memref<80x64xf32, #tpu.memory_space<vmem>>)
      "tpu.region"() ({
        %run_scoped3A = tpu.sem_alloc : memref<!tpu.dma_semaphore, #tpu.memory_space<semaphore_mem>>
        %dma_start3A_158 = arith.constant 0 : i32
        %dma_start3A_159 = tpu.memref_slice %arg8[%add3A_110, %dma_start3A_158] : memref<250x80xi32, #tpu.memory_space<vmem>> -> memref<1x80xi32, #tpu.memory_space<vmem>>
        %dma_start3A_160 = tpu.memref_squeeze %dma_start3A_159 : memref<1x80xi32, #tpu.memory_space<vmem>> -> memref<80xi32, #tpu.memory_space<vmem>>
        %dma_start3A_161 = arith.constant 0 : i32
        %dma_start3A_162 = arith.constant 0 : i32
        %dma_start3A_163 = tpu.memref_slice %arg14[%dma_start3A_161, %dma_start3A_162] : memref<10000x64xf32, #tpu.memory_space<vmem_shared>> -> memref<10000x64xf32, #tpu.memory_space<vmem_shared>>
        tpu.enqueue_indirect_dma source(%arg11 : memref<80x64xf32, #tpu.memory_space<vmem>>) target(%dma_start3A_163 : memref<10000x64xf32, #tpu.memory_space<vmem_shared>>) offsets(%dma_start3A_160 : memref<80xi32, #tpu.memory_space<vmem>>) semaphore(%run_scoped3A : memref<!tpu.dma_semaphore, #tpu.memory_space<semaphore_mem>>) {add = true}
        %dma_wait3A_164 = arith.constant 0 : i32
        %dma_wait3A_165 = tpu.memref_slice %arg8[%add3A_110, %dma_wait3A_164] : memref<250x80xi32, #tpu.memory_space<vmem>> -> memref<1x80xi32, #tpu.memory_space<vmem>>
        %dma_wait3A_166 = tpu.memref_squeeze %dma_wait3A_165 : memref<1x80xi32, #tpu.memory_space<vmem>> -> memref<80xi32, #tpu.memory_space<vmem>>
        %dma_wait3A_167 = arith.constant 0 : i32
        %dma_wait3A_168 = arith.constant 0 : i32
        %dma_wait3A_169 = tpu.memref_slice %arg14[%dma_wait3A_167, %dma_wait3A_168] : memref<10000x64xf32, #tpu.memory_space<vmem_shared>> -> memref<10000x64xf32, #tpu.memory_space<vmem_shared>>
        tpu.wait_indirect_dma semaphore(%run_scoped3A : memref<!tpu.dma_semaphore, #tpu.memory_space<semaphore_mem>>) src(%arg11 : memref<80x64xf32, #tpu.memory_space<vmem>>) dst(%dma_wait3A_169 : memref<10000x64xf32, #tpu.memory_space<vmem_shared>>)
        tpu.yield
      }) : () -> ()
      %add3A_117 = arith.constant 5 : i32
      %add3A_118 = arith.addi %add3A_110, %add3A_117 : i32
      %lt3A_119 = arith.constant 250 : i32
      %lt3A_120 = arith.cmpi slt, %add3A_118, %lt3A_119 : i32
      %convert_element_type3A_121 = arith.extui %lt3A_120 : i1 to i32
      %cond3A_122 = arith.constant 0 : i32
      %cond3A_123 = arith.cmpi ne, %convert_element_type3A_121, %cond3A_122 : i32
      scf.if %cond3A_123 {
        %dma_start3A_158 = arith.constant 0 : i32
        %dma_start3A_159 = tpu.memref_slice %arg7[%add3A_118, %dma_start3A_158] : memref<250x80xi32, #tpu.memory_space<vmem>> -> memref<1x80xi32, #tpu.memory_space<vmem>>
        %dma_start3A_160 = tpu.memref_squeeze %dma_start3A_159 : memref<1x80xi32, #tpu.memory_space<vmem>> -> memref<80xi32, #tpu.memory_space<vmem>>
        %dma_start3A_161 = arith.constant 0 : i32
        %dma_start3A_162 = arith.constant 0 : i32
        %dma_start3A_163 = tpu.memref_slice %arg2[%dma_start3A_161, %dma_start3A_162] : memref<20000x64xf32, #tpu.memory_space<hbm>> -> memref<20000x64xf32, #tpu.memory_space<hbm>>
        tpu.enqueue_indirect_dma source(%dma_start3A_163 : memref<20000x64xf32, #tpu.memory_space<hbm>>) target(%arg11 : memref<80x64xf32, #tpu.memory_space<vmem>>) offsets(%dma_start3A_160 : memref<80xi32, #tpu.memory_space<vmem>>) semaphore(%arg17 : memref<!tpu.dma_semaphore, #tpu.memory_space<semaphore_mem>>)
      } else {
      }
      %mul3A_124 = arith.constant 5 : i32
      %mul3A_125 = arith.muli %scan3A_76, %mul3A_124 : i32
      %add3A_126 = arith.constant 3 : i32
      %add3A_127 = arith.addi %mul3A_125, %add3A_126 : i32
      %dma_wait3A_128 = arith.constant 0 : i32
      %dma_wait3A_129 = tpu.memref_slice %arg7[%add3A_127, %dma_wait3A_128] : memref<250x80xi32, #tpu.memory_space<vmem>> -> memref<1x80xi32, #tpu.memory_space<vmem>>
      %dma_wait3A_130 = tpu.memref_squeeze %dma_wait3A_129 : memref<1x80xi32, #tpu.memory_space<vmem>> -> memref<80xi32, #tpu.memory_space<vmem>>
      %dma_wait3A_131 = arith.constant 0 : i32
      %dma_wait3A_132 = arith.constant 0 : i32
      %dma_wait3A_133 = tpu.memref_slice %arg2[%dma_wait3A_131, %dma_wait3A_132] : memref<20000x64xf32, #tpu.memory_space<hbm>> -> memref<20000x64xf32, #tpu.memory_space<hbm>>
      tpu.wait_indirect_dma semaphore(%arg18 : memref<!tpu.dma_semaphore, #tpu.memory_space<semaphore_mem>>) src(%dma_wait3A_133 : memref<20000x64xf32, #tpu.memory_space<hbm>>) dst(%arg12 : memref<80x64xf32, #tpu.memory_space<vmem>>)
      "tpu.region"() ({
        %run_scoped3A = tpu.sem_alloc : memref<!tpu.dma_semaphore, #tpu.memory_space<semaphore_mem>>
        %dma_start3A_158 = arith.constant 0 : i32
        %dma_start3A_159 = tpu.memref_slice %arg8[%add3A_127, %dma_start3A_158] : memref<250x80xi32, #tpu.memory_space<vmem>> -> memref<1x80xi32, #tpu.memory_space<vmem>>
        %dma_start3A_160 = tpu.memref_squeeze %dma_start3A_159 : memref<1x80xi32, #tpu.memory_space<vmem>> -> memref<80xi32, #tpu.memory_space<vmem>>
        %dma_start3A_161 = arith.constant 0 : i32
        %dma_start3A_162 = arith.constant 0 : i32
        %dma_start3A_163 = tpu.memref_slice %arg14[%dma_start3A_161, %dma_start3A_162] : memref<10000x64xf32, #tpu.memory_space<vmem_shared>> -> memref<10000x64xf32, #tpu.memory_space<vmem_shared>>
        tpu.enqueue_indirect_dma source(%arg12 : memref<80x64xf32, #tpu.memory_space<vmem>>) target(%dma_start3A_163 : memref<10000x64xf32, #tpu.memory_space<vmem_shared>>) offsets(%dma_start3A_160 : memref<80xi32, #tpu.memory_space<vmem>>) semaphore(%run_scoped3A : memref<!tpu.dma_semaphore, #tpu.memory_space<semaphore_mem>>) {add = true}
        %dma_wait3A_164 = arith.constant 0 : i32
        %dma_wait3A_165 = tpu.memref_slice %arg8[%add3A_127, %dma_wait3A_164] : memref<250x80xi32, #tpu.memory_space<vmem>> -> memref<1x80xi32, #tpu.memory_space<vmem>>
        %dma_wait3A_166 = tpu.memref_squeeze %dma_wait3A_165 : memref<1x80xi32, #tpu.memory_space<vmem>> -> memref<80xi32, #tpu.memory_space<vmem>>
        %dma_wait3A_167 = arith.constant 0 : i32
        %dma_wait3A_168 = arith.constant 0 : i32
        %dma_wait3A_169 = tpu.memref_slice %arg14[%dma_wait3A_167, %dma_wait3A_168] : memref<10000x64xf32, #tpu.memory_space<vmem_shared>> -> memref<10000x64xf32, #tpu.memory_space<vmem_shared>>
        tpu.wait_indirect_dma semaphore(%run_scoped3A : memref<!tpu.dma_semaphore, #tpu.memory_space<semaphore_mem>>) src(%arg12 : memref<80x64xf32, #tpu.memory_space<vmem>>) dst(%dma_wait3A_169 : memref<10000x64xf32, #tpu.memory_space<vmem_shared>>)
        tpu.yield
      }) : () -> ()
      %add3A_134 = arith.constant 5 : i32
      %add3A_135 = arith.addi %add3A_127, %add3A_134 : i32
      %lt3A_136 = arith.constant 250 : i32
      %lt3A_137 = arith.cmpi slt, %add3A_135, %lt3A_136 : i32
      %convert_element_type3A_138 = arith.extui %lt3A_137 : i1 to i32
      %cond3A_139 = arith.constant 0 : i32
      %cond3A_140 = arith.cmpi ne, %convert_element_type3A_138, %cond3A_139 : i32
      scf.if %cond3A_140 {
        %dma_start3A_158 = arith.constant 0 : i32
        %dma_start3A_159 = tpu.memref_slice %arg7[%add3A_135, %dma_start3A_158] : memref<250x80xi32, #tpu.memory_space<vmem>> -> memref<1x80xi32, #tpu.memory_space<vmem>>
        %dma_start3A_160 = tpu.memref_squeeze %dma_start3A_159 : memref<1x80xi32, #tpu.memory_space<vmem>> -> memref<80xi32, #tpu.memory_space<vmem>>
        %dma_start3A_161 = arith.constant 0 : i32
        %dma_start3A_162 = arith.constant 0 : i32
        %dma_start3A_163 = tpu.memref_slice %arg2[%dma_start3A_161, %dma_start3A_162] : memref<20000x64xf32, #tpu.memory_space<hbm>> -> memref<20000x64xf32, #tpu.memory_space<hbm>>
        tpu.enqueue_indirect_dma source(%dma_start3A_163 : memref<20000x64xf32, #tpu.memory_space<hbm>>) target(%arg12 : memref<80x64xf32, #tpu.memory_space<vmem>>) offsets(%dma_start3A_160 : memref<80xi32, #tpu.memory_space<vmem>>) semaphore(%arg18 : memref<!tpu.dma_semaphore, #tpu.memory_space<semaphore_mem>>)
      } else {
      }
      %mul3A_141 = arith.constant 5 : i32
      %mul3A_142 = arith.muli %scan3A_76, %mul3A_141 : i32
      %add3A_143 = arith.constant 4 : i32
      %add3A_144 = arith.addi %mul3A_142, %add3A_143 : i32
      %dma_wait3A_145 = arith.constant 0 : i32
      %dma_wait3A_146 = tpu.memref_slice %arg7[%add3A_144, %dma_wait3A_145] : memref<250x80xi32, #tpu.memory_space<vmem>> -> memref<1x80xi32, #tpu.memory_space<vmem>>
      %dma_wait3A_147 = tpu.memref_squeeze %dma_wait3A_146 : memref<1x80xi32, #tpu.memory_space<vmem>> -> memref<80xi32, #tpu.memory_space<vmem>>
      %dma_wait3A_148 = arith.constant 0 : i32
      %dma_wait3A_149 = arith.constant 0 : i32
      %dma_wait3A_150 = tpu.memref_slice %arg2[%dma_wait3A_148, %dma_wait3A_149] : memref<20000x64xf32, #tpu.memory_space<hbm>> -> memref<20000x64xf32, #tpu.memory_space<hbm>>
      tpu.wait_indirect_dma semaphore(%arg19 : memref<!tpu.dma_semaphore, #tpu.memory_space<semaphore_mem>>) src(%dma_wait3A_150 : memref<20000x64xf32, #tpu.memory_space<hbm>>) dst(%arg13 : memref<80x64xf32, #tpu.memory_space<vmem>>)
      "tpu.region"() ({
        %run_scoped3A = tpu.sem_alloc : memref<!tpu.dma_semaphore, #tpu.memory_space<semaphore_mem>>
        %dma_start3A_158 = arith.constant 0 : i32
        %dma_start3A_159 = tpu.memref_slice %arg8[%add3A_144, %dma_start3A_158] : memref<250x80xi32, #tpu.memory_space<vmem>> -> memref<1x80xi32, #tpu.memory_space<vmem>>
        %dma_start3A_160 = tpu.memref_squeeze %dma_start3A_159 : memref<1x80xi32, #tpu.memory_space<vmem>> -> memref<80xi32, #tpu.memory_space<vmem>>
        %dma_start3A_161 = arith.constant 0 : i32
        %dma_start3A_162 = arith.constant 0 : i32
        %dma_start3A_163 = tpu.memref_slice %arg14[%dma_start3A_161, %dma_start3A_162] : memref<10000x64xf32, #tpu.memory_space<vmem_shared>> -> memref<10000x64xf32, #tpu.memory_space<vmem_shared>>
        tpu.enqueue_indirect_dma source(%arg13 : memref<80x64xf32, #tpu.memory_space<vmem>>) target(%dma_start3A_163 : memref<10000x64xf32, #tpu.memory_space<vmem_shared>>) offsets(%dma_start3A_160 : memref<80xi32, #tpu.memory_space<vmem>>) semaphore(%run_scoped3A : memref<!tpu.dma_semaphore, #tpu.memory_space<semaphore_mem>>) {add = true}
        %dma_wait3A_164 = arith.constant 0 : i32
        %dma_wait3A_165 = tpu.memref_slice %arg8[%add3A_144, %dma_wait3A_164] : memref<250x80xi32, #tpu.memory_space<vmem>> -> memref<1x80xi32, #tpu.memory_space<vmem>>
        %dma_wait3A_166 = tpu.memref_squeeze %dma_wait3A_165 : memref<1x80xi32, #tpu.memory_space<vmem>> -> memref<80xi32, #tpu.memory_space<vmem>>
        %dma_wait3A_167 = arith.constant 0 : i32
        %dma_wait3A_168 = arith.constant 0 : i32
        %dma_wait3A_169 = tpu.memref_slice %arg14[%dma_wait3A_167, %dma_wait3A_168] : memref<10000x64xf32, #tpu.memory_space<vmem_shared>> -> memref<10000x64xf32, #tpu.memory_space<vmem_shared>>
        tpu.wait_indirect_dma semaphore(%run_scoped3A : memref<!tpu.dma_semaphore, #tpu.memory_space<semaphore_mem>>) src(%arg13 : memref<80x64xf32, #tpu.memory_space<vmem>>) dst(%dma_wait3A_169 : memref<10000x64xf32, #tpu.memory_space<vmem_shared>>)
        tpu.yield
      }) : () -> ()
      %add3A_151 = arith.constant 5 : i32
      %add3A_152 = arith.addi %add3A_144, %add3A_151 : i32
      %lt3A_153 = arith.constant 250 : i32
      %lt3A_154 = arith.cmpi slt, %add3A_152, %lt3A_153 : i32
      %convert_element_type3A_155 = arith.extui %lt3A_154 : i1 to i32
      %cond3A_156 = arith.constant 0 : i32
      %cond3A_157 = arith.cmpi ne, %convert_element_type3A_155, %cond3A_156 : i32
      scf.if %cond3A_157 {
        %dma_start3A_158 = arith.constant 0 : i32
        %dma_start3A_159 = tpu.memref_slice %arg7[%add3A_152, %dma_start3A_158] : memref<250x80xi32, #tpu.memory_space<vmem>> -> memref<1x80xi32, #tpu.memory_space<vmem>>
        %dma_start3A_160 = tpu.memref_squeeze %dma_start3A_159 : memref<1x80xi32, #tpu.memory_space<vmem>> -> memref<80xi32, #tpu.memory_space<vmem>>
        %dma_start3A_161 = arith.constant 0 : i32
        %dma_start3A_162 = arith.constant 0 : i32
        %dma_start3A_163 = tpu.memref_slice %arg2[%dma_start3A_161, %dma_start3A_162] : memref<20000x64xf32, #tpu.memory_space<hbm>> -> memref<20000x64xf32, #tpu.memory_space<hbm>>
        tpu.enqueue_indirect_dma source(%dma_start3A_163 : memref<20000x64xf32, #tpu.memory_space<hbm>>) target(%arg13 : memref<80x64xf32, #tpu.memory_space<vmem>>) offsets(%dma_start3A_160 : memref<80xi32, #tpu.memory_space<vmem>>) semaphore(%arg19 : memref<!tpu.dma_semaphore, #tpu.memory_space<semaphore_mem>>)
      } else {
      }
    }
    %scan3A_51 = arith.constant 50 : i32
    %barrier3A_52 = arith.constant 0 : index
    tpu.barrier barrier_id(%barrier3A_52)
    %mul3A_53 = arith.constant 10000 : i32
    %mul3A_54 = arith.muli %arg0, %mul3A_53 : i32
    %add3A_55 = arith.addi %mul3A_54, %mul3A_2 : i32
    %add3A_56 = arith.constant 0 : i32
    %add3A_57 = arith.addi %mul3A_2, %add3A_56 : i32
    %add3A_58 = arith.constant 0 : i32
    %add3A_59 = arith.addi %add3A_55, %add3A_58 : i32
    "tpu.region"() ({
      %run_scoped3A = tpu.sem_alloc : memref<!tpu.dma_semaphore, #tpu.memory_space<semaphore_mem>>
      %dma_start3A_76 = arith.constant 0 : i32
      %dma_start3A_77 = tpu.memref_slice %arg6[%add3A_59, %dma_start3A_76] : memref<20000x64xf32, #tpu.memory_space<hbm>> -> memref<125x64xf32, #tpu.memory_space<hbm>>
      %dma_start3A_78 = arith.constant 0 : i32
      %dma_start3A_79 = tpu.memref_slice %arg14[%add3A_57, %dma_start3A_78] : memref<10000x64xf32, #tpu.memory_space<vmem_shared>> -> memref<125x64xf32, #tpu.memory_space<vmem_shared>>
      tpu.enqueue_dma source(%dma_start3A_79 : memref<125x64xf32, #tpu.memory_space<vmem_shared>>) target(%dma_start3A_77 : memref<125x64xf32, #tpu.memory_space<hbm>>) target_semaphore(%run_scoped3A : memref<!tpu.dma_semaphore, #tpu.memory_space<semaphore_mem>>)
      %dma_wait3A = arith.constant 0 : i32
      %dma_wait3A_80 = tpu.memref_slice %arg6[%add3A_59, %dma_wait3A] : memref<20000x64xf32, #tpu.memory_space<hbm>> -> memref<125x64xf32, #tpu.memory_space<hbm>>
      %dma_wait3A_81 = arith.constant 0 : i32
      %dma_wait3A_82 = tpu.memref_slice %arg14[%add3A_57, %dma_wait3A_81] : memref<10000x64xf32, #tpu.memory_space<vmem_shared>> -> memref<125x64xf32, #tpu.memory_space<vmem_shared>>
      tpu.wait_dma2 semaphore(%run_scoped3A : memref<!tpu.dma_semaphore, #tpu.memory_space<semaphore_mem>>) src(%dma_wait3A_82 : memref<125x64xf32, #tpu.memory_space<vmem_shared>>) dst(%dma_wait3A_80 : memref<125x64xf32, #tpu.memory_space<hbm>>)
      tpu.yield
    }) : () -> ()
    %add3A_60 = arith.constant 125 : i32
    %add3A_61 = arith.addi %mul3A_2, %add3A_60 : i32
    %add3A_62 = arith.constant 125 : i32
    %add3A_63 = arith.addi %add3A_55, %add3A_62 : i32
    "tpu.region"() ({
      %run_scoped3A = tpu.sem_alloc : memref<!tpu.dma_semaphore, #tpu.memory_space<semaphore_mem>>
      %dma_start3A_76 = arith.constant 0 : i32
      %dma_start3A_77 = tpu.memref_slice %arg6[%add3A_63, %dma_start3A_76] : memref<20000x64xf32, #tpu.memory_space<hbm>> -> memref<125x64xf32, #tpu.memory_space<hbm>>
      %dma_start3A_78 = arith.constant 0 : i32
      %dma_start3A_79 = tpu.memref_slice %arg14[%add3A_61, %dma_start3A_78] : memref<10000x64xf32, #tpu.memory_space<vmem_shared>> -> memref<125x64xf32, #tpu.memory_space<vmem_shared>>
      tpu.enqueue_dma source(%dma_start3A_79 : memref<125x64xf32, #tpu.memory_space<vmem_shared>>) target(%dma_start3A_77 : memref<125x64xf32, #tpu.memory_space<hbm>>) target_semaphore(%run_scoped3A : memref<!tpu.dma_semaphore, #tpu.memory_space<semaphore_mem>>)
      %dma_wait3A = arith.constant 0 : i32
      %dma_wait3A_80 = tpu.memref_slice %arg6[%add3A_63, %dma_wait3A] : memref<20000x64xf32, #tpu.memory_space<hbm>> -> memref<125x64xf32, #tpu.memory_space<hbm>>
      %dma_wait3A_81 = arith.constant 0 : i32
      %dma_wait3A_82 = tpu.memref_slice %arg14[%add3A_61, %dma_wait3A_81] : memref<10000x64xf32, #tpu.memory_space<vmem_shared>> -> memref<125x64xf32, #tpu.memory_space<vmem_shared>>
      tpu.wait_dma2 semaphore(%run_scoped3A : memref<!tpu.dma_semaphore, #tpu.memory_space<semaphore_mem>>) src(%dma_wait3A_82 : memref<125x64xf32, #tpu.memory_space<vmem_shared>>) dst(%dma_wait3A_80 : memref<125x64xf32, #tpu.memory_space<hbm>>)
      tpu.yield
    }) : () -> ()
    %add3A_64 = arith.constant 250 : i32
    %add3A_65 = arith.addi %mul3A_2, %add3A_64 : i32
    %add3A_66 = arith.constant 250 : i32
    %add3A_67 = arith.addi %add3A_55, %add3A_66 : i32
    "tpu.region"() ({
      %run_scoped3A = tpu.sem_alloc : memref<!tpu.dma_semaphore, #tpu.memory_space<semaphore_mem>>
      %dma_start3A_76 = arith.constant 0 : i32
      %dma_start3A_77 = tpu.memref_slice %arg6[%add3A_67, %dma_start3A_76] : memref<20000x64xf32, #tpu.memory_space<hbm>> -> memref<125x64xf32, #tpu.memory_space<hbm>>
      %dma_start3A_78 = arith.constant 0 : i32
      %dma_start3A_79 = tpu.memref_slice %arg14[%add3A_65, %dma_start3A_78] : memref<10000x64xf32, #tpu.memory_space<vmem_shared>> -> memref<125x64xf32, #tpu.memory_space<vmem_shared>>
      tpu.enqueue_dma source(%dma_start3A_79 : memref<125x64xf32, #tpu.memory_space<vmem_shared>>) target(%dma_start3A_77 : memref<125x64xf32, #tpu.memory_space<hbm>>) target_semaphore(%run_scoped3A : memref<!tpu.dma_semaphore, #tpu.memory_space<semaphore_mem>>)
      %dma_wait3A = arith.constant 0 : i32
      %dma_wait3A_80 = tpu.memref_slice %arg6[%add3A_67, %dma_wait3A] : memref<20000x64xf32, #tpu.memory_space<hbm>> -> memref<125x64xf32, #tpu.memory_space<hbm>>
      %dma_wait3A_81 = arith.constant 0 : i32
      %dma_wait3A_82 = tpu.memref_slice %arg14[%add3A_65, %dma_wait3A_81] : memref<10000x64xf32, #tpu.memory_space<vmem_shared>> -> memref<125x64xf32, #tpu.memory_space<vmem_shared>>
      tpu.wait_dma2 semaphore(%run_scoped3A : memref<!tpu.dma_semaphore, #tpu.memory_space<semaphore_mem>>) src(%dma_wait3A_82 : memref<125x64xf32, #tpu.memory_space<vmem_shared>>) dst(%dma_wait3A_80 : memref<125x64xf32, #tpu.memory_space<hbm>>)
      tpu.yield
    }) : () -> ()
    %add3A_68 = arith.constant 375 : i32
    %add3A_69 = arith.addi %mul3A_2, %add3A_68 : i32
    %add3A_70 = arith.constant 375 : i32
    %add3A_71 = arith.addi %add3A_55, %add3A_70 : i32
    "tpu.region"() ({
      %run_scoped3A = tpu.sem_alloc : memref<!tpu.dma_semaphore, #tpu.memory_space<semaphore_mem>>
      %dma_start3A_76 = arith.constant 0 : i32
      %dma_start3A_77 = tpu.memref_slice %arg6[%add3A_71, %dma_start3A_76] : memref<20000x64xf32, #tpu.memory_space<hbm>> -> memref<125x64xf32, #tpu.memory_space<hbm>>
      %dma_start3A_78 = arith.constant 0 : i32
      %dma_start3A_79 = tpu.memref_slice %arg14[%add3A_69, %dma_start3A_78] : memref<10000x64xf32, #tpu.memory_space<vmem_shared>> -> memref<125x64xf32, #tpu.memory_space<vmem_shared>>
      tpu.enqueue_dma source(%dma_start3A_79 : memref<125x64xf32, #tpu.memory_space<vmem_shared>>) target(%dma_start3A_77 : memref<125x64xf32, #tpu.memory_space<hbm>>) target_semaphore(%run_scoped3A : memref<!tpu.dma_semaphore, #tpu.memory_space<semaphore_mem>>)
      %dma_wait3A = arith.constant 0 : i32
      %dma_wait3A_80 = tpu.memref_slice %arg6[%add3A_71, %dma_wait3A] : memref<20000x64xf32, #tpu.memory_space<hbm>> -> memref<125x64xf32, #tpu.memory_space<hbm>>
      %dma_wait3A_81 = arith.constant 0 : i32
      %dma_wait3A_82 = tpu.memref_slice %arg14[%add3A_69, %dma_wait3A_81] : memref<10000x64xf32, #tpu.memory_space<vmem_shared>> -> memref<125x64xf32, #tpu.memory_space<vmem_shared>>
      tpu.wait_dma2 semaphore(%run_scoped3A : memref<!tpu.dma_semaphore, #tpu.memory_space<semaphore_mem>>) src(%dma_wait3A_82 : memref<125x64xf32, #tpu.memory_space<vmem_shared>>) dst(%dma_wait3A_80 : memref<125x64xf32, #tpu.memory_space<hbm>>)
      tpu.yield
    }) : () -> ()
    %add3A_72 = arith.constant 500 : i32
    %add3A_73 = arith.addi %mul3A_2, %add3A_72 : i32
    %add3A_74 = arith.constant 500 : i32
    %add3A_75 = arith.addi %add3A_55, %add3A_74 : i32
    "tpu.region"() ({
      %run_scoped3A = tpu.sem_alloc : memref<!tpu.dma_semaphore, #tpu.memory_space<semaphore_mem>>
      %dma_start3A_76 = arith.constant 0 : i32
      %dma_start3A_77 = tpu.memref_slice %arg6[%add3A_75, %dma_start3A_76] : memref<20000x64xf32, #tpu.memory_space<hbm>> -> memref<125x64xf32, #tpu.memory_space<hbm>>
      %dma_start3A_78 = arith.constant 0 : i32
      %dma_start3A_79 = tpu.memref_slice %arg14[%add3A_73, %dma_start3A_78] : memref<10000x64xf32, #tpu.memory_space<vmem_shared>> -> memref<125x64xf32, #tpu.memory_space<vmem_shared>>
      tpu.enqueue_dma source(%dma_start3A_79 : memref<125x64xf32, #tpu.memory_space<vmem_shared>>) target(%dma_start3A_77 : memref<125x64xf32, #tpu.memory_space<hbm>>) target_semaphore(%run_scoped3A : memref<!tpu.dma_semaphore, #tpu.memory_space<semaphore_mem>>)
      %dma_wait3A = arith.constant 0 : i32
      %dma_wait3A_80 = tpu.memref_slice %arg6[%add3A_75, %dma_wait3A] : memref<20000x64xf32, #tpu.memory_space<hbm>> -> memref<125x64xf32, #tpu.memory_space<hbm>>
      %dma_wait3A_81 = arith.constant 0 : i32
      %dma_wait3A_82 = tpu.memref_slice %arg14[%add3A_73, %dma_wait3A_81] : memref<10000x64xf32, #tpu.memory_space<vmem_shared>> -> memref<125x64xf32, #tpu.memory_space<vmem_shared>>
      tpu.wait_dma2 semaphore(%run_scoped3A : memref<!tpu.dma_semaphore, #tpu.memory_space<semaphore_mem>>) src(%dma_wait3A_82 : memref<125x64xf32, #tpu.memory_space<vmem_shared>>) dst(%dma_wait3A_80 : memref<125x64xf32, #tpu.memory_space<hbm>>)
      tpu.yield
    }) : () -> ()
    return
  }
}

#map = affine_map<(d0, d1) -> (0, 0, 0)>
#map1 = affine_map<(d0, d1) -> (0, 0)>
module attributes {stable_mosaic.version = 14 : i64} {
  func.func @_sc_degree_body(%arg0: i32, %arg1: i32, %arg2: memref<32x125x80xi32, #tpu.memory_space<hbm>>, %arg3: memref<80x16xf32, #tpu.memory_space<hbm>>, %arg4: memref<125x16xf32, #tpu.memory_space<hbm>>, %arg5: memref<20000x16xf32, #tpu.memory_space<hbm>>, %arg6: memref<125x80xi32, #tpu.memory_space<vmem>>, %arg7: memref<80x16xf32, #tpu.memory_space<vmem>>, %arg8: memref<10000x16xf32, #tpu.memory_space<vmem_shared>>, %arg9: memref<!tpu.dma_semaphore, #tpu.memory_space<semaphore_mem>>) attributes {dimension_semantics = [#tpu.dimension_semantics<core_parallel>, #tpu.dimension_semantics<subcore_parallel>], iteration_bounds = array<i64: 2, 16>, scalar_prefetch = 0 : i64, scratch_operands = 4 : i64, tpu.core_type = #tpu.core_type<sc_vector_subcore>, window_params = [{transform_indices = #map}, {transform_indices = #map1}, {transform_indices = #map1}, {transform_indices = #map1}]} {
    %mul3A = arith.constant 2 : i32
    %mul3A_0 = arith.muli %arg1, %mul3A : i32
    %add3A = arith.addi %mul3A_0, %arg0 : i32
    "tpu.region"() ({
      %run_scoped3A = tpu.sem_alloc : memref<!tpu.dma_semaphore, #tpu.memory_space<semaphore_mem>>
      %dma_start3A_152 = arith.constant 0 : i32
      %dma_start3A_153 = arith.constant 0 : i32
      %dma_start3A_154 = tpu.memref_slice %arg2[%add3A, %dma_start3A_152, %dma_start3A_153] : memref<32x125x80xi32, #tpu.memory_space<hbm>> -> memref<1x125x80xi32, #tpu.memory_space<hbm>>
      %dma_start3A_155 = tpu.memref_squeeze %dma_start3A_154 : memref<1x125x80xi32, #tpu.memory_space<hbm>> -> memref<125x80xi32, #tpu.memory_space<hbm>>
      %dma_start3A_156 = arith.constant 0 : i32
      %dma_start3A_157 = arith.constant 0 : i32
      %dma_start3A_158 = tpu.memref_slice %arg2[%add3A, %dma_start3A_156, %dma_start3A_157] : memref<32x125x80xi32, #tpu.memory_space<hbm>> -> memref<1x125x80xi32, #tpu.memory_space<hbm>>
      %dma_start3A_159 = tpu.memref_squeeze %dma_start3A_158 : memref<1x125x80xi32, #tpu.memory_space<hbm>> -> memref<125x80xi32, #tpu.memory_space<hbm>>
      tpu.enqueue_dma source(%dma_start3A_159 : memref<125x80xi32, #tpu.memory_space<hbm>>) target(%arg6 : memref<125x80xi32, #tpu.memory_space<vmem>>) target_semaphore(%run_scoped3A : memref<!tpu.dma_semaphore, #tpu.memory_space<semaphore_mem>>)
      %dma_wait3A_160 = arith.constant 0 : i32
      %dma_wait3A_161 = arith.constant 0 : i32
      %dma_wait3A_162 = tpu.memref_slice %arg2[%add3A, %dma_wait3A_160, %dma_wait3A_161] : memref<32x125x80xi32, #tpu.memory_space<hbm>> -> memref<1x125x80xi32, #tpu.memory_space<hbm>>
      %dma_wait3A_163 = tpu.memref_squeeze %dma_wait3A_162 : memref<1x125x80xi32, #tpu.memory_space<hbm>> -> memref<125x80xi32, #tpu.memory_space<hbm>>
      %dma_wait3A_164 = arith.constant 0 : i32
      %dma_wait3A_165 = arith.constant 0 : i32
      %dma_wait3A_166 = tpu.memref_slice %arg2[%add3A, %dma_wait3A_164, %dma_wait3A_165] : memref<32x125x80xi32, #tpu.memory_space<hbm>> -> memref<1x125x80xi32, #tpu.memory_space<hbm>>
      %dma_wait3A_167 = tpu.memref_squeeze %dma_wait3A_166 : memref<1x125x80xi32, #tpu.memory_space<hbm>> -> memref<125x80xi32, #tpu.memory_space<hbm>>
      tpu.wait_dma2 semaphore(%run_scoped3A : memref<!tpu.dma_semaphore, #tpu.memory_space<semaphore_mem>>) src(%dma_wait3A_167 : memref<125x80xi32, #tpu.memory_space<hbm>>) dst(%arg6 : memref<125x80xi32, #tpu.memory_space<vmem>>)
      tpu.yield
    }) : () -> ()
    "tpu.region"() ({
      %run_scoped3A = tpu.sem_alloc : memref<!tpu.dma_semaphore, #tpu.memory_space<semaphore_mem>>
      tpu.enqueue_dma source(%arg3 : memref<80x16xf32, #tpu.memory_space<hbm>>) target(%arg7 : memref<80x16xf32, #tpu.memory_space<vmem>>) target_semaphore(%run_scoped3A : memref<!tpu.dma_semaphore, #tpu.memory_space<semaphore_mem>>)
      tpu.wait_dma2 semaphore(%run_scoped3A : memref<!tpu.dma_semaphore, #tpu.memory_space<semaphore_mem>>) src(%arg3 : memref<80x16xf32, #tpu.memory_space<hbm>>) dst(%arg7 : memref<80x16xf32, #tpu.memory_space<vmem>>)
      tpu.yield
    }) : () -> ()
    %mul3A_1 = arith.constant 625 : i32
    %mul3A_2 = arith.muli %arg1, %mul3A_1 : i32
    %add3A_3 = arith.constant 0 : i32
    %add3A_4 = arith.addi %mul3A_2, %add3A_3 : i32
    "tpu.region"() ({
      %run_scoped3A = tpu.sem_alloc : memref<!tpu.dma_semaphore, #tpu.memory_space<semaphore_mem>>
      %dma_start3A_152 = arith.constant 0 : i32
      %dma_start3A_153 = tpu.memref_slice %arg8[%add3A_4, %dma_start3A_152] : memref<10000x16xf32, #tpu.memory_space<vmem_shared>> -> memref<125x16xf32, #tpu.memory_space<vmem_shared>>
      tpu.enqueue_dma source(%arg4 : memref<125x16xf32, #tpu.memory_space<hbm>>) target(%dma_start3A_153 : memref<125x16xf32, #tpu.memory_space<vmem_shared>>) target_semaphore(%run_scoped3A : memref<!tpu.dma_semaphore, #tpu.memory_space<semaphore_mem>>)
      %dma_wait3A_154 = arith.constant 0 : i32
      %dma_wait3A_155 = tpu.memref_slice %arg8[%add3A_4, %dma_wait3A_154] : memref<10000x16xf32, #tpu.memory_space<vmem_shared>> -> memref<125x16xf32, #tpu.memory_space<vmem_shared>>
      tpu.wait_dma2 semaphore(%run_scoped3A : memref<!tpu.dma_semaphore, #tpu.memory_space<semaphore_mem>>) src(%arg4 : memref<125x16xf32, #tpu.memory_space<hbm>>) dst(%dma_wait3A_155 : memref<125x16xf32, #tpu.memory_space<vmem_shared>>)
      tpu.yield
    }) : () -> ()
    %add3A_5 = arith.constant 125 : i32
    %add3A_6 = arith.addi %mul3A_2, %add3A_5 : i32
    "tpu.region"() ({
      %run_scoped3A = tpu.sem_alloc : memref<!tpu.dma_semaphore, #tpu.memory_space<semaphore_mem>>
      %dma_start3A_152 = arith.constant 0 : i32
      %dma_start3A_153 = tpu.memref_slice %arg8[%add3A_6, %dma_start3A_152] : memref<10000x16xf32, #tpu.memory_space<vmem_shared>> -> memref<125x16xf32, #tpu.memory_space<vmem_shared>>
      tpu.enqueue_dma source(%arg4 : memref<125x16xf32, #tpu.memory_space<hbm>>) target(%dma_start3A_153 : memref<125x16xf32, #tpu.memory_space<vmem_shared>>) target_semaphore(%run_scoped3A : memref<!tpu.dma_semaphore, #tpu.memory_space<semaphore_mem>>)
      %dma_wait3A_154 = arith.constant 0 : i32
      %dma_wait3A_155 = tpu.memref_slice %arg8[%add3A_6, %dma_wait3A_154] : memref<10000x16xf32, #tpu.memory_space<vmem_shared>> -> memref<125x16xf32, #tpu.memory_space<vmem_shared>>
      tpu.wait_dma2 semaphore(%run_scoped3A : memref<!tpu.dma_semaphore, #tpu.memory_space<semaphore_mem>>) src(%arg4 : memref<125x16xf32, #tpu.memory_space<hbm>>) dst(%dma_wait3A_155 : memref<125x16xf32, #tpu.memory_space<vmem_shared>>)
      tpu.yield
    }) : () -> ()
    %add3A_7 = arith.constant 250 : i32
    %add3A_8 = arith.addi %mul3A_2, %add3A_7 : i32
    "tpu.region"() ({
      %run_scoped3A = tpu.sem_alloc : memref<!tpu.dma_semaphore, #tpu.memory_space<semaphore_mem>>
      %dma_start3A_152 = arith.constant 0 : i32
      %dma_start3A_153 = tpu.memref_slice %arg8[%add3A_8, %dma_start3A_152] : memref<10000x16xf32, #tpu.memory_space<vmem_shared>> -> memref<125x16xf32, #tpu.memory_space<vmem_shared>>
      tpu.enqueue_dma source(%arg4 : memref<125x16xf32, #tpu.memory_space<hbm>>) target(%dma_start3A_153 : memref<125x16xf32, #tpu.memory_space<vmem_shared>>) target_semaphore(%run_scoped3A : memref<!tpu.dma_semaphore, #tpu.memory_space<semaphore_mem>>)
      %dma_wait3A_154 = arith.constant 0 : i32
      %dma_wait3A_155 = tpu.memref_slice %arg8[%add3A_8, %dma_wait3A_154] : memref<10000x16xf32, #tpu.memory_space<vmem_shared>> -> memref<125x16xf32, #tpu.memory_space<vmem_shared>>
      tpu.wait_dma2 semaphore(%run_scoped3A : memref<!tpu.dma_semaphore, #tpu.memory_space<semaphore_mem>>) src(%arg4 : memref<125x16xf32, #tpu.memory_space<hbm>>) dst(%dma_wait3A_155 : memref<125x16xf32, #tpu.memory_space<vmem_shared>>)
      tpu.yield
    }) : () -> ()
    %add3A_9 = arith.constant 375 : i32
    %add3A_10 = arith.addi %mul3A_2, %add3A_9 : i32
    "tpu.region"() ({
      %run_scoped3A = tpu.sem_alloc : memref<!tpu.dma_semaphore, #tpu.memory_space<semaphore_mem>>
      %dma_start3A_152 = arith.constant 0 : i32
      %dma_start3A_153 = tpu.memref_slice %arg8[%add3A_10, %dma_start3A_152] : memref<10000x16xf32, #tpu.memory_space<vmem_shared>> -> memref<125x16xf32, #tpu.memory_space<vmem_shared>>
      tpu.enqueue_dma source(%arg4 : memref<125x16xf32, #tpu.memory_space<hbm>>) target(%dma_start3A_153 : memref<125x16xf32, #tpu.memory_space<vmem_shared>>) target_semaphore(%run_scoped3A : memref<!tpu.dma_semaphore, #tpu.memory_space<semaphore_mem>>)
      %dma_wait3A_154 = arith.constant 0 : i32
      %dma_wait3A_155 = tpu.memref_slice %arg8[%add3A_10, %dma_wait3A_154] : memref<10000x16xf32, #tpu.memory_space<vmem_shared>> -> memref<125x16xf32, #tpu.memory_space<vmem_shared>>
      tpu.wait_dma2 semaphore(%run_scoped3A : memref<!tpu.dma_semaphore, #tpu.memory_space<semaphore_mem>>) src(%arg4 : memref<125x16xf32, #tpu.memory_space<hbm>>) dst(%dma_wait3A_155 : memref<125x16xf32, #tpu.memory_space<vmem_shared>>)
      tpu.yield
    }) : () -> ()
    %add3A_11 = arith.constant 500 : i32
    %add3A_12 = arith.addi %mul3A_2, %add3A_11 : i32
    "tpu.region"() ({
      %run_scoped3A = tpu.sem_alloc : memref<!tpu.dma_semaphore, #tpu.memory_space<semaphore_mem>>
      %dma_start3A_152 = arith.constant 0 : i32
      %dma_start3A_153 = tpu.memref_slice %arg8[%add3A_12, %dma_start3A_152] : memref<10000x16xf32, #tpu.memory_space<vmem_shared>> -> memref<125x16xf32, #tpu.memory_space<vmem_shared>>
      tpu.enqueue_dma source(%arg4 : memref<125x16xf32, #tpu.memory_space<hbm>>) target(%dma_start3A_153 : memref<125x16xf32, #tpu.memory_space<vmem_shared>>) target_semaphore(%run_scoped3A : memref<!tpu.dma_semaphore, #tpu.memory_space<semaphore_mem>>)
      %dma_wait3A_154 = arith.constant 0 : i32
      %dma_wait3A_155 = tpu.memref_slice %arg8[%add3A_12, %dma_wait3A_154] : memref<10000x16xf32, #tpu.memory_space<vmem_shared>> -> memref<125x16xf32, #tpu.memory_space<vmem_shared>>
      tpu.wait_dma2 semaphore(%run_scoped3A : memref<!tpu.dma_semaphore, #tpu.memory_space<semaphore_mem>>) src(%arg4 : memref<125x16xf32, #tpu.memory_space<hbm>>) dst(%dma_wait3A_155 : memref<125x16xf32, #tpu.memory_space<vmem_shared>>)
      tpu.yield
    }) : () -> ()
    %barrier3A = arith.constant 0 : index
    tpu.barrier barrier_id(%barrier3A)
    %dma_start3A = arith.constant 0 : i32
    %dma_start3A_13 = arith.constant 0 : i32
    %dma_start3A_14 = tpu.memref_slice %arg6[%dma_start3A, %dma_start3A_13] : memref<125x80xi32, #tpu.memory_space<vmem>> -> memref<1x80xi32, #tpu.memory_space<vmem>>
    %dma_start3A_15 = tpu.memref_squeeze %dma_start3A_14 : memref<1x80xi32, #tpu.memory_space<vmem>> -> memref<80xi32, #tpu.memory_space<vmem>>
    %dma_start3A_16 = arith.constant 0 : i32
    %dma_start3A_17 = arith.constant 0 : i32
    %dma_start3A_18 = tpu.memref_slice %arg8[%dma_start3A_16, %dma_start3A_17] : memref<10000x16xf32, #tpu.memory_space<vmem_shared>> -> memref<10000x16xf32, #tpu.memory_space<vmem_shared>>
    tpu.enqueue_indirect_dma source(%arg7 : memref<80x16xf32, #tpu.memory_space<vmem>>) target(%dma_start3A_18 : memref<10000x16xf32, #tpu.memory_space<vmem_shared>>) offsets(%dma_start3A_15 : memref<80xi32, #tpu.memory_space<vmem>>) semaphore(%arg9 : memref<!tpu.dma_semaphore, #tpu.memory_space<semaphore_mem>>) {add = true}
    %dma_start3A_19 = arith.constant 1 : i32
    %dma_start3A_20 = arith.constant 0 : i32
    %dma_start3A_21 = tpu.memref_slice %arg6[%dma_start3A_19, %dma_start3A_20] : memref<125x80xi32, #tpu.memory_space<vmem>> -> memref<1x80xi32, #tpu.memory_space<vmem>>
    %dma_start3A_22 = tpu.memref_squeeze %dma_start3A_21 : memref<1x80xi32, #tpu.memory_space<vmem>> -> memref<80xi32, #tpu.memory_space<vmem>>
    %dma_start3A_23 = arith.constant 0 : i32
    %dma_start3A_24 = arith.constant 0 : i32
    %dma_start3A_25 = tpu.memref_slice %arg8[%dma_start3A_23, %dma_start3A_24] : memref<10000x16xf32, #tpu.memory_space<vmem_shared>> -> memref<10000x16xf32, #tpu.memory_space<vmem_shared>>
    tpu.enqueue_indirect_dma source(%arg7 : memref<80x16xf32, #tpu.memory_space<vmem>>) target(%dma_start3A_25 : memref<10000x16xf32, #tpu.memory_space<vmem_shared>>) offsets(%dma_start3A_22 : memref<80xi32, #tpu.memory_space<vmem>>) semaphore(%arg9 : memref<!tpu.dma_semaphore, #tpu.memory_space<semaphore_mem>>) {add = true}
    %dma_start3A_26 = arith.constant 2 : i32
    %dma_start3A_27 = arith.constant 0 : i32
    %dma_start3A_28 = tpu.memref_slice %arg6[%dma_start3A_26, %dma_start3A_27] : memref<125x80xi32, #tpu.memory_space<vmem>> -> memref<1x80xi32, #tpu.memory_space<vmem>>
    %dma_start3A_29 = tpu.memref_squeeze %dma_start3A_28 : memref<1x80xi32, #tpu.memory_space<vmem>> -> memref<80xi32, #tpu.memory_space<vmem>>
    %dma_start3A_30 = arith.constant 0 : i32
    %dma_start3A_31 = arith.constant 0 : i32
    %dma_start3A_32 = tpu.memref_slice %arg8[%dma_start3A_30, %dma_start3A_31] : memref<10000x16xf32, #tpu.memory_space<vmem_shared>> -> memref<10000x16xf32, #tpu.memory_space<vmem_shared>>
    tpu.enqueue_indirect_dma source(%arg7 : memref<80x16xf32, #tpu.memory_space<vmem>>) target(%dma_start3A_32 : memref<10000x16xf32, #tpu.memory_space<vmem_shared>>) offsets(%dma_start3A_29 : memref<80xi32, #tpu.memory_space<vmem>>) semaphore(%arg9 : memref<!tpu.dma_semaphore, #tpu.memory_space<semaphore_mem>>) {add = true}
    %dma_start3A_33 = arith.constant 3 : i32
    %dma_start3A_34 = arith.constant 0 : i32
    %dma_start3A_35 = tpu.memref_slice %arg6[%dma_start3A_33, %dma_start3A_34] : memref<125x80xi32, #tpu.memory_space<vmem>> -> memref<1x80xi32, #tpu.memory_space<vmem>>
    %dma_start3A_36 = tpu.memref_squeeze %dma_start3A_35 : memref<1x80xi32, #tpu.memory_space<vmem>> -> memref<80xi32, #tpu.memory_space<vmem>>
    %dma_start3A_37 = arith.constant 0 : i32
    %dma_start3A_38 = arith.constant 0 : i32
    %dma_start3A_39 = tpu.memref_slice %arg8[%dma_start3A_37, %dma_start3A_38] : memref<10000x16xf32, #tpu.memory_space<vmem_shared>> -> memref<10000x16xf32, #tpu.memory_space<vmem_shared>>
    tpu.enqueue_indirect_dma source(%arg7 : memref<80x16xf32, #tpu.memory_space<vmem>>) target(%dma_start3A_39 : memref<10000x16xf32, #tpu.memory_space<vmem_shared>>) offsets(%dma_start3A_36 : memref<80xi32, #tpu.memory_space<vmem>>) semaphore(%arg9 : memref<!tpu.dma_semaphore, #tpu.memory_space<semaphore_mem>>) {add = true}
    %dma_start3A_40 = arith.constant 4 : i32
    %dma_start3A_41 = arith.constant 0 : i32
    %dma_start3A_42 = tpu.memref_slice %arg6[%dma_start3A_40, %dma_start3A_41] : memref<125x80xi32, #tpu.memory_space<vmem>> -> memref<1x80xi32, #tpu.memory_space<vmem>>
    %dma_start3A_43 = tpu.memref_squeeze %dma_start3A_42 : memref<1x80xi32, #tpu.memory_space<vmem>> -> memref<80xi32, #tpu.memory_space<vmem>>
    %dma_start3A_44 = arith.constant 0 : i32
    %dma_start3A_45 = arith.constant 0 : i32
    %dma_start3A_46 = tpu.memref_slice %arg8[%dma_start3A_44, %dma_start3A_45] : memref<10000x16xf32, #tpu.memory_space<vmem_shared>> -> memref<10000x16xf32, #tpu.memory_space<vmem_shared>>
    tpu.enqueue_indirect_dma source(%arg7 : memref<80x16xf32, #tpu.memory_space<vmem>>) target(%dma_start3A_46 : memref<10000x16xf32, #tpu.memory_space<vmem_shared>>) offsets(%dma_start3A_43 : memref<80xi32, #tpu.memory_space<vmem>>) semaphore(%arg9 : memref<!tpu.dma_semaphore, #tpu.memory_space<semaphore_mem>>) {add = true}
    %dma_start3A_47 = arith.constant 5 : i32
    %dma_start3A_48 = arith.constant 0 : i32
    %dma_start3A_49 = tpu.memref_slice %arg6[%dma_start3A_47, %dma_start3A_48] : memref<125x80xi32, #tpu.memory_space<vmem>> -> memref<1x80xi32, #tpu.memory_space<vmem>>
    %dma_start3A_50 = tpu.memref_squeeze %dma_start3A_49 : memref<1x80xi32, #tpu.memory_space<vmem>> -> memref<80xi32, #tpu.memory_space<vmem>>
    %dma_start3A_51 = arith.constant 0 : i32
    %dma_start3A_52 = arith.constant 0 : i32
    %dma_start3A_53 = tpu.memref_slice %arg8[%dma_start3A_51, %dma_start3A_52] : memref<10000x16xf32, #tpu.memory_space<vmem_shared>> -> memref<10000x16xf32, #tpu.memory_space<vmem_shared>>
    tpu.enqueue_indirect_dma source(%arg7 : memref<80x16xf32, #tpu.memory_space<vmem>>) target(%dma_start3A_53 : memref<10000x16xf32, #tpu.memory_space<vmem_shared>>) offsets(%dma_start3A_50 : memref<80xi32, #tpu.memory_space<vmem>>) semaphore(%arg9 : memref<!tpu.dma_semaphore, #tpu.memory_space<semaphore_mem>>) {add = true}
    %dma_start3A_54 = arith.constant 6 : i32
    %dma_start3A_55 = arith.constant 0 : i32
    %dma_start3A_56 = tpu.memref_slice %arg6[%dma_start3A_54, %dma_start3A_55] : memref<125x80xi32, #tpu.memory_space<vmem>> -> memref<1x80xi32, #tpu.memory_space<vmem>>
    %dma_start3A_57 = tpu.memref_squeeze %dma_start3A_56 : memref<1x80xi32, #tpu.memory_space<vmem>> -> memref<80xi32, #tpu.memory_space<vmem>>
    %dma_start3A_58 = arith.constant 0 : i32
    %dma_start3A_59 = arith.constant 0 : i32
    %dma_start3A_60 = tpu.memref_slice %arg8[%dma_start3A_58, %dma_start3A_59] : memref<10000x16xf32, #tpu.memory_space<vmem_shared>> -> memref<10000x16xf32, #tpu.memory_space<vmem_shared>>
    tpu.enqueue_indirect_dma source(%arg7 : memref<80x16xf32, #tpu.memory_space<vmem>>) target(%dma_start3A_60 : memref<10000x16xf32, #tpu.memory_space<vmem_shared>>) offsets(%dma_start3A_57 : memref<80xi32, #tpu.memory_space<vmem>>) semaphore(%arg9 : memref<!tpu.dma_semaphore, #tpu.memory_space<semaphore_mem>>) {add = true}
    %dma_start3A_61 = arith.constant 7 : i32
    %dma_start3A_62 = arith.constant 0 : i32
    %dma_start3A_63 = tpu.memref_slice %arg6[%dma_start3A_61, %dma_start3A_62] : memref<125x80xi32, #tpu.memory_space<vmem>> -> memref<1x80xi32, #tpu.memory_space<vmem>>
    %dma_start3A_64 = tpu.memref_squeeze %dma_start3A_63 : memref<1x80xi32, #tpu.memory_space<vmem>> -> memref<80xi32, #tpu.memory_space<vmem>>
    %dma_start3A_65 = arith.constant 0 : i32
    %dma_start3A_66 = arith.constant 0 : i32
    %dma_start3A_67 = tpu.memref_slice %arg8[%dma_start3A_65, %dma_start3A_66] : memref<10000x16xf32, #tpu.memory_space<vmem_shared>> -> memref<10000x16xf32, #tpu.memory_space<vmem_shared>>
    tpu.enqueue_indirect_dma source(%arg7 : memref<80x16xf32, #tpu.memory_space<vmem>>) target(%dma_start3A_67 : memref<10000x16xf32, #tpu.memory_space<vmem_shared>>) offsets(%dma_start3A_64 : memref<80xi32, #tpu.memory_space<vmem>>) semaphore(%arg9 : memref<!tpu.dma_semaphore, #tpu.memory_space<semaphore_mem>>) {add = true}
    %scan3A = arith.constant 0 : i32
    %scan3A_68 = arith.constant 0 : i32
    %scan3A_69 = arith.constant 117 : i32
    %scan3A_70 = arith.addi %scan3A_68, %scan3A_69 : i32
    %scan3A_71 = arith.constant 1 : i32
    scf.for %scan3A_152 = %scan3A_68 to %scan3A_70 step %scan3A_71  : i32 {
      %dma_wait3A_153 = arith.constant 0 : i32
      %dma_wait3A_154 = arith.constant 0 : i32
      %dma_wait3A_155 = tpu.memref_slice %arg6[%dma_wait3A_153, %dma_wait3A_154] : memref<125x80xi32, #tpu.memory_space<vmem>> -> memref<1x80xi32, #tpu.memory_space<vmem>>
      %dma_wait3A_156 = tpu.memref_squeeze %dma_wait3A_155 : memref<1x80xi32, #tpu.memory_space<vmem>> -> memref<80xi32, #tpu.memory_space<vmem>>
      %dma_wait3A_157 = arith.constant 0 : i32
      %dma_wait3A_158 = arith.constant 0 : i32
      %dma_wait3A_159 = tpu.memref_slice %arg8[%dma_wait3A_157, %dma_wait3A_158] : memref<10000x16xf32, #tpu.memory_space<vmem_shared>> -> memref<10000x16xf32, #tpu.memory_space<vmem_shared>>
      tpu.wait_indirect_dma semaphore(%arg9 : memref<!tpu.dma_semaphore, #tpu.memory_space<semaphore_mem>>) src(%arg7 : memref<80x16xf32, #tpu.memory_space<vmem>>) dst(%dma_wait3A_159 : memref<10000x16xf32, #tpu.memory_space<vmem_shared>>)
      %add3A_160 = arith.constant 8 : i32
      %add3A_161 = arith.addi %scan3A_152, %add3A_160 : i32
      %dma_start3A_162 = arith.constant 0 : i32
      %dma_start3A_163 = tpu.memref_slice %arg6[%add3A_161, %dma_start3A_162] : memref<125x80xi32, #tpu.memory_space<vmem>> -> memref<1x80xi32, #tpu.memory_space<vmem>>
      %dma_start3A_164 = tpu.memref_squeeze %dma_start3A_163 : memref<1x80xi32, #tpu.memory_space<vmem>> -> memref<80xi32, #tpu.memory_space<vmem>>
      %dma_start3A_165 = arith.constant 0 : i32
      %dma_start3A_166 = arith.constant 0 : i32
      %dma_start3A_167 = tpu.memref_slice %arg8[%dma_start3A_165, %dma_start3A_166] : memref<10000x16xf32, #tpu.memory_space<vmem_shared>> -> memref<10000x16xf32, #tpu.memory_space<vmem_shared>>
      tpu.enqueue_indirect_dma source(%arg7 : memref<80x16xf32, #tpu.memory_space<vmem>>) target(%dma_start3A_167 : memref<10000x16xf32, #tpu.memory_space<vmem_shared>>) offsets(%dma_start3A_164 : memref<80xi32, #tpu.memory_space<vmem>>) semaphore(%arg9 : memref<!tpu.dma_semaphore, #tpu.memory_space<semaphore_mem>>) {add = true}
    }
    %scan3A_72 = arith.constant 117 : i32
    %dma_wait3A = arith.constant 0 : i32
    %dma_wait3A_73 = arith.constant 0 : i32
    %dma_wait3A_74 = tpu.memref_slice %arg6[%dma_wait3A, %dma_wait3A_73] : memref<125x80xi32, #tpu.memory_space<vmem>> -> memref<1x80xi32, #tpu.memory_space<vmem>>
    %dma_wait3A_75 = tpu.memref_squeeze %dma_wait3A_74 : memref<1x80xi32, #tpu.memory_space<vmem>> -> memref<80xi32, #tpu.memory_space<vmem>>
    %dma_wait3A_76 = arith.constant 0 : i32
    %dma_wait3A_77 = arith.constant 0 : i32
    %dma_wait3A_78 = tpu.memref_slice %arg8[%dma_wait3A_76, %dma_wait3A_77] : memref<10000x16xf32, #tpu.memory_space<vmem_shared>> -> memref<10000x16xf32, #tpu.memory_space<vmem_shared>>
    tpu.wait_indirect_dma semaphore(%arg9 : memref<!tpu.dma_semaphore, #tpu.memory_space<semaphore_mem>>) src(%arg7 : memref<80x16xf32, #tpu.memory_space<vmem>>) dst(%dma_wait3A_78 : memref<10000x16xf32, #tpu.memory_space<vmem_shared>>)
    %dma_wait3A_79 = arith.constant 0 : i32
    %dma_wait3A_80 = arith.constant 0 : i32
    %dma_wait3A_81 = tpu.memref_slice %arg6[%dma_wait3A_79, %dma_wait3A_80] : memref<125x80xi32, #tpu.memory_space<vmem>> -> memref<1x80xi32, #tpu.memory_space<vmem>>
    %dma_wait3A_82 = tpu.memref_squeeze %dma_wait3A_81 : memref<1x80xi32, #tpu.memory_space<vmem>> -> memref<80xi32, #tpu.memory_space<vmem>>
    %dma_wait3A_83 = arith.constant 0 : i32
    %dma_wait3A_84 = arith.constant 0 : i32
    %dma_wait3A_85 = tpu.memref_slice %arg8[%dma_wait3A_83, %dma_wait3A_84] : memref<10000x16xf32, #tpu.memory_space<vmem_shared>> -> memref<10000x16xf32, #tpu.memory_space<vmem_shared>>
    tpu.wait_indirect_dma semaphore(%arg9 : memref<!tpu.dma_semaphore, #tpu.memory_space<semaphore_mem>>) src(%arg7 : memref<80x16xf32, #tpu.memory_space<vmem>>) dst(%dma_wait3A_85 : memref<10000x16xf32, #tpu.memory_space<vmem_shared>>)
    %dma_wait3A_86 = arith.constant 0 : i32
    %dma_wait3A_87 = arith.constant 0 : i32
    %dma_wait3A_88 = tpu.memref_slice %arg6[%dma_wait3A_86, %dma_wait3A_87] : memref<125x80xi32, #tpu.memory_space<vmem>> -> memref<1x80xi32, #tpu.memory_space<vmem>>
    %dma_wait3A_89 = tpu.memref_squeeze %dma_wait3A_88 : memref<1x80xi32, #tpu.memory_space<vmem>> -> memref<80xi32, #tpu.memory_space<vmem>>
    %dma_wait3A_90 = arith.constant 0 : i32
    %dma_wait3A_91 = arith.constant 0 : i32
    %dma_wait3A_92 = tpu.memref_slice %arg8[%dma_wait3A_90, %dma_wait3A_91] : memref<10000x16xf32, #tpu.memory_space<vmem_shared>> -> memref<10000x16xf32, #tpu.memory_space<vmem_shared>>
    tpu.wait_indirect_dma semaphore(%arg9 : memref<!tpu.dma_semaphore, #tpu.memory_space<semaphore_mem>>) src(%arg7 : memref<80x16xf32, #tpu.memory_space<vmem>>) dst(%dma_wait3A_92 : memref<10000x16xf32, #tpu.memory_space<vmem_shared>>)
    %dma_wait3A_93 = arith.constant 0 : i32
    %dma_wait3A_94 = arith.constant 0 : i32
    %dma_wait3A_95 = tpu.memref_slice %arg6[%dma_wait3A_93, %dma_wait3A_94] : memref<125x80xi32, #tpu.memory_space<vmem>> -> memref<1x80xi32, #tpu.memory_space<vmem>>
    %dma_wait3A_96 = tpu.memref_squeeze %dma_wait3A_95 : memref<1x80xi32, #tpu.memory_space<vmem>> -> memref<80xi32, #tpu.memory_space<vmem>>
    %dma_wait3A_97 = arith.constant 0 : i32
    %dma_wait3A_98 = arith.constant 0 : i32
    %dma_wait3A_99 = tpu.memref_slice %arg8[%dma_wait3A_97, %dma_wait3A_98] : memref<10000x16xf32, #tpu.memory_space<vmem_shared>> -> memref<10000x16xf32, #tpu.memory_space<vmem_shared>>
    tpu.wait_indirect_dma semaphore(%arg9 : memref<!tpu.dma_semaphore, #tpu.memory_space<semaphore_mem>>) src(%arg7 : memref<80x16xf32, #tpu.memory_space<vmem>>) dst(%dma_wait3A_99 : memref<10000x16xf32, #tpu.memory_space<vmem_shared>>)
    %dma_wait3A_100 = arith.constant 0 : i32
    %dma_wait3A_101 = arith.constant 0 : i32
    %dma_wait3A_102 = tpu.memref_slice %arg6[%dma_wait3A_100, %dma_wait3A_101] : memref<125x80xi32, #tpu.memory_space<vmem>> -> memref<1x80xi32, #tpu.memory_space<vmem>>
    %dma_wait3A_103 = tpu.memref_squeeze %dma_wait3A_102 : memref<1x80xi32, #tpu.memory_space<vmem>> -> memref<80xi32, #tpu.memory_space<vmem>>
    %dma_wait3A_104 = arith.constant 0 : i32
    %dma_wait3A_105 = arith.constant 0 : i32
    %dma_wait3A_106 = tpu.memref_slice %arg8[%dma_wait3A_104, %dma_wait3A_105] : memref<10000x16xf32, #tpu.memory_space<vmem_shared>> -> memref<10000x16xf32, #tpu.memory_space<vmem_shared>>
    tpu.wait_indirect_dma semaphore(%arg9 : memref<!tpu.dma_semaphore, #tpu.memory_space<semaphore_mem>>) src(%arg7 : memref<80x16xf32, #tpu.memory_space<vmem>>) dst(%dma_wait3A_106 : memref<10000x16xf32, #tpu.memory_space<vmem_shared>>)
    %dma_wait3A_107 = arith.constant 0 : i32
    %dma_wait3A_108 = arith.constant 0 : i32
    %dma_wait3A_109 = tpu.memref_slice %arg6[%dma_wait3A_107, %dma_wait3A_108] : memref<125x80xi32, #tpu.memory_space<vmem>> -> memref<1x80xi32, #tpu.memory_space<vmem>>
    %dma_wait3A_110 = tpu.memref_squeeze %dma_wait3A_109 : memref<1x80xi32, #tpu.memory_space<vmem>> -> memref<80xi32, #tpu.memory_space<vmem>>
    %dma_wait3A_111 = arith.constant 0 : i32
    %dma_wait3A_112 = arith.constant 0 : i32
    %dma_wait3A_113 = tpu.memref_slice %arg8[%dma_wait3A_111, %dma_wait3A_112] : memref<10000x16xf32, #tpu.memory_space<vmem_shared>> -> memref<10000x16xf32, #tpu.memory_space<vmem_shared>>
    tpu.wait_indirect_dma semaphore(%arg9 : memref<!tpu.dma_semaphore, #tpu.memory_space<semaphore_mem>>) src(%arg7 : memref<80x16xf32, #tpu.memory_space<vmem>>) dst(%dma_wait3A_113 : memref<10000x16xf32, #tpu.memory_space<vmem_shared>>)
    %dma_wait3A_114 = arith.constant 0 : i32
    %dma_wait3A_115 = arith.constant 0 : i32
    %dma_wait3A_116 = tpu.memref_slice %arg6[%dma_wait3A_114, %dma_wait3A_115] : memref<125x80xi32, #tpu.memory_space<vmem>> -> memref<1x80xi32, #tpu.memory_space<vmem>>
    %dma_wait3A_117 = tpu.memref_squeeze %dma_wait3A_116 : memref<1x80xi32, #tpu.memory_space<vmem>> -> memref<80xi32, #tpu.memory_space<vmem>>
    %dma_wait3A_118 = arith.constant 0 : i32
    %dma_wait3A_119 = arith.constant 0 : i32
    %dma_wait3A_120 = tpu.memref_slice %arg8[%dma_wait3A_118, %dma_wait3A_119] : memref<10000x16xf32, #tpu.memory_space<vmem_shared>> -> memref<10000x16xf32, #tpu.memory_space<vmem_shared>>
    tpu.wait_indirect_dma semaphore(%arg9 : memref<!tpu.dma_semaphore, #tpu.memory_space<semaphore_mem>>) src(%arg7 : memref<80x16xf32, #tpu.memory_space<vmem>>) dst(%dma_wait3A_120 : memref<10000x16xf32, #tpu.memory_space<vmem_shared>>)
    %dma_wait3A_121 = arith.constant 0 : i32
    %dma_wait3A_122 = arith.constant 0 : i32
    %dma_wait3A_123 = tpu.memref_slice %arg6[%dma_wait3A_121, %dma_wait3A_122] : memref<125x80xi32, #tpu.memory_space<vmem>> -> memref<1x80xi32, #tpu.memory_space<vmem>>
    %dma_wait3A_124 = tpu.memref_squeeze %dma_wait3A_123 : memref<1x80xi32, #tpu.memory_space<vmem>> -> memref<80xi32, #tpu.memory_space<vmem>>
    %dma_wait3A_125 = arith.constant 0 : i32
    %dma_wait3A_126 = arith.constant 0 : i32
    %dma_wait3A_127 = tpu.memref_slice %arg8[%dma_wait3A_125, %dma_wait3A_126] : memref<10000x16xf32, #tpu.memory_space<vmem_shared>> -> memref<10000x16xf32, #tpu.memory_space<vmem_shared>>
    tpu.wait_indirect_dma semaphore(%arg9 : memref<!tpu.dma_semaphore, #tpu.memory_space<semaphore_mem>>) src(%arg7 : memref<80x16xf32, #tpu.memory_space<vmem>>) dst(%dma_wait3A_127 : memref<10000x16xf32, #tpu.memory_space<vmem_shared>>)
    %barrier3A_128 = arith.constant 0 : index
    tpu.barrier barrier_id(%barrier3A_128)
    %mul3A_129 = arith.constant 10000 : i32
    %mul3A_130 = arith.muli %arg0, %mul3A_129 : i32
    %add3A_131 = arith.addi %mul3A_130, %mul3A_2 : i32
    %add3A_132 = arith.constant 0 : i32
    %add3A_133 = arith.addi %mul3A_2, %add3A_132 : i32
    %add3A_134 = arith.constant 0 : i32
    %add3A_135 = arith.addi %add3A_131, %add3A_134 : i32
    "tpu.region"() ({
      %run_scoped3A = tpu.sem_alloc : memref<!tpu.dma_semaphore, #tpu.memory_space<semaphore_mem>>
      %dma_start3A_152 = arith.constant 0 : i32
      %dma_start3A_153 = tpu.memref_slice %arg5[%add3A_135, %dma_start3A_152] : memref<20000x16xf32, #tpu.memory_space<hbm>> -> memref<125x16xf32, #tpu.memory_space<hbm>>
      %dma_start3A_154 = arith.constant 0 : i32
      %dma_start3A_155 = tpu.memref_slice %arg8[%add3A_133, %dma_start3A_154] : memref<10000x16xf32, #tpu.memory_space<vmem_shared>> -> memref<125x16xf32, #tpu.memory_space<vmem_shared>>
      tpu.enqueue_dma source(%dma_start3A_155 : memref<125x16xf32, #tpu.memory_space<vmem_shared>>) target(%dma_start3A_153 : memref<125x16xf32, #tpu.memory_space<hbm>>) target_semaphore(%run_scoped3A : memref<!tpu.dma_semaphore, #tpu.memory_space<semaphore_mem>>)
      %dma_wait3A_156 = arith.constant 0 : i32
      %dma_wait3A_157 = tpu.memref_slice %arg5[%add3A_135, %dma_wait3A_156] : memref<20000x16xf32, #tpu.memory_space<hbm>> -> memref<125x16xf32, #tpu.memory_space<hbm>>
      %dma_wait3A_158 = arith.constant 0 : i32
      %dma_wait3A_159 = tpu.memref_slice %arg8[%add3A_133, %dma_wait3A_158] : memref<10000x16xf32, #tpu.memory_space<vmem_shared>> -> memref<125x16xf32, #tpu.memory_space<vmem_shared>>
      tpu.wait_dma2 semaphore(%run_scoped3A : memref<!tpu.dma_semaphore, #tpu.memory_space<semaphore_mem>>) src(%dma_wait3A_159 : memref<125x16xf32, #tpu.memory_space<vmem_shared>>) dst(%dma_wait3A_157 : memref<125x16xf32, #tpu.memory_space<hbm>>)
      tpu.yield
    }) : () -> ()
    %add3A_136 = arith.constant 125 : i32
    %add3A_137 = arith.addi %mul3A_2, %add3A_136 : i32
    %add3A_138 = arith.constant 125 : i32
    %add3A_139 = arith.addi %add3A_131, %add3A_138 : i32
    "tpu.region"() ({
      %run_scoped3A = tpu.sem_alloc : memref<!tpu.dma_semaphore, #tpu.memory_space<semaphore_mem>>
      %dma_start3A_152 = arith.constant 0 : i32
      %dma_start3A_153 = tpu.memref_slice %arg5[%add3A_139, %dma_start3A_152] : memref<20000x16xf32, #tpu.memory_space<hbm>> -> memref<125x16xf32, #tpu.memory_space<hbm>>
      %dma_start3A_154 = arith.constant 0 : i32
      %dma_start3A_155 = tpu.memref_slice %arg8[%add3A_137, %dma_start3A_154] : memref<10000x16xf32, #tpu.memory_space<vmem_shared>> -> memref<125x16xf32, #tpu.memory_space<vmem_shared>>
      tpu.enqueue_dma source(%dma_start3A_155 : memref<125x16xf32, #tpu.memory_space<vmem_shared>>) target(%dma_start3A_153 : memref<125x16xf32, #tpu.memory_space<hbm>>) target_semaphore(%run_scoped3A : memref<!tpu.dma_semaphore, #tpu.memory_space<semaphore_mem>>)
      %dma_wait3A_156 = arith.constant 0 : i32
      %dma_wait3A_157 = tpu.memref_slice %arg5[%add3A_139, %dma_wait3A_156] : memref<20000x16xf32, #tpu.memory_space<hbm>> -> memref<125x16xf32, #tpu.memory_space<hbm>>
      %dma_wait3A_158 = arith.constant 0 : i32
      %dma_wait3A_159 = tpu.memref_slice %arg8[%add3A_137, %dma_wait3A_158] : memref<10000x16xf32, #tpu.memory_space<vmem_shared>> -> memref<125x16xf32, #tpu.memory_space<vmem_shared>>
      tpu.wait_dma2 semaphore(%run_scoped3A : memref<!tpu.dma_semaphore, #tpu.memory_space<semaphore_mem>>) src(%dma_wait3A_159 : memref<125x16xf32, #tpu.memory_space<vmem_shared>>) dst(%dma_wait3A_157 : memref<125x16xf32, #tpu.memory_space<hbm>>)
      tpu.yield
    }) : () -> ()
    %add3A_140 = arith.constant 250 : i32
    %add3A_141 = arith.addi %mul3A_2, %add3A_140 : i32
    %add3A_142 = arith.constant 250 : i32
    %add3A_143 = arith.addi %add3A_131, %add3A_142 : i32
    "tpu.region"() ({
      %run_scoped3A = tpu.sem_alloc : memref<!tpu.dma_semaphore, #tpu.memory_space<semaphore_mem>>
      %dma_start3A_152 = arith.constant 0 : i32
      %dma_start3A_153 = tpu.memref_slice %arg5[%add3A_143, %dma_start3A_152] : memref<20000x16xf32, #tpu.memory_space<hbm>> -> memref<125x16xf32, #tpu.memory_space<hbm>>
      %dma_start3A_154 = arith.constant 0 : i32
      %dma_start3A_155 = tpu.memref_slice %arg8[%add3A_141, %dma_start3A_154] : memref<10000x16xf32, #tpu.memory_space<vmem_shared>> -> memref<125x16xf32, #tpu.memory_space<vmem_shared>>
      tpu.enqueue_dma source(%dma_start3A_155 : memref<125x16xf32, #tpu.memory_space<vmem_shared>>) target(%dma_start3A_153 : memref<125x16xf32, #tpu.memory_space<hbm>>) target_semaphore(%run_scoped3A : memref<!tpu.dma_semaphore, #tpu.memory_space<semaphore_mem>>)
      %dma_wait3A_156 = arith.constant 0 : i32
      %dma_wait3A_157 = tpu.memref_slice %arg5[%add3A_143, %dma_wait3A_156] : memref<20000x16xf32, #tpu.memory_space<hbm>> -> memref<125x16xf32, #tpu.memory_space<hbm>>
      %dma_wait3A_158 = arith.constant 0 : i32
      %dma_wait3A_159 = tpu.memref_slice %arg8[%add3A_141, %dma_wait3A_158] : memref<10000x16xf32, #tpu.memory_space<vmem_shared>> -> memref<125x16xf32, #tpu.memory_space<vmem_shared>>
      tpu.wait_dma2 semaphore(%run_scoped3A : memref<!tpu.dma_semaphore, #tpu.memory_space<semaphore_mem>>) src(%dma_wait3A_159 : memref<125x16xf32, #tpu.memory_space<vmem_shared>>) dst(%dma_wait3A_157 : memref<125x16xf32, #tpu.memory_space<hbm>>)
      tpu.yield
    }) : () -> ()
    %add3A_144 = arith.constant 375 : i32
    %add3A_145 = arith.addi %mul3A_2, %add3A_144 : i32
    %add3A_146 = arith.constant 375 : i32
    %add3A_147 = arith.addi %add3A_131, %add3A_146 : i32
    "tpu.region"() ({
      %run_scoped3A = tpu.sem_alloc : memref<!tpu.dma_semaphore, #tpu.memory_space<semaphore_mem>>
      %dma_start3A_152 = arith.constant 0 : i32
      %dma_start3A_153 = tpu.memref_slice %arg5[%add3A_147, %dma_start3A_152] : memref<20000x16xf32, #tpu.memory_space<hbm>> -> memref<125x16xf32, #tpu.memory_space<hbm>>
      %dma_start3A_154 = arith.constant 0 : i32
      %dma_start3A_155 = tpu.memref_slice %arg8[%add3A_145, %dma_start3A_154] : memref<10000x16xf32, #tpu.memory_space<vmem_shared>> -> memref<125x16xf32, #tpu.memory_space<vmem_shared>>
      tpu.enqueue_dma source(%dma_start3A_155 : memref<125x16xf32, #tpu.memory_space<vmem_shared>>) target(%dma_start3A_153 : memref<125x16xf32, #tpu.memory_space<hbm>>) target_semaphore(%run_scoped3A : memref<!tpu.dma_semaphore, #tpu.memory_space<semaphore_mem>>)
      %dma_wait3A_156 = arith.constant 0 : i32
      %dma_wait3A_157 = tpu.memref_slice %arg5[%add3A_147, %dma_wait3A_156] : memref<20000x16xf32, #tpu.memory_space<hbm>> -> memref<125x16xf32, #tpu.memory_space<hbm>>
      %dma_wait3A_158 = arith.constant 0 : i32
      %dma_wait3A_159 = tpu.memref_slice %arg8[%add3A_145, %dma_wait3A_158] : memref<10000x16xf32, #tpu.memory_space<vmem_shared>> -> memref<125x16xf32, #tpu.memory_space<vmem_shared>>
      tpu.wait_dma2 semaphore(%run_scoped3A : memref<!tpu.dma_semaphore, #tpu.memory_space<semaphore_mem>>) src(%dma_wait3A_159 : memref<125x16xf32, #tpu.memory_space<vmem_shared>>) dst(%dma_wait3A_157 : memref<125x16xf32, #tpu.memory_space<hbm>>)
      tpu.yield
    }) : () -> ()
    %add3A_148 = arith.constant 500 : i32
    %add3A_149 = arith.addi %mul3A_2, %add3A_148 : i32
    %add3A_150 = arith.constant 500 : i32
    %add3A_151 = arith.addi %add3A_131, %add3A_150 : i32
    "tpu.region"() ({
      %run_scoped3A = tpu.sem_alloc : memref<!tpu.dma_semaphore, #tpu.memory_space<semaphore_mem>>
      %dma_start3A_152 = arith.constant 0 : i32
      %dma_start3A_153 = tpu.memref_slice %arg5[%add3A_151, %dma_start3A_152] : memref<20000x16xf32, #tpu.memory_space<hbm>> -> memref<125x16xf32, #tpu.memory_space<hbm>>
      %dma_start3A_154 = arith.constant 0 : i32
      %dma_start3A_155 = tpu.memref_slice %arg8[%add3A_149, %dma_start3A_154] : memref<10000x16xf32, #tpu.memory_space<vmem_shared>> -> memref<125x16xf32, #tpu.memory_space<vmem_shared>>
      tpu.enqueue_dma source(%dma_start3A_155 : memref<125x16xf32, #tpu.memory_space<vmem_shared>>) target(%dma_start3A_153 : memref<125x16xf32, #tpu.memory_space<hbm>>) target_semaphore(%run_scoped3A : memref<!tpu.dma_semaphore, #tpu.memory_space<semaphore_mem>>)
      %dma_wait3A_156 = arith.constant 0 : i32
      %dma_wait3A_157 = tpu.memref_slice %arg5[%add3A_151, %dma_wait3A_156] : memref<20000x16xf32, #tpu.memory_space<hbm>> -> memref<125x16xf32, #tpu.memory_space<hbm>>
      %dma_wait3A_158 = arith.constant 0 : i32
      %dma_wait3A_159 = tpu.memref_slice %arg8[%add3A_149, %dma_wait3A_158] : memref<10000x16xf32, #tpu.memory_space<vmem_shared>> -> memref<125x16xf32, #tpu.memory_space<vmem_shared>>
      tpu.wait_dma2 semaphore(%run_scoped3A : memref<!tpu.dma_semaphore, #tpu.memory_space<semaphore_mem>>) src(%dma_wait3A_159 : memref<125x16xf32, #tpu.memory_space<vmem_shared>>) dst(%dma_wait3A_157 : memref<125x16xf32, #tpu.memory_space<hbm>>)
      tpu.yield
    }) : () -> ()
    return
  }
}

#map = affine_map<(d0, d1) -> (0, 0)>
#map1 = affine_map<(d0, d1) -> (0, 0, 0)>
module attributes {stable_mosaic.version = 14 : i64} {
  func.func @_sc_scatter_body(%arg0: i32, %arg1: i32, %arg2: memref<20000x64xf32, #tpu.memory_space<hbm>>, %arg3: memref<32x250x80xi32, #tpu.memory_space<hbm>>, %arg4: memref<16x250x80xi32, #tpu.memory_space<hbm>>, %arg5: memref<125x64xf32, #tpu.memory_space<hbm>>, %arg6: memref<20000x64xf32, #tpu.memory_space<hbm>>, %arg7: memref<250x80xi32, #tpu.memory_space<vmem>>, %arg8: memref<250x80xi32, #tpu.memory_space<vmem>>, %arg9: memref<80x64xf32, #tpu.memory_space<vmem>>, %arg10: memref<80x64xf32, #tpu.memory_space<vmem>>, %arg11: memref<80x64xf32, #tpu.memory_space<vmem>>, %arg12: memref<80x64xf32, #tpu.memory_space<vmem>>, %arg13: memref<80x64xf32, #tpu.memory_space<vmem>>, %arg14: memref<10000x64xf32, #tpu.memory_space<vmem_shared>>, %arg15: memref<!tpu.dma_semaphore, #tpu.memory_space<semaphore_mem>>, %arg16: memref<!tpu.dma_semaphore, #tpu.memory_space<semaphore_mem>>, %arg17: memref<!tpu.dma_semaphore, #tpu.memory_space<semaphore_mem>>, %arg18: memref<!tpu.dma_semaphore, #tpu.memory_space<semaphore_mem>>, %arg19: memref<!tpu.dma_semaphore, #tpu.memory_space<semaphore_mem>>) attributes {dimension_semantics = [#tpu.dimension_semantics<core_parallel>, #tpu.dimension_semantics<subcore_parallel>], iteration_bounds = array<i64: 2, 16>, scalar_prefetch = 0 : i64, scratch_operands = 13 : i64, tpu.core_type = #tpu.core_type<sc_vector_subcore>, window_params = [{transform_indices = #map}, {transform_indices = #map1}, {transform_indices = #map1}, {transform_indices = #map}, {transform_indices = #map}]} {
    %mul3A = arith.constant 16 : i32
    %mul3A_0 = arith.muli %arg0, %mul3A : i32
    %add3A = arith.addi %mul3A_0, %arg1 : i32
    "tpu.region"() ({
      %run_scoped3A = tpu.sem_alloc : memref<!tpu.dma_semaphore, #tpu.memory_space<semaphore_mem>>
      %dma_start3A_76 = arith.constant 0 : i32
      %dma_start3A_77 = arith.constant 0 : i32
      %dma_start3A_78 = tpu.memref_slice %arg3[%add3A, %dma_start3A_76, %dma_start3A_77] : memref<32x250x80xi32, #tpu.memory_space<hbm>> -> memref<1x250x80xi32, #tpu.memory_space<hbm>>
      %dma_start3A_79 = tpu.memref_squeeze %dma_start3A_78 : memref<1x250x80xi32, #tpu.memory_space<hbm>> -> memref<250x80xi32, #tpu.memory_space<hbm>>
      %dma_start3A_80 = arith.constant 0 : i32
      %dma_start3A_81 = arith.constant 0 : i32
      %dma_start3A_82 = tpu.memref_slice %arg3[%add3A, %dma_start3A_80, %dma_start3A_81] : memref<32x250x80xi32, #tpu.memory_space<hbm>> -> memref<1x250x80xi32, #tpu.memory_space<hbm>>
      %dma_start3A_83 = tpu.memref_squeeze %dma_start3A_82 : memref<1x250x80xi32, #tpu.memory_space<hbm>> -> memref<250x80xi32, #tpu.memory_space<hbm>>
      tpu.enqueue_dma source(%dma_start3A_83 : memref<250x80xi32, #tpu.memory_space<hbm>>) target(%arg7 : memref<250x80xi32, #tpu.memory_space<vmem>>) target_semaphore(%run_scoped3A : memref<!tpu.dma_semaphore, #tpu.memory_space<semaphore_mem>>)
      %dma_wait3A = arith.constant 0 : i32
      %dma_wait3A_84 = arith.constant 0 : i32
      %dma_wait3A_85 = tpu.memref_slice %arg3[%add3A, %dma_wait3A, %dma_wait3A_84] : memref<32x250x80xi32, #tpu.memory_space<hbm>> -> memref<1x250x80xi32, #tpu.memory_space<hbm>>
      %dma_wait3A_86 = tpu.memref_squeeze %dma_wait3A_85 : memref<1x250x80xi32, #tpu.memory_space<hbm>> -> memref<250x80xi32, #tpu.memory_space<hbm>>
      %dma_wait3A_87 = arith.constant 0 : i32
      %dma_wait3A_88 = arith.constant 0 : i32
      %dma_wait3A_89 = tpu.memref_slice %arg3[%add3A, %dma_wait3A_87, %dma_wait3A_88] : memref<32x250x80xi32, #tpu.memory_space<hbm>> -> memref<1x250x80xi32, #tpu.memory_space<hbm>>
      %dma_wait3A_90 = tpu.memref_squeeze %dma_wait3A_89 : memref<1x250x80xi32, #tpu.memory_space<hbm>> -> memref<250x80xi32, #tpu.memory_space<hbm>>
      tpu.wait_dma2 semaphore(%run_scoped3A : memref<!tpu.dma_semaphore, #tpu.memory_space<semaphore_mem>>) src(%dma_wait3A_90 : memref<250x80xi32, #tpu.memory_space<hbm>>) dst(%arg7 : memref<250x80xi32, #tpu.memory_space<vmem>>)
      tpu.yield
    }) : () -> ()
    "tpu.region"() ({
      %run_scoped3A = tpu.sem_alloc : memref<!tpu.dma_semaphore, #tpu.memory_space<semaphore_mem>>
      %dma_start3A_76 = arith.constant 0 : i32
      %dma_start3A_77 = arith.constant 0 : i32
      %dma_start3A_78 = tpu.memref_slice %arg4[%arg1, %dma_start3A_76, %dma_start3A_77] : memref<16x250x80xi32, #tpu.memory_space<hbm>> -> memref<1x250x80xi32, #tpu.memory_space<hbm>>
      %dma_start3A_79 = tpu.memref_squeeze %dma_start3A_78 : memref<1x250x80xi32, #tpu.memory_space<hbm>> -> memref<250x80xi32, #tpu.memory_space<hbm>>
      %dma_start3A_80 = arith.constant 0 : i32
      %dma_start3A_81 = arith.constant 0 : i32
      %dma_start3A_82 = tpu.memref_slice %arg4[%arg1, %dma_start3A_80, %dma_start3A_81] : memref<16x250x80xi32, #tpu.memory_space<hbm>> -> memref<1x250x80xi32, #tpu.memory_space<hbm>>
      %dma_start3A_83 = tpu.memref_squeeze %dma_start3A_82 : memref<1x250x80xi32, #tpu.memory_space<hbm>> -> memref<250x80xi32, #tpu.memory_space<hbm>>
      tpu.enqueue_dma source(%dma_start3A_83 : memref<250x80xi32, #tpu.memory_space<hbm>>) target(%arg8 : memref<250x80xi32, #tpu.memory_space<vmem>>) target_semaphore(%run_scoped3A : memref<!tpu.dma_semaphore, #tpu.memory_space<semaphore_mem>>)
      %dma_wait3A = arith.constant 0 : i32
      %dma_wait3A_84 = arith.constant 0 : i32
      %dma_wait3A_85 = tpu.memref_slice %arg4[%arg1, %dma_wait3A, %dma_wait3A_84] : memref<16x250x80xi32, #tpu.memory_space<hbm>> -> memref<1x250x80xi32, #tpu.memory_space<hbm>>
      %dma_wait3A_86 = tpu.memref_squeeze %dma_wait3A_85 : memref<1x250x80xi32, #tpu.memory_space<hbm>> -> memref<250x80xi32, #tpu.memory_space<hbm>>
      %dma_wait3A_87 = arith.constant 0 : i32
      %dma_wait3A_88 = arith.constant 0 : i32
      %dma_wait3A_89 = tpu.memref_slice %arg4[%arg1, %dma_wait3A_87, %dma_wait3A_88] : memref<16x250x80xi32, #tpu.memory_space<hbm>> -> memref<1x250x80xi32, #tpu.memory_space<hbm>>
      %dma_wait3A_90 = tpu.memref_squeeze %dma_wait3A_89 : memref<1x250x80xi32, #tpu.memory_space<hbm>> -> memref<250x80xi32, #tpu.memory_space<hbm>>
      tpu.wait_dma2 semaphore(%run_scoped3A : memref<!tpu.dma_semaphore, #tpu.memory_space<semaphore_mem>>) src(%dma_wait3A_90 : memref<250x80xi32, #tpu.memory_space<hbm>>) dst(%arg8 : memref<250x80xi32, #tpu.memory_space<vmem>>)
      tpu.yield
    }) : () -> ()
    %mul3A_1 = arith.constant 625 : i32
    %mul3A_2 = arith.muli %arg1, %mul3A_1 : i32
    %add3A_3 = arith.constant 0 : i32
    %add3A_4 = arith.addi %mul3A_2, %add3A_3 : i32
    "tpu.region"() ({
      %run_scoped3A = tpu.sem_alloc : memref<!tpu.dma_semaphore, #tpu.memory_space<semaphore_mem>>
      %dma_start3A_76 = arith.constant 0 : i32
      %dma_start3A_77 = tpu.memref_slice %arg14[%add3A_4, %dma_start3A_76] : memref<10000x64xf32, #tpu.memory_space<vmem_shared>> -> memref<125x64xf32, #tpu.memory_space<vmem_shared>>
      tpu.enqueue_dma source(%arg5 : memref<125x64xf32, #tpu.memory_space<hbm>>) target(%dma_start3A_77 : memref<125x64xf32, #tpu.memory_space<vmem_shared>>) target_semaphore(%run_scoped3A : memref<!tpu.dma_semaphore, #tpu.memory_space<semaphore_mem>>)
      %dma_wait3A = arith.constant 0 : i32
      %dma_wait3A_78 = tpu.memref_slice %arg14[%add3A_4, %dma_wait3A] : memref<10000x64xf32, #tpu.memory_space<vmem_shared>> -> memref<125x64xf32, #tpu.memory_space<vmem_shared>>
      tpu.wait_dma2 semaphore(%run_scoped3A : memref<!tpu.dma_semaphore, #tpu.memory_space<semaphore_mem>>) src(%arg5 : memref<125x64xf32, #tpu.memory_space<hbm>>) dst(%dma_wait3A_78 : memref<125x64xf32, #tpu.memory_space<vmem_shared>>)
      tpu.yield
    }) : () -> ()
    %add3A_5 = arith.constant 125 : i32
    %add3A_6 = arith.addi %mul3A_2, %add3A_5 : i32
    "tpu.region"() ({
      %run_scoped3A = tpu.sem_alloc : memref<!tpu.dma_semaphore, #tpu.memory_space<semaphore_mem>>
      %dma_start3A_76 = arith.constant 0 : i32
      %dma_start3A_77 = tpu.memref_slice %arg14[%add3A_6, %dma_start3A_76] : memref<10000x64xf32, #tpu.memory_space<vmem_shared>> -> memref<125x64xf32, #tpu.memory_space<vmem_shared>>
      tpu.enqueue_dma source(%arg5 : memref<125x64xf32, #tpu.memory_space<hbm>>) target(%dma_start3A_77 : memref<125x64xf32, #tpu.memory_space<vmem_shared>>) target_semaphore(%run_scoped3A : memref<!tpu.dma_semaphore, #tpu.memory_space<semaphore_mem>>)
      %dma_wait3A = arith.constant 0 : i32
      %dma_wait3A_78 = tpu.memref_slice %arg14[%add3A_6, %dma_wait3A] : memref<10000x64xf32, #tpu.memory_space<vmem_shared>> -> memref<125x64xf32, #tpu.memory_space<vmem_shared>>
      tpu.wait_dma2 semaphore(%run_scoped3A : memref<!tpu.dma_semaphore, #tpu.memory_space<semaphore_mem>>) src(%arg5 : memref<125x64xf32, #tpu.memory_space<hbm>>) dst(%dma_wait3A_78 : memref<125x64xf32, #tpu.memory_space<vmem_shared>>)
      tpu.yield
    }) : () -> ()
    %add3A_7 = arith.constant 250 : i32
    %add3A_8 = arith.addi %mul3A_2, %add3A_7 : i32
    "tpu.region"() ({
      %run_scoped3A = tpu.sem_alloc : memref<!tpu.dma_semaphore, #tpu.memory_space<semaphore_mem>>
      %dma_start3A_76 = arith.constant 0 : i32
      %dma_start3A_77 = tpu.memref_slice %arg14[%add3A_8, %dma_start3A_76] : memref<10000x64xf32, #tpu.memory_space<vmem_shared>> -> memref<125x64xf32, #tpu.memory_space<vmem_shared>>
      tpu.enqueue_dma source(%arg5 : memref<125x64xf32, #tpu.memory_space<hbm>>) target(%dma_start3A_77 : memref<125x64xf32, #tpu.memory_space<vmem_shared>>) target_semaphore(%run_scoped3A : memref<!tpu.dma_semaphore, #tpu.memory_space<semaphore_mem>>)
      %dma_wait3A = arith.constant 0 : i32
      %dma_wait3A_78 = tpu.memref_slice %arg14[%add3A_8, %dma_wait3A] : memref<10000x64xf32, #tpu.memory_space<vmem_shared>> -> memref<125x64xf32, #tpu.memory_space<vmem_shared>>
      tpu.wait_dma2 semaphore(%run_scoped3A : memref<!tpu.dma_semaphore, #tpu.memory_space<semaphore_mem>>) src(%arg5 : memref<125x64xf32, #tpu.memory_space<hbm>>) dst(%dma_wait3A_78 : memref<125x64xf32, #tpu.memory_space<vmem_shared>>)
      tpu.yield
    }) : () -> ()
    %add3A_9 = arith.constant 375 : i32
    %add3A_10 = arith.addi %mul3A_2, %add3A_9 : i32
    "tpu.region"() ({
      %run_scoped3A = tpu.sem_alloc : memref<!tpu.dma_semaphore, #tpu.memory_space<semaphore_mem>>
      %dma_start3A_76 = arith.constant 0 : i32
      %dma_start3A_77 = tpu.memref_slice %arg14[%add3A_10, %dma_start3A_76] : memref<10000x64xf32, #tpu.memory_space<vmem_shared>> -> memref<125x64xf32, #tpu.memory_space<vmem_shared>>
      tpu.enqueue_dma source(%arg5 : memref<125x64xf32, #tpu.memory_space<hbm>>) target(%dma_start3A_77 : memref<125x64xf32, #tpu.memory_space<vmem_shared>>) target_semaphore(%run_scoped3A : memref<!tpu.dma_semaphore, #tpu.memory_space<semaphore_mem>>)
      %dma_wait3A = arith.constant 0 : i32
      %dma_wait3A_78 = tpu.memref_slice %arg14[%add3A_10, %dma_wait3A] : memref<10000x64xf32, #tpu.memory_space<vmem_shared>> -> memref<125x64xf32, #tpu.memory_space<vmem_shared>>
      tpu.wait_dma2 semaphore(%run_scoped3A : memref<!tpu.dma_semaphore, #tpu.memory_space<semaphore_mem>>) src(%arg5 : memref<125x64xf32, #tpu.memory_space<hbm>>) dst(%dma_wait3A_78 : memref<125x64xf32, #tpu.memory_space<vmem_shared>>)
      tpu.yield
    }) : () -> ()
    %add3A_11 = arith.constant 500 : i32
    %add3A_12 = arith.addi %mul3A_2, %add3A_11 : i32
    "tpu.region"() ({
      %run_scoped3A = tpu.sem_alloc : memref<!tpu.dma_semaphore, #tpu.memory_space<semaphore_mem>>
      %dma_start3A_76 = arith.constant 0 : i32
      %dma_start3A_77 = tpu.memref_slice %arg14[%add3A_12, %dma_start3A_76] : memref<10000x64xf32, #tpu.memory_space<vmem_shared>> -> memref<125x64xf32, #tpu.memory_space<vmem_shared>>
      tpu.enqueue_dma source(%arg5 : memref<125x64xf32, #tpu.memory_space<hbm>>) target(%dma_start3A_77 : memref<125x64xf32, #tpu.memory_space<vmem_shared>>) target_semaphore(%run_scoped3A : memref<!tpu.dma_semaphore, #tpu.memory_space<semaphore_mem>>)
      %dma_wait3A = arith.constant 0 : i32
      %dma_wait3A_78 = tpu.memref_slice %arg14[%add3A_12, %dma_wait3A] : memref<10000x64xf32, #tpu.memory_space<vmem_shared>> -> memref<125x64xf32, #tpu.memory_space<vmem_shared>>
      tpu.wait_dma2 semaphore(%run_scoped3A : memref<!tpu.dma_semaphore, #tpu.memory_space<semaphore_mem>>) src(%arg5 : memref<125x64xf32, #tpu.memory_space<hbm>>) dst(%dma_wait3A_78 : memref<125x64xf32, #tpu.memory_space<vmem_shared>>)
      tpu.yield
    }) : () -> ()
    %barrier3A = arith.constant 0 : index
    tpu.barrier barrier_id(%barrier3A)
    %dma_start3A = arith.constant 0 : i32
    %dma_start3A_13 = arith.constant 0 : i32
    %dma_start3A_14 = tpu.memref_slice %arg7[%dma_start3A, %dma_start3A_13] : memref<250x80xi32, #tpu.memory_space<vmem>> -> memref<1x80xi32, #tpu.memory_space<vmem>>
    %dma_start3A_15 = tpu.memref_squeeze %dma_start3A_14 : memref<1x80xi32, #tpu.memory_space<vmem>> -> memref<80xi32, #tpu.memory_space<vmem>>
    %dma_start3A_16 = arith.constant 0 : i32
    %dma_start3A_17 = arith.constant 0 : i32
    %dma_start3A_18 = tpu.memref_slice %arg2[%dma_start3A_16, %dma_start3A_17] : memref<20000x64xf32, #tpu.memory_space<hbm>> -> memref<20000x64xf32, #tpu.memory_space<hbm>>
    tpu.enqueue_indirect_dma source(%dma_start3A_18 : memref<20000x64xf32, #tpu.memory_space<hbm>>) target(%arg9 : memref<80x64xf32, #tpu.memory_space<vmem>>) offsets(%dma_start3A_15 : memref<80xi32, #tpu.memory_space<vmem>>) semaphore(%arg15 : memref<!tpu.dma_semaphore, #tpu.memory_space<semaphore_mem>>)
    %dma_start3A_19 = arith.constant 1 : i32
    %dma_start3A_20 = arith.constant 0 : i32
    %dma_start3A_21 = tpu.memref_slice %arg7[%dma_start3A_19, %dma_start3A_20] : memref<250x80xi32, #tpu.memory_space<vmem>> -> memref<1x80xi32, #tpu.memory_space<vmem>>
    %dma_start3A_22 = tpu.memref_squeeze %dma_start3A_21 : memref<1x80xi32, #tpu.memory_space<vmem>> -> memref<80xi32, #tpu.memory_space<vmem>>
    %dma_start3A_23 = arith.constant 0 : i32
    %dma_start3A_24 = arith.constant 0 : i32
    %dma_start3A_25 = tpu.memref_slice %arg2[%dma_start3A_23, %dma_start3A_24] : memref<20000x64xf32, #tpu.memory_space<hbm>> -> memref<20000x64xf32, #tpu.memory_space<hbm>>
    tpu.enqueue_indirect_dma source(%dma_start3A_25 : memref<20000x64xf32, #tpu.memory_space<hbm>>) target(%arg10 : memref<80x64xf32, #tpu.memory_space<vmem>>) offsets(%dma_start3A_22 : memref<80xi32, #tpu.memory_space<vmem>>) semaphore(%arg16 : memref<!tpu.dma_semaphore, #tpu.memory_space<semaphore_mem>>)
    %dma_start3A_26 = arith.constant 2 : i32
    %dma_start3A_27 = arith.constant 0 : i32
    %dma_start3A_28 = tpu.memref_slice %arg7[%dma_start3A_26, %dma_start3A_27] : memref<250x80xi32, #tpu.memory_space<vmem>> -> memref<1x80xi32, #tpu.memory_space<vmem>>
    %dma_start3A_29 = tpu.memref_squeeze %dma_start3A_28 : memref<1x80xi32, #tpu.memory_space<vmem>> -> memref<80xi32, #tpu.memory_space<vmem>>
    %dma_start3A_30 = arith.constant 0 : i32
    %dma_start3A_31 = arith.constant 0 : i32
    %dma_start3A_32 = tpu.memref_slice %arg2[%dma_start3A_30, %dma_start3A_31] : memref<20000x64xf32, #tpu.memory_space<hbm>> -> memref<20000x64xf32, #tpu.memory_space<hbm>>
    tpu.enqueue_indirect_dma source(%dma_start3A_32 : memref<20000x64xf32, #tpu.memory_space<hbm>>) target(%arg11 : memref<80x64xf32, #tpu.memory_space<vmem>>) offsets(%dma_start3A_29 : memref<80xi32, #tpu.memory_space<vmem>>) semaphore(%arg17 : memref<!tpu.dma_semaphore, #tpu.memory_space<semaphore_mem>>)
    %dma_start3A_33 = arith.constant 3 : i32
    %dma_start3A_34 = arith.constant 0 : i32
    %dma_start3A_35 = tpu.memref_slice %arg7[%dma_start3A_33, %dma_start3A_34] : memref<250x80xi32, #tpu.memory_space<vmem>> -> memref<1x80xi32, #tpu.memory_space<vmem>>
    %dma_start3A_36 = tpu.memref_squeeze %dma_start3A_35 : memref<1x80xi32, #tpu.memory_space<vmem>> -> memref<80xi32, #tpu.memory_space<vmem>>
    %dma_start3A_37 = arith.constant 0 : i32
    %dma_start3A_38 = arith.constant 0 : i32
    %dma_start3A_39 = tpu.memref_slice %arg2[%dma_start3A_37, %dma_start3A_38] : memref<20000x64xf32, #tpu.memory_space<hbm>> -> memref<20000x64xf32, #tpu.memory_space<hbm>>
    tpu.enqueue_indirect_dma source(%dma_start3A_39 : memref<20000x64xf32, #tpu.memory_space<hbm>>) target(%arg12 : memref<80x64xf32, #tpu.memory_space<vmem>>) offsets(%dma_start3A_36 : memref<80xi32, #tpu.memory_space<vmem>>) semaphore(%arg18 : memref<!tpu.dma_semaphore, #tpu.memory_space<semaphore_mem>>)
    %dma_start3A_40 = arith.constant 4 : i32
    %dma_start3A_41 = arith.constant 0 : i32
    %dma_start3A_42 = tpu.memref_slice %arg7[%dma_start3A_40, %dma_start3A_41] : memref<250x80xi32, #tpu.memory_space<vmem>> -> memref<1x80xi32, #tpu.memory_space<vmem>>
    %dma_start3A_43 = tpu.memref_squeeze %dma_start3A_42 : memref<1x80xi32, #tpu.memory_space<vmem>> -> memref<80xi32, #tpu.memory_space<vmem>>
    %dma_start3A_44 = arith.constant 0 : i32
    %dma_start3A_45 = arith.constant 0 : i32
    %dma_start3A_46 = tpu.memref_slice %arg2[%dma_start3A_44, %dma_start3A_45] : memref<20000x64xf32, #tpu.memory_space<hbm>> -> memref<20000x64xf32, #tpu.memory_space<hbm>>
    tpu.enqueue_indirect_dma source(%dma_start3A_46 : memref<20000x64xf32, #tpu.memory_space<hbm>>) target(%arg13 : memref<80x64xf32, #tpu.memory_space<vmem>>) offsets(%dma_start3A_43 : memref<80xi32, #tpu.memory_space<vmem>>) semaphore(%arg19 : memref<!tpu.dma_semaphore, #tpu.memory_space<semaphore_mem>>)
    %scan3A = arith.constant 0 : i32
    %scan3A_47 = arith.constant 0 : i32
    %scan3A_48 = arith.constant 50 : i32
    %scan3A_49 = arith.addi %scan3A_47, %scan3A_48 : i32
    %scan3A_50 = arith.constant 1 : i32
    scf.for %scan3A_76 = %scan3A_47 to %scan3A_49 step %scan3A_50  : i32 {
      %mul3A_77 = arith.constant 5 : i32
      %mul3A_78 = arith.muli %scan3A_76, %mul3A_77 : i32
      %add3A_79 = arith.constant 0 : i32
      %add3A_80 = arith.addi %mul3A_78, %add3A_79 : i32
      %dma_wait3A = arith.constant 0 : i32
      %dma_wait3A_81 = tpu.memref_slice %arg7[%add3A_80, %dma_wait3A] : memref<250x80xi32, #tpu.memory_space<vmem>> -> memref<1x80xi32, #tpu.memory_space<vmem>>
      %dma_wait3A_82 = tpu.memref_squeeze %dma_wait3A_81 : memref<1x80xi32, #tpu.memory_space<vmem>> -> memref<80xi32, #tpu.memory_space<vmem>>
      %dma_wait3A_83 = arith.constant 0 : i32
      %dma_wait3A_84 = arith.constant 0 : i32
      %dma_wait3A_85 = tpu.memref_slice %arg2[%dma_wait3A_83, %dma_wait3A_84] : memref<20000x64xf32, #tpu.memory_space<hbm>> -> memref<20000x64xf32, #tpu.memory_space<hbm>>
      tpu.wait_indirect_dma semaphore(%arg15 : memref<!tpu.dma_semaphore, #tpu.memory_space<semaphore_mem>>) src(%dma_wait3A_85 : memref<20000x64xf32, #tpu.memory_space<hbm>>) dst(%arg9 : memref<80x64xf32, #tpu.memory_space<vmem>>)
      "tpu.region"() ({
        %run_scoped3A = tpu.sem_alloc : memref<!tpu.dma_semaphore, #tpu.memory_space<semaphore_mem>>
        %dma_start3A_158 = arith.constant 0 : i32
        %dma_start3A_159 = tpu.memref_slice %arg8[%add3A_80, %dma_start3A_158] : memref<250x80xi32, #tpu.memory_space<vmem>> -> memref<1x80xi32, #tpu.memory_space<vmem>>
        %dma_start3A_160 = tpu.memref_squeeze %dma_start3A_159 : memref<1x80xi32, #tpu.memory_space<vmem>> -> memref<80xi32, #tpu.memory_space<vmem>>
        %dma_start3A_161 = arith.constant 0 : i32
        %dma_start3A_162 = arith.constant 0 : i32
        %dma_start3A_163 = tpu.memref_slice %arg14[%dma_start3A_161, %dma_start3A_162] : memref<10000x64xf32, #tpu.memory_space<vmem_shared>> -> memref<10000x64xf32, #tpu.memory_space<vmem_shared>>
        tpu.enqueue_indirect_dma source(%arg9 : memref<80x64xf32, #tpu.memory_space<vmem>>) target(%dma_start3A_163 : memref<10000x64xf32, #tpu.memory_space<vmem_shared>>) offsets(%dma_start3A_160 : memref<80xi32, #tpu.memory_space<vmem>>) semaphore(%run_scoped3A : memref<!tpu.dma_semaphore, #tpu.memory_space<semaphore_mem>>) {add = true}
        %dma_wait3A_164 = arith.constant 0 : i32
        %dma_wait3A_165 = tpu.memref_slice %arg8[%add3A_80, %dma_wait3A_164] : memref<250x80xi32, #tpu.memory_space<vmem>> -> memref<1x80xi32, #tpu.memory_space<vmem>>
        %dma_wait3A_166 = tpu.memref_squeeze %dma_wait3A_165 : memref<1x80xi32, #tpu.memory_space<vmem>> -> memref<80xi32, #tpu.memory_space<vmem>>
        %dma_wait3A_167 = arith.constant 0 : i32
        %dma_wait3A_168 = arith.constant 0 : i32
        %dma_wait3A_169 = tpu.memref_slice %arg14[%dma_wait3A_167, %dma_wait3A_168] : memref<10000x64xf32, #tpu.memory_space<vmem_shared>> -> memref<10000x64xf32, #tpu.memory_space<vmem_shared>>
        tpu.wait_indirect_dma semaphore(%run_scoped3A : memref<!tpu.dma_semaphore, #tpu.memory_space<semaphore_mem>>) src(%arg9 : memref<80x64xf32, #tpu.memory_space<vmem>>) dst(%dma_wait3A_169 : memref<10000x64xf32, #tpu.memory_space<vmem_shared>>)
        tpu.yield
      }) : () -> ()
      %add3A_86 = arith.constant 5 : i32
      %add3A_87 = arith.addi %add3A_80, %add3A_86 : i32
      %lt3A = arith.constant 250 : i32
      %lt3A_88 = arith.cmpi slt, %add3A_87, %lt3A : i32
      %convert_element_type3A = arith.extui %lt3A_88 : i1 to i32
      %cond3A = arith.constant 0 : i32
      %cond3A_89 = arith.cmpi ne, %convert_element_type3A, %cond3A : i32
      scf.if %cond3A_89 {
        %dma_start3A_158 = arith.constant 0 : i32
        %dma_start3A_159 = tpu.memref_slice %arg7[%add3A_87, %dma_start3A_158] : memref<250x80xi32, #tpu.memory_space<vmem>> -> memref<1x80xi32, #tpu.memory_space<vmem>>
        %dma_start3A_160 = tpu.memref_squeeze %dma_start3A_159 : memref<1x80xi32, #tpu.memory_space<vmem>> -> memref<80xi32, #tpu.memory_space<vmem>>
        %dma_start3A_161 = arith.constant 0 : i32
        %dma_start3A_162 = arith.constant 0 : i32
        %dma_start3A_163 = tpu.memref_slice %arg2[%dma_start3A_161, %dma_start3A_162] : memref<20000x64xf32, #tpu.memory_space<hbm>> -> memref<20000x64xf32, #tpu.memory_space<hbm>>
        tpu.enqueue_indirect_dma source(%dma_start3A_163 : memref<20000x64xf32, #tpu.memory_space<hbm>>) target(%arg9 : memref<80x64xf32, #tpu.memory_space<vmem>>) offsets(%dma_start3A_160 : memref<80xi32, #tpu.memory_space<vmem>>) semaphore(%arg15 : memref<!tpu.dma_semaphore, #tpu.memory_space<semaphore_mem>>)
      } else {
      }
      %mul3A_90 = arith.constant 5 : i32
      %mul3A_91 = arith.muli %scan3A_76, %mul3A_90 : i32
      %add3A_92 = arith.constant 1 : i32
      %add3A_93 = arith.addi %mul3A_91, %add3A_92 : i32
      %dma_wait3A_94 = arith.constant 0 : i32
      %dma_wait3A_95 = tpu.memref_slice %arg7[%add3A_93, %dma_wait3A_94] : memref<250x80xi32, #tpu.memory_space<vmem>> -> memref<1x80xi32, #tpu.memory_space<vmem>>
      %dma_wait3A_96 = tpu.memref_squeeze %dma_wait3A_95 : memref<1x80xi32, #tpu.memory_space<vmem>> -> memref<80xi32, #tpu.memory_space<vmem>>
      %dma_wait3A_97 = arith.constant 0 : i32
      %dma_wait3A_98 = arith.constant 0 : i32
      %dma_wait3A_99 = tpu.memref_slice %arg2[%dma_wait3A_97, %dma_wait3A_98] : memref<20000x64xf32, #tpu.memory_space<hbm>> -> memref<20000x64xf32, #tpu.memory_space<hbm>>
      tpu.wait_indirect_dma semaphore(%arg16 : memref<!tpu.dma_semaphore, #tpu.memory_space<semaphore_mem>>) src(%dma_wait3A_99 : memref<20000x64xf32, #tpu.memory_space<hbm>>) dst(%arg10 : memref<80x64xf32, #tpu.memory_space<vmem>>)
      "tpu.region"() ({
        %run_scoped3A = tpu.sem_alloc : memref<!tpu.dma_semaphore, #tpu.memory_space<semaphore_mem>>
        %dma_start3A_158 = arith.constant 0 : i32
        %dma_start3A_159 = tpu.memref_slice %arg8[%add3A_93, %dma_start3A_158] : memref<250x80xi32, #tpu.memory_space<vmem>> -> memref<1x80xi32, #tpu.memory_space<vmem>>
        %dma_start3A_160 = tpu.memref_squeeze %dma_start3A_159 : memref<1x80xi32, #tpu.memory_space<vmem>> -> memref<80xi32, #tpu.memory_space<vmem>>
        %dma_start3A_161 = arith.constant 0 : i32
        %dma_start3A_162 = arith.constant 0 : i32
        %dma_start3A_163 = tpu.memref_slice %arg14[%dma_start3A_161, %dma_start3A_162] : memref<10000x64xf32, #tpu.memory_space<vmem_shared>> -> memref<10000x64xf32, #tpu.memory_space<vmem_shared>>
        tpu.enqueue_indirect_dma source(%arg10 : memref<80x64xf32, #tpu.memory_space<vmem>>) target(%dma_start3A_163 : memref<10000x64xf32, #tpu.memory_space<vmem_shared>>) offsets(%dma_start3A_160 : memref<80xi32, #tpu.memory_space<vmem>>) semaphore(%run_scoped3A : memref<!tpu.dma_semaphore, #tpu.memory_space<semaphore_mem>>) {add = true}
        %dma_wait3A_164 = arith.constant 0 : i32
        %dma_wait3A_165 = tpu.memref_slice %arg8[%add3A_93, %dma_wait3A_164] : memref<250x80xi32, #tpu.memory_space<vmem>> -> memref<1x80xi32, #tpu.memory_space<vmem>>
        %dma_wait3A_166 = tpu.memref_squeeze %dma_wait3A_165 : memref<1x80xi32, #tpu.memory_space<vmem>> -> memref<80xi32, #tpu.memory_space<vmem>>
        %dma_wait3A_167 = arith.constant 0 : i32
        %dma_wait3A_168 = arith.constant 0 : i32
        %dma_wait3A_169 = tpu.memref_slice %arg14[%dma_wait3A_167, %dma_wait3A_168] : memref<10000x64xf32, #tpu.memory_space<vmem_shared>> -> memref<10000x64xf32, #tpu.memory_space<vmem_shared>>
        tpu.wait_indirect_dma semaphore(%run_scoped3A : memref<!tpu.dma_semaphore, #tpu.memory_space<semaphore_mem>>) src(%arg10 : memref<80x64xf32, #tpu.memory_space<vmem>>) dst(%dma_wait3A_169 : memref<10000x64xf32, #tpu.memory_space<vmem_shared>>)
        tpu.yield
      }) : () -> ()
      %add3A_100 = arith.constant 5 : i32
      %add3A_101 = arith.addi %add3A_93, %add3A_100 : i32
      %lt3A_102 = arith.constant 250 : i32
      %lt3A_103 = arith.cmpi slt, %add3A_101, %lt3A_102 : i32
      %convert_element_type3A_104 = arith.extui %lt3A_103 : i1 to i32
      %cond3A_105 = arith.constant 0 : i32
      %cond3A_106 = arith.cmpi ne, %convert_element_type3A_104, %cond3A_105 : i32
      scf.if %cond3A_106 {
        %dma_start3A_158 = arith.constant 0 : i32
        %dma_start3A_159 = tpu.memref_slice %arg7[%add3A_101, %dma_start3A_158] : memref<250x80xi32, #tpu.memory_space<vmem>> -> memref<1x80xi32, #tpu.memory_space<vmem>>
        %dma_start3A_160 = tpu.memref_squeeze %dma_start3A_159 : memref<1x80xi32, #tpu.memory_space<vmem>> -> memref<80xi32, #tpu.memory_space<vmem>>
        %dma_start3A_161 = arith.constant 0 : i32
        %dma_start3A_162 = arith.constant 0 : i32
        %dma_start3A_163 = tpu.memref_slice %arg2[%dma_start3A_161, %dma_start3A_162] : memref<20000x64xf32, #tpu.memory_space<hbm>> -> memref<20000x64xf32, #tpu.memory_space<hbm>>
        tpu.enqueue_indirect_dma source(%dma_start3A_163 : memref<20000x64xf32, #tpu.memory_space<hbm>>) target(%arg10 : memref<80x64xf32, #tpu.memory_space<vmem>>) offsets(%dma_start3A_160 : memref<80xi32, #tpu.memory_space<vmem>>) semaphore(%arg16 : memref<!tpu.dma_semaphore, #tpu.memory_space<semaphore_mem>>)
      } else {
      }
      %mul3A_107 = arith.constant 5 : i32
      %mul3A_108 = arith.muli %scan3A_76, %mul3A_107 : i32
      %add3A_109 = arith.constant 2 : i32
      %add3A_110 = arith.addi %mul3A_108, %add3A_109 : i32
      %dma_wait3A_111 = arith.constant 0 : i32
      %dma_wait3A_112 = tpu.memref_slice %arg7[%add3A_110, %dma_wait3A_111] : memref<250x80xi32, #tpu.memory_space<vmem>> -> memref<1x80xi32, #tpu.memory_space<vmem>>
      %dma_wait3A_113 = tpu.memref_squeeze %dma_wait3A_112 : memref<1x80xi32, #tpu.memory_space<vmem>> -> memref<80xi32, #tpu.memory_space<vmem>>
      %dma_wait3A_114 = arith.constant 0 : i32
      %dma_wait3A_115 = arith.constant 0 : i32
      %dma_wait3A_116 = tpu.memref_slice %arg2[%dma_wait3A_114, %dma_wait3A_115] : memref<20000x64xf32, #tpu.memory_space<hbm>> -> memref<20000x64xf32, #tpu.memory_space<hbm>>
      tpu.wait_indirect_dma semaphore(%arg17 : memref<!tpu.dma_semaphore, #tpu.memory_space<semaphore_mem>>) src(%dma_wait3A_116 : memref<20000x64xf32, #tpu.memory_space<hbm>>) dst(%arg11 : memref<80x64xf32, #tpu.memory_space<vmem>>)
      "tpu.region"() ({
        %run_scoped3A = tpu.sem_alloc : memref<!tpu.dma_semaphore, #tpu.memory_space<semaphore_mem>>
        %dma_start3A_158 = arith.constant 0 : i32
        %dma_start3A_159 = tpu.memref_slice %arg8[%add3A_110, %dma_start3A_158] : memref<250x80xi32, #tpu.memory_space<vmem>> -> memref<1x80xi32, #tpu.memory_space<vmem>>
        %dma_start3A_160 = tpu.memref_squeeze %dma_start3A_159 : memref<1x80xi32, #tpu.memory_space<vmem>> -> memref<80xi32, #tpu.memory_space<vmem>>
        %dma_start3A_161 = arith.constant 0 : i32
        %dma_start3A_162 = arith.constant 0 : i32
        %dma_start3A_163 = tpu.memref_slice %arg14[%dma_start3A_161, %dma_start3A_162] : memref<10000x64xf32, #tpu.memory_space<vmem_shared>> -> memref<10000x64xf32, #tpu.memory_space<vmem_shared>>
        tpu.enqueue_indirect_dma source(%arg11 : memref<80x64xf32, #tpu.memory_space<vmem>>) target(%dma_start3A_163 : memref<10000x64xf32, #tpu.memory_space<vmem_shared>>) offsets(%dma_start3A_160 : memref<80xi32, #tpu.memory_space<vmem>>) semaphore(%run_scoped3A : memref<!tpu.dma_semaphore, #tpu.memory_space<semaphore_mem>>) {add = true}
        %dma_wait3A_164 = arith.constant 0 : i32
        %dma_wait3A_165 = tpu.memref_slice %arg8[%add3A_110, %dma_wait3A_164] : memref<250x80xi32, #tpu.memory_space<vmem>> -> memref<1x80xi32, #tpu.memory_space<vmem>>
        %dma_wait3A_166 = tpu.memref_squeeze %dma_wait3A_165 : memref<1x80xi32, #tpu.memory_space<vmem>> -> memref<80xi32, #tpu.memory_space<vmem>>
        %dma_wait3A_167 = arith.constant 0 : i32
        %dma_wait3A_168 = arith.constant 0 : i32
        %dma_wait3A_169 = tpu.memref_slice %arg14[%dma_wait3A_167, %dma_wait3A_168] : memref<10000x64xf32, #tpu.memory_space<vmem_shared>> -> memref<10000x64xf32, #tpu.memory_space<vmem_shared>>
        tpu.wait_indirect_dma semaphore(%run_scoped3A : memref<!tpu.dma_semaphore, #tpu.memory_space<semaphore_mem>>) src(%arg11 : memref<80x64xf32, #tpu.memory_space<vmem>>) dst(%dma_wait3A_169 : memref<10000x64xf32, #tpu.memory_space<vmem_shared>>)
        tpu.yield
      }) : () -> ()
      %add3A_117 = arith.constant 5 : i32
      %add3A_118 = arith.addi %add3A_110, %add3A_117 : i32
      %lt3A_119 = arith.constant 250 : i32
      %lt3A_120 = arith.cmpi slt, %add3A_118, %lt3A_119 : i32
      %convert_element_type3A_121 = arith.extui %lt3A_120 : i1 to i32
      %cond3A_122 = arith.constant 0 : i32
      %cond3A_123 = arith.cmpi ne, %convert_element_type3A_121, %cond3A_122 : i32
      scf.if %cond3A_123 {
        %dma_start3A_158 = arith.constant 0 : i32
        %dma_start3A_159 = tpu.memref_slice %arg7[%add3A_118, %dma_start3A_158] : memref<250x80xi32, #tpu.memory_space<vmem>> -> memref<1x80xi32, #tpu.memory_space<vmem>>
        %dma_start3A_160 = tpu.memref_squeeze %dma_start3A_159 : memref<1x80xi32, #tpu.memory_space<vmem>> -> memref<80xi32, #tpu.memory_space<vmem>>
        %dma_start3A_161 = arith.constant 0 : i32
        %dma_start3A_162 = arith.constant 0 : i32
        %dma_start3A_163 = tpu.memref_slice %arg2[%dma_start3A_161, %dma_start3A_162] : memref<20000x64xf32, #tpu.memory_space<hbm>> -> memref<20000x64xf32, #tpu.memory_space<hbm>>
        tpu.enqueue_indirect_dma source(%dma_start3A_163 : memref<20000x64xf32, #tpu.memory_space<hbm>>) target(%arg11 : memref<80x64xf32, #tpu.memory_space<vmem>>) offsets(%dma_start3A_160 : memref<80xi32, #tpu.memory_space<vmem>>) semaphore(%arg17 : memref<!tpu.dma_semaphore, #tpu.memory_space<semaphore_mem>>)
      } else {
      }
      %mul3A_124 = arith.constant 5 : i32
      %mul3A_125 = arith.muli %scan3A_76, %mul3A_124 : i32
      %add3A_126 = arith.constant 3 : i32
      %add3A_127 = arith.addi %mul3A_125, %add3A_126 : i32
      %dma_wait3A_128 = arith.constant 0 : i32
      %dma_wait3A_129 = tpu.memref_slice %arg7[%add3A_127, %dma_wait3A_128] : memref<250x80xi32, #tpu.memory_space<vmem>> -> memref<1x80xi32, #tpu.memory_space<vmem>>
      %dma_wait3A_130 = tpu.memref_squeeze %dma_wait3A_129 : memref<1x80xi32, #tpu.memory_space<vmem>> -> memref<80xi32, #tpu.memory_space<vmem>>
      %dma_wait3A_131 = arith.constant 0 : i32
      %dma_wait3A_132 = arith.constant 0 : i32
      %dma_wait3A_133 = tpu.memref_slice %arg2[%dma_wait3A_131, %dma_wait3A_132] : memref<20000x64xf32, #tpu.memory_space<hbm>> -> memref<20000x64xf32, #tpu.memory_space<hbm>>
      tpu.wait_indirect_dma semaphore(%arg18 : memref<!tpu.dma_semaphore, #tpu.memory_space<semaphore_mem>>) src(%dma_wait3A_133 : memref<20000x64xf32, #tpu.memory_space<hbm>>) dst(%arg12 : memref<80x64xf32, #tpu.memory_space<vmem>>)
      "tpu.region"() ({
        %run_scoped3A = tpu.sem_alloc : memref<!tpu.dma_semaphore, #tpu.memory_space<semaphore_mem>>
        %dma_start3A_158 = arith.constant 0 : i32
        %dma_start3A_159 = tpu.memref_slice %arg8[%add3A_127, %dma_start3A_158] : memref<250x80xi32, #tpu.memory_space<vmem>> -> memref<1x80xi32, #tpu.memory_space<vmem>>
        %dma_start3A_160 = tpu.memref_squeeze %dma_start3A_159 : memref<1x80xi32, #tpu.memory_space<vmem>> -> memref<80xi32, #tpu.memory_space<vmem>>
        %dma_start3A_161 = arith.constant 0 : i32
        %dma_start3A_162 = arith.constant 0 : i32
        %dma_start3A_163 = tpu.memref_slice %arg14[%dma_start3A_161, %dma_start3A_162] : memref<10000x64xf32, #tpu.memory_space<vmem_shared>> -> memref<10000x64xf32, #tpu.memory_space<vmem_shared>>
        tpu.enqueue_indirect_dma source(%arg12 : memref<80x64xf32, #tpu.memory_space<vmem>>) target(%dma_start3A_163 : memref<10000x64xf32, #tpu.memory_space<vmem_shared>>) offsets(%dma_start3A_160 : memref<80xi32, #tpu.memory_space<vmem>>) semaphore(%run_scoped3A : memref<!tpu.dma_semaphore, #tpu.memory_space<semaphore_mem>>) {add = true}
        %dma_wait3A_164 = arith.constant 0 : i32
        %dma_wait3A_165 = tpu.memref_slice %arg8[%add3A_127, %dma_wait3A_164] : memref<250x80xi32, #tpu.memory_space<vmem>> -> memref<1x80xi32, #tpu.memory_space<vmem>>
        %dma_wait3A_166 = tpu.memref_squeeze %dma_wait3A_165 : memref<1x80xi32, #tpu.memory_space<vmem>> -> memref<80xi32, #tpu.memory_space<vmem>>
        %dma_wait3A_167 = arith.constant 0 : i32
        %dma_wait3A_168 = arith.constant 0 : i32
        %dma_wait3A_169 = tpu.memref_slice %arg14[%dma_wait3A_167, %dma_wait3A_168] : memref<10000x64xf32, #tpu.memory_space<vmem_shared>> -> memref<10000x64xf32, #tpu.memory_space<vmem_shared>>
        tpu.wait_indirect_dma semaphore(%run_scoped3A : memref<!tpu.dma_semaphore, #tpu.memory_space<semaphore_mem>>) src(%arg12 : memref<80x64xf32, #tpu.memory_space<vmem>>) dst(%dma_wait3A_169 : memref<10000x64xf32, #tpu.memory_space<vmem_shared>>)
        tpu.yield
      }) : () -> ()
      %add3A_134 = arith.constant 5 : i32
      %add3A_135 = arith.addi %add3A_127, %add3A_134 : i32
      %lt3A_136 = arith.constant 250 : i32
      %lt3A_137 = arith.cmpi slt, %add3A_135, %lt3A_136 : i32
      %convert_element_type3A_138 = arith.extui %lt3A_137 : i1 to i32
      %cond3A_139 = arith.constant 0 : i32
      %cond3A_140 = arith.cmpi ne, %convert_element_type3A_138, %cond3A_139 : i32
      scf.if %cond3A_140 {
        %dma_start3A_158 = arith.constant 0 : i32
        %dma_start3A_159 = tpu.memref_slice %arg7[%add3A_135, %dma_start3A_158] : memref<250x80xi32, #tpu.memory_space<vmem>> -> memref<1x80xi32, #tpu.memory_space<vmem>>
        %dma_start3A_160 = tpu.memref_squeeze %dma_start3A_159 : memref<1x80xi32, #tpu.memory_space<vmem>> -> memref<80xi32, #tpu.memory_space<vmem>>
        %dma_start3A_161 = arith.constant 0 : i32
        %dma_start3A_162 = arith.constant 0 : i32
        %dma_start3A_163 = tpu.memref_slice %arg2[%dma_start3A_161, %dma_start3A_162] : memref<20000x64xf32, #tpu.memory_space<hbm>> -> memref<20000x64xf32, #tpu.memory_space<hbm>>
        tpu.enqueue_indirect_dma source(%dma_start3A_163 : memref<20000x64xf32, #tpu.memory_space<hbm>>) target(%arg12 : memref<80x64xf32, #tpu.memory_space<vmem>>) offsets(%dma_start3A_160 : memref<80xi32, #tpu.memory_space<vmem>>) semaphore(%arg18 : memref<!tpu.dma_semaphore, #tpu.memory_space<semaphore_mem>>)
      } else {
      }
      %mul3A_141 = arith.constant 5 : i32
      %mul3A_142 = arith.muli %scan3A_76, %mul3A_141 : i32
      %add3A_143 = arith.constant 4 : i32
      %add3A_144 = arith.addi %mul3A_142, %add3A_143 : i32
      %dma_wait3A_145 = arith.constant 0 : i32
      %dma_wait3A_146 = tpu.memref_slice %arg7[%add3A_144, %dma_wait3A_145] : memref<250x80xi32, #tpu.memory_space<vmem>> -> memref<1x80xi32, #tpu.memory_space<vmem>>
      %dma_wait3A_147 = tpu.memref_squeeze %dma_wait3A_146 : memref<1x80xi32, #tpu.memory_space<vmem>> -> memref<80xi32, #tpu.memory_space<vmem>>
      %dma_wait3A_148 = arith.constant 0 : i32
      %dma_wait3A_149 = arith.constant 0 : i32
      %dma_wait3A_150 = tpu.memref_slice %arg2[%dma_wait3A_148, %dma_wait3A_149] : memref<20000x64xf32, #tpu.memory_space<hbm>> -> memref<20000x64xf32, #tpu.memory_space<hbm>>
      tpu.wait_indirect_dma semaphore(%arg19 : memref<!tpu.dma_semaphore, #tpu.memory_space<semaphore_mem>>) src(%dma_wait3A_150 : memref<20000x64xf32, #tpu.memory_space<hbm>>) dst(%arg13 : memref<80x64xf32, #tpu.memory_space<vmem>>)
      "tpu.region"() ({
        %run_scoped3A = tpu.sem_alloc : memref<!tpu.dma_semaphore, #tpu.memory_space<semaphore_mem>>
        %dma_start3A_158 = arith.constant 0 : i32
        %dma_start3A_159 = tpu.memref_slice %arg8[%add3A_144, %dma_start3A_158] : memref<250x80xi32, #tpu.memory_space<vmem>> -> memref<1x80xi32, #tpu.memory_space<vmem>>
        %dma_start3A_160 = tpu.memref_squeeze %dma_start3A_159 : memref<1x80xi32, #tpu.memory_space<vmem>> -> memref<80xi32, #tpu.memory_space<vmem>>
        %dma_start3A_161 = arith.constant 0 : i32
        %dma_start3A_162 = arith.constant 0 : i32
        %dma_start3A_163 = tpu.memref_slice %arg14[%dma_start3A_161, %dma_start3A_162] : memref<10000x64xf32, #tpu.memory_space<vmem_shared>> -> memref<10000x64xf32, #tpu.memory_space<vmem_shared>>
        tpu.enqueue_indirect_dma source(%arg13 : memref<80x64xf32, #tpu.memory_space<vmem>>) target(%dma_start3A_163 : memref<10000x64xf32, #tpu.memory_space<vmem_shared>>) offsets(%dma_start3A_160 : memref<80xi32, #tpu.memory_space<vmem>>) semaphore(%run_scoped3A : memref<!tpu.dma_semaphore, #tpu.memory_space<semaphore_mem>>) {add = true}
        %dma_wait3A_164 = arith.constant 0 : i32
        %dma_wait3A_165 = tpu.memref_slice %arg8[%add3A_144, %dma_wait3A_164] : memref<250x80xi32, #tpu.memory_space<vmem>> -> memref<1x80xi32, #tpu.memory_space<vmem>>
        %dma_wait3A_166 = tpu.memref_squeeze %dma_wait3A_165 : memref<1x80xi32, #tpu.memory_space<vmem>> -> memref<80xi32, #tpu.memory_space<vmem>>
        %dma_wait3A_167 = arith.constant 0 : i32
        %dma_wait3A_168 = arith.constant 0 : i32
        %dma_wait3A_169 = tpu.memref_slice %arg14[%dma_wait3A_167, %dma_wait3A_168] : memref<10000x64xf32, #tpu.memory_space<vmem_shared>> -> memref<10000x64xf32, #tpu.memory_space<vmem_shared>>
        tpu.wait_indirect_dma semaphore(%run_scoped3A : memref<!tpu.dma_semaphore, #tpu.memory_space<semaphore_mem>>) src(%arg13 : memref<80x64xf32, #tpu.memory_space<vmem>>) dst(%dma_wait3A_169 : memref<10000x64xf32, #tpu.memory_space<vmem_shared>>)
        tpu.yield
      }) : () -> ()
      %add3A_151 = arith.constant 5 : i32
      %add3A_152 = arith.addi %add3A_144, %add3A_151 : i32
      %lt3A_153 = arith.constant 250 : i32
      %lt3A_154 = arith.cmpi slt, %add3A_152, %lt3A_153 : i32
      %convert_element_type3A_155 = arith.extui %lt3A_154 : i1 to i32
      %cond3A_156 = arith.constant 0 : i32
      %cond3A_157 = arith.cmpi ne, %convert_element_type3A_155, %cond3A_156 : i32
      scf.if %cond3A_157 {
        %dma_start3A_158 = arith.constant 0 : i32
        %dma_start3A_159 = tpu.memref_slice %arg7[%add3A_152, %dma_start3A_158] : memref<250x80xi32, #tpu.memory_space<vmem>> -> memref<1x80xi32, #tpu.memory_space<vmem>>
        %dma_start3A_160 = tpu.memref_squeeze %dma_start3A_159 : memref<1x80xi32, #tpu.memory_space<vmem>> -> memref<80xi32, #tpu.memory_space<vmem>>
        %dma_start3A_161 = arith.constant 0 : i32
        %dma_start3A_162 = arith.constant 0 : i32
        %dma_start3A_163 = tpu.memref_slice %arg2[%dma_start3A_161, %dma_start3A_162] : memref<20000x64xf32, #tpu.memory_space<hbm>> -> memref<20000x64xf32, #tpu.memory_space<hbm>>
        tpu.enqueue_indirect_dma source(%dma_start3A_163 : memref<20000x64xf32, #tpu.memory_space<hbm>>) target(%arg13 : memref<80x64xf32, #tpu.memory_space<vmem>>) offsets(%dma_start3A_160 : memref<80xi32, #tpu.memory_space<vmem>>) semaphore(%arg19 : memref<!tpu.dma_semaphore, #tpu.memory_space<semaphore_mem>>)
      } else {
      }
    }
    %scan3A_51 = arith.constant 50 : i32
    %barrier3A_52 = arith.constant 0 : index
    tpu.barrier barrier_id(%barrier3A_52)
    %mul3A_53 = arith.constant 10000 : i32
    %mul3A_54 = arith.muli %arg0, %mul3A_53 : i32
    %add3A_55 = arith.addi %mul3A_54, %mul3A_2 : i32
    %add3A_56 = arith.constant 0 : i32
    %add3A_57 = arith.addi %mul3A_2, %add3A_56 : i32
    %add3A_58 = arith.constant 0 : i32
    %add3A_59 = arith.addi %add3A_55, %add3A_58 : i32
    "tpu.region"() ({
      %run_scoped3A = tpu.sem_alloc : memref<!tpu.dma_semaphore, #tpu.memory_space<semaphore_mem>>
      %dma_start3A_76 = arith.constant 0 : i32
      %dma_start3A_77 = tpu.memref_slice %arg6[%add3A_59, %dma_start3A_76] : memref<20000x64xf32, #tpu.memory_space<hbm>> -> memref<125x64xf32, #tpu.memory_space<hbm>>
      %dma_start3A_78 = arith.constant 0 : i32
      %dma_start3A_79 = tpu.memref_slice %arg14[%add3A_57, %dma_start3A_78] : memref<10000x64xf32, #tpu.memory_space<vmem_shared>> -> memref<125x64xf32, #tpu.memory_space<vmem_shared>>
      tpu.enqueue_dma source(%dma_start3A_79 : memref<125x64xf32, #tpu.memory_space<vmem_shared>>) target(%dma_start3A_77 : memref<125x64xf32, #tpu.memory_space<hbm>>) target_semaphore(%run_scoped3A : memref<!tpu.dma_semaphore, #tpu.memory_space<semaphore_mem>>)
      %dma_wait3A = arith.constant 0 : i32
      %dma_wait3A_80 = tpu.memref_slice %arg6[%add3A_59, %dma_wait3A] : memref<20000x64xf32, #tpu.memory_space<hbm>> -> memref<125x64xf32, #tpu.memory_space<hbm>>
      %dma_wait3A_81 = arith.constant 0 : i32
      %dma_wait3A_82 = tpu.memref_slice %arg14[%add3A_57, %dma_wait3A_81] : memref<10000x64xf32, #tpu.memory_space<vmem_shared>> -> memref<125x64xf32, #tpu.memory_space<vmem_shared>>
      tpu.wait_dma2 semaphore(%run_scoped3A : memref<!tpu.dma_semaphore, #tpu.memory_space<semaphore_mem>>) src(%dma_wait3A_82 : memref<125x64xf32, #tpu.memory_space<vmem_shared>>) dst(%dma_wait3A_80 : memref<125x64xf32, #tpu.memory_space<hbm>>)
      tpu.yield
    }) : () -> ()
    %add3A_60 = arith.constant 125 : i32
    %add3A_61 = arith.addi %mul3A_2, %add3A_60 : i32
    %add3A_62 = arith.constant 125 : i32
    %add3A_63 = arith.addi %add3A_55, %add3A_62 : i32
    "tpu.region"() ({
      %run_scoped3A = tpu.sem_alloc : memref<!tpu.dma_semaphore, #tpu.memory_space<semaphore_mem>>
      %dma_start3A_76 = arith.constant 0 : i32
      %dma_start3A_77 = tpu.memref_slice %arg6[%add3A_63, %dma_start3A_76] : memref<20000x64xf32, #tpu.memory_space<hbm>> -> memref<125x64xf32, #tpu.memory_space<hbm>>
      %dma_start3A_78 = arith.constant 0 : i32
      %dma_start3A_79 = tpu.memref_slice %arg14[%add3A_61, %dma_start3A_78] : memref<10000x64xf32, #tpu.memory_space<vmem_shared>> -> memref<125x64xf32, #tpu.memory_space<vmem_shared>>
      tpu.enqueue_dma source(%dma_start3A_79 : memref<125x64xf32, #tpu.memory_space<vmem_shared>>) target(%dma_start3A_77 : memref<125x64xf32, #tpu.memory_space<hbm>>) target_semaphore(%run_scoped3A : memref<!tpu.dma_semaphore, #tpu.memory_space<semaphore_mem>>)
      %dma_wait3A = arith.constant 0 : i32
      %dma_wait3A_80 = tpu.memref_slice %arg6[%add3A_63, %dma_wait3A] : memref<20000x64xf32, #tpu.memory_space<hbm>> -> memref<125x64xf32, #tpu.memory_space<hbm>>
      %dma_wait3A_81 = arith.constant 0 : i32
      %dma_wait3A_82 = tpu.memref_slice %arg14[%add3A_61, %dma_wait3A_81] : memref<10000x64xf32, #tpu.memory_space<vmem_shared>> -> memref<125x64xf32, #tpu.memory_space<vmem_shared>>
      tpu.wait_dma2 semaphore(%run_scoped3A : memref<!tpu.dma_semaphore, #tpu.memory_space<semaphore_mem>>) src(%dma_wait3A_82 : memref<125x64xf32, #tpu.memory_space<vmem_shared>>) dst(%dma_wait3A_80 : memref<125x64xf32, #tpu.memory_space<hbm>>)
      tpu.yield
    }) : () -> ()
    %add3A_64 = arith.constant 250 : i32
    %add3A_65 = arith.addi %mul3A_2, %add3A_64 : i32
    %add3A_66 = arith.constant 250 : i32
    %add3A_67 = arith.addi %add3A_55, %add3A_66 : i32
    "tpu.region"() ({
      %run_scoped3A = tpu.sem_alloc : memref<!tpu.dma_semaphore, #tpu.memory_space<semaphore_mem>>
      %dma_start3A_76 = arith.constant 0 : i32
      %dma_start3A_77 = tpu.memref_slice %arg6[%add3A_67, %dma_start3A_76] : memref<20000x64xf32, #tpu.memory_space<hbm>> -> memref<125x64xf32, #tpu.memory_space<hbm>>
      %dma_start3A_78 = arith.constant 0 : i32
      %dma_start3A_79 = tpu.memref_slice %arg14[%add3A_65, %dma_start3A_78] : memref<10000x64xf32, #tpu.memory_space<vmem_shared>> -> memref<125x64xf32, #tpu.memory_space<vmem_shared>>
      tpu.enqueue_dma source(%dma_start3A_79 : memref<125x64xf32, #tpu.memory_space<vmem_shared>>) target(%dma_start3A_77 : memref<125x64xf32, #tpu.memory_space<hbm>>) target_semaphore(%run_scoped3A : memref<!tpu.dma_semaphore, #tpu.memory_space<semaphore_mem>>)
      %dma_wait3A = arith.constant 0 : i32
      %dma_wait3A_80 = tpu.memref_slice %arg6[%add3A_67, %dma_wait3A] : memref<20000x64xf32, #tpu.memory_space<hbm>> -> memref<125x64xf32, #tpu.memory_space<hbm>>
      %dma_wait3A_81 = arith.constant 0 : i32
      %dma_wait3A_82 = tpu.memref_slice %arg14[%add3A_65, %dma_wait3A_81] : memref<10000x64xf32, #tpu.memory_space<vmem_shared>> -> memref<125x64xf32, #tpu.memory_space<vmem_shared>>
      tpu.wait_dma2 semaphore(%run_scoped3A : memref<!tpu.dma_semaphore, #tpu.memory_space<semaphore_mem>>) src(%dma_wait3A_82 : memref<125x64xf32, #tpu.memory_space<vmem_shared>>) dst(%dma_wait3A_80 : memref<125x64xf32, #tpu.memory_space<hbm>>)
      tpu.yield
    }) : () -> ()
    %add3A_68 = arith.constant 375 : i32
    %add3A_69 = arith.addi %mul3A_2, %add3A_68 : i32
    %add3A_70 = arith.constant 375 : i32
    %add3A_71 = arith.addi %add3A_55, %add3A_70 : i32
    "tpu.region"() ({
      %run_scoped3A = tpu.sem_alloc : memref<!tpu.dma_semaphore, #tpu.memory_space<semaphore_mem>>
      %dma_start3A_76 = arith.constant 0 : i32
      %dma_start3A_77 = tpu.memref_slice %arg6[%add3A_71, %dma_start3A_76] : memref<20000x64xf32, #tpu.memory_space<hbm>> -> memref<125x64xf32, #tpu.memory_space<hbm>>
      %dma_start3A_78 = arith.constant 0 : i32
      %dma_start3A_79 = tpu.memref_slice %arg14[%add3A_69, %dma_start3A_78] : memref<10000x64xf32, #tpu.memory_space<vmem_shared>> -> memref<125x64xf32, #tpu.memory_space<vmem_shared>>
      tpu.enqueue_dma source(%dma_start3A_79 : memref<125x64xf32, #tpu.memory_space<vmem_shared>>) target(%dma_start3A_77 : memref<125x64xf32, #tpu.memory_space<hbm>>) target_semaphore(%run_scoped3A : memref<!tpu.dma_semaphore, #tpu.memory_space<semaphore_mem>>)
      %dma_wait3A = arith.constant 0 : i32
      %dma_wait3A_80 = tpu.memref_slice %arg6[%add3A_71, %dma_wait3A] : memref<20000x64xf32, #tpu.memory_space<hbm>> -> memref<125x64xf32, #tpu.memory_space<hbm>>
      %dma_wait3A_81 = arith.constant 0 : i32
      %dma_wait3A_82 = tpu.memref_slice %arg14[%add3A_69, %dma_wait3A_81] : memref<10000x64xf32, #tpu.memory_space<vmem_shared>> -> memref<125x64xf32, #tpu.memory_space<vmem_shared>>
      tpu.wait_dma2 semaphore(%run_scoped3A : memref<!tpu.dma_semaphore, #tpu.memory_space<semaphore_mem>>) src(%dma_wait3A_82 : memref<125x64xf32, #tpu.memory_space<vmem_shared>>) dst(%dma_wait3A_80 : memref<125x64xf32, #tpu.memory_space<hbm>>)
      tpu.yield
    }) : () -> ()
    %add3A_72 = arith.constant 500 : i32
    %add3A_73 = arith.addi %mul3A_2, %add3A_72 : i32
    %add3A_74 = arith.constant 500 : i32
    %add3A_75 = arith.addi %add3A_55, %add3A_74 : i32
    "tpu.region"() ({
      %run_scoped3A = tpu.sem_alloc : memref<!tpu.dma_semaphore, #tpu.memory_space<semaphore_mem>>
      %dma_start3A_76 = arith.constant 0 : i32
      %dma_start3A_77 = tpu.memref_slice %arg6[%add3A_75, %dma_start3A_76] : memref<20000x64xf32, #tpu.memory_space<hbm>> -> memref<125x64xf32, #tpu.memory_space<hbm>>
      %dma_start3A_78 = arith.constant 0 : i32
      %dma_start3A_79 = tpu.memref_slice %arg14[%add3A_73, %dma_start3A_78] : memref<10000x64xf32, #tpu.memory_space<vmem_shared>> -> memref<125x64xf32, #tpu.memory_space<vmem_shared>>
      tpu.enqueue_dma source(%dma_start3A_79 : memref<125x64xf32, #tpu.memory_space<vmem_shared>>) target(%dma_start3A_77 : memref<125x64xf32, #tpu.memory_space<hbm>>) target_semaphore(%run_scoped3A : memref<!tpu.dma_semaphore, #tpu.memory_space<semaphore_mem>>)
      %dma_wait3A = arith.constant 0 : i32
      %dma_wait3A_80 = tpu.memref_slice %arg6[%add3A_75, %dma_wait3A] : memref<20000x64xf32, #tpu.memory_space<hbm>> -> memref<125x64xf32, #tpu.memory_space<hbm>>
      %dma_wait3A_81 = arith.constant 0 : i32
      %dma_wait3A_82 = tpu.memref_slice %arg14[%add3A_73, %dma_wait3A_81] : memref<10000x64xf32, #tpu.memory_space<vmem_shared>> -> memref<125x64xf32, #tpu.memory_space<vmem_shared>>
      tpu.wait_dma2 semaphore(%run_scoped3A : memref<!tpu.dma_semaphore, #tpu.memory_space<semaphore_mem>>) src(%dma_wait3A_82 : memref<125x64xf32, #tpu.memory_space<vmem_shared>>) dst(%dma_wait3A_80 : memref<125x64xf32, #tpu.memory_space<hbm>>)
      tpu.yield
    }) : () -> ()
    return
  }
}

module attributes {stable_mosaic.version = 14 : i64} {
  func.func @_tc_mm_body(%arg0: i32, %arg1: memref<2000x128xf32, #tpu.memory_space<vmem>>, %arg2: memref<128x128xf32, #tpu.memory_space<vmem>>, %arg3: memref<2000x128xf32, #tpu.memory_space<vmem>>) attributes {dimension_semantics = [#tpu.dimension_semantics<arbitrary>], iteration_bounds = array<i64: 5>, scalar_prefetch = 0 : i64, scratch_operands = 0 : i64, tpu.core_type = #tpu.core_type<tc>, window_params = [{transform_indices = @transform_0, window_bounds = array<i64: 2000, 128>}, {pipeline_mode = #tpu.pipeline_mode<synchronous>, transform_indices = @transform_1, window_bounds = array<i64: 128, 128>}, {transform_indices = @transform_2, window_bounds = array<i64: 2000, 128>}]} {
    %get3A = arith.constant 0 : index
    %get3A_0 = arith.constant 0 : index
    %get3A_1 = vector.load %arg1[%get3A, %get3A_0] : memref<2000x128xf32, #tpu.memory_space<vmem>>, vector<2000x128xf32>
    %get3A_2 = arith.constant 0 : index
    %get3A_3 = arith.constant 0 : index
    %get3A_4 = vector.load %arg2[%get3A_2, %get3A_3] : memref<128x128xf32, #tpu.memory_space<vmem>>, vector<128x128xf32>
    %dot_general3A = arith.constant dense<0.000000e+00> : vector<2000x128xf32>
    %dot_general3A_5 = tpu.matmul %get3A_1, %get3A_4, %dot_general3A {dimension_numbers = #tpu.dot_dimension_numbers<[1], [0], [0], [1], [0, 0, 1, 1], [], []>, precision = #tpu.contract_precision<fp32>, transpose_lhs_hint = false} : vector<2000x128xf32>, vector<128x128xf32>, vector<2000x128xf32> -> vector<2000x128xf32>
    %swap3A = arith.constant 0 : index
    %swap3A_6 = arith.constant 0 : index
    %swap3A_7 = vector.load %arg3[%swap3A, %swap3A_6] : memref<2000x128xf32, #tpu.memory_space<vmem>>, vector<2000x128xf32>
    tpu.vector_store %arg3[%swap3A, %swap3A_6], %dot_general3A_5 {strides = array<i32>} : memref<2000x128xf32, #tpu.memory_space<vmem>>, vector<2000x128xf32>,
    return
  }
  func.func @transform_0(%arg0: i32) -> (i32, i32) {
    %c0_i32 = arith.constant 0 : i32
    %c0_i32_0 = arith.constant 0 : i32
    return %arg0, %c0_i32 : i32, i32
  }
  func.func @transform_1(%arg0: i32) -> (i32, i32) {
    %c0_i32 = arith.constant 0 : i32
    %c0_i32_0 = arith.constant 0 : i32
    %c0_i32_1 = arith.constant 0 : i32
    return %c0_i32, %c0_i32_0 : i32, i32
  }
  func.func @transform_2(%arg0: i32) -> (i32, i32) {
    %c0_i32 = arith.constant 0 : i32
    %c0_i32_0 = arith.constant 0 : i32
    return %arg0, %c0_i32 : i32, i32
  }
}

module attributes {stable_mosaic.version = 14 : i64} {
  func.func @_tc_a_body(%arg0: i32, %arg1: memref<2x2000x16xf32, #tpu.memory_space<vmem>>, %arg2: memref<2000x128xf32, #tpu.memory_space<vmem>>, %arg3: memref<2000x128xf32, #tpu.memory_space<vmem>>, %arg4: memref<2000x1xf32, #tpu.memory_space<vmem>>) attributes {dimension_semantics = [#tpu.dimension_semantics<arbitrary>], iteration_bounds = array<i64: 5>, scalar_prefetch = 0 : i64, scratch_operands = 0 : i64, tpu.core_type = #tpu.core_type<tc>, window_params = [{transform_indices = @transform_0, window_bounds = array<i64: 2, 2000, 16>}, {transform_indices = @transform_1, window_bounds = array<i64: 2000, 128>}, {transform_indices = @transform_2, window_bounds = array<i64: 2000, 128>}, {transform_indices = @transform_3, window_bounds = array<i64: 2000, 1>}]} {
    %get3A = arith.constant 0 : index
    %get3A_0 = arith.constant 0 : index
    %get3A_1 = arith.constant 0 : index
    %get3A_2 = vector.load %arg1[%get3A, %get3A_0, %get3A_1] : memref<2x2000x16xf32, #tpu.memory_space<vmem>>, vector<2x2000x16xf32>
    %slice3A = vector.extract_strided_slice %get3A_2 {offsets = [0, 0, 0], sizes = [1, 2000, 1], strides = [1, 1, 1]} : vector<2x2000x16xf32> to vector<1x2000x1xf32>
    %squeeze3A = vector.shape_cast %slice3A : vector<1x2000x1xf32> to vector<2000x1xf32>
    %slice3A_3 = vector.extract_strided_slice %get3A_2 {offsets = [1, 0, 0], sizes = [1, 2000, 1], strides = [1, 1, 1]} : vector<2x2000x16xf32> to vector<1x2000x1xf32>
    %squeeze3A_4 = vector.shape_cast %slice3A_3 : vector<1x2000x1xf32> to vector<2000x1xf32>
    %add3A = arith.addf %squeeze3A, %squeeze3A_4 : vector<2000x1xf32>
    %add3A_5 = arith.constant 1.000000e+00 : f32
    %add3A_6 = vector.broadcast %add3A_5 : f32 to vector<2000x1xf32>
    %add3A_7 = arith.addf %add3A, %add3A_6 : vector<2000x1xf32>
    %rsqrt3A = math.rsqrt %add3A_7 : vector<2000x1xf32>
    %get3A_8 = arith.constant 0 : index
    %get3A_9 = arith.constant 0 : index
    %get3A_10 = vector.load %arg2[%get3A_8, %get3A_9] : memref<2000x128xf32, #tpu.memory_space<vmem>>, vector<2000x128xf32>
    %mul3A = vector.broadcast %rsqrt3A : vector<2000x1xf32> to vector<2000x128xf32>
    %mul3A_11 = arith.mulf %get3A_10, %mul3A : vector<2000x128xf32>
    %swap3A = arith.constant 0 : index
    %swap3A_12 = arith.constant 0 : index
    %swap3A_13 = vector.load %arg3[%swap3A, %swap3A_12] : memref<2000x128xf32, #tpu.memory_space<vmem>>, vector<2000x128xf32>
    tpu.vector_store %arg3[%swap3A, %swap3A_12], %mul3A_11 {strides = array<i32>} : memref<2000x128xf32, #tpu.memory_space<vmem>>, vector<2000x128xf32>,
    %swap3A_14 = arith.constant 0 : index
    %swap3A_15 = arith.constant 0 : index
    %swap3A_16 = vector.load %arg4[%swap3A_14, %swap3A_15] : memref<2000x1xf32, #tpu.memory_space<vmem>>, vector<2000x1xf32>
    tpu.vector_store %arg4[%swap3A_14, %swap3A_15], %rsqrt3A {strides = array<i32>} : memref<2000x1xf32, #tpu.memory_space<vmem>>, vector<2000x1xf32>,
    return
  }
  func.func @transform_0(%arg0: i32) -> (i32, i32, i32) {
    %c0_i32 = arith.constant 0 : i32
    %c0_i32_0 = arith.constant 0 : i32
    %c0_i32_1 = arith.constant 0 : i32
    return %c0_i32, %arg0, %c0_i32_0 : i32, i32, i32
  }
  func.func @transform_1(%arg0: i32) -> (i32, i32) {
    %c0_i32 = arith.constant 0 : i32
    %c0_i32_0 = arith.constant 0 : i32
    return %arg0, %c0_i32 : i32, i32
  }
  func.func @transform_2(%arg0: i32) -> (i32, i32) {
    %c0_i32 = arith.constant 0 : i32
    %c0_i32_0 = arith.constant 0 : i32
    return %arg0, %c0_i32 : i32, i32
  }
  func.func @transform_3(%arg0: i32) -> (i32, i32) {
    %c0_i32 = arith.constant 0 : i32
    %c0_i32_0 = arith.constant 0 : i32
    return %arg0, %c0_i32 : i32, i32
  }
}

module attributes {stable_mosaic.version = 14 : i64} {
  func.func @_tc_b_body(%arg0: i32, %arg1: memref<2x2000x64xf32, #tpu.memory_space<vmem>>, %arg2: memref<2000x128xf32, #tpu.memory_space<vmem>>, %arg3: memref<2000x1xf32, #tpu.memory_space<vmem>>, %arg4: memref<1x128xf32, #tpu.memory_space<vmem>>, %arg5: memref<128x128xf32, #tpu.memory_space<vmem>>, %arg6: memref<2000x128xf32, #tpu.memory_space<vmem>>) attributes {dimension_semantics = [#tpu.dimension_semantics<arbitrary>], iteration_bounds = array<i64: 5>, scalar_prefetch = 0 : i64, scratch_operands = 0 : i64, tpu.core_type = #tpu.core_type<tc>, window_params = [{transform_indices = @transform_0, window_bounds = array<i64: 2, 2000, 64>}, {transform_indices = @transform_1, window_bounds = array<i64: 2000, 128>}, {transform_indices = @transform_2, window_bounds = array<i64: 2000, 1>}, {pipeline_mode = #tpu.pipeline_mode<synchronous>, transform_indices = @transform_3, window_bounds = array<i64: 1, 128>}, {pipeline_mode = #tpu.pipeline_mode<synchronous>, transform_indices = @transform_4, window_bounds = array<i64: 128, 128>}, {transform_indices = @transform_5, window_bounds = array<i64: 2000, 128>}]} {
    %get3A = arith.constant 0 : index
    %get3A_0 = arith.constant 0 : index
    %get3A_1 = vector.load %arg3[%get3A, %get3A_0] : memref<2000x1xf32, #tpu.memory_space<vmem>>, vector<2000x1xf32>
    %get3A_2 = arith.constant 0 : index
    %get3A_3 = arith.constant 0 : index
    %get3A_4 = arith.constant 0 : index
    %get3A_5 = vector.load %arg1[%get3A_2, %get3A_3, %get3A_4] : memref<2x2000x64xf32, #tpu.memory_space<vmem>>, vector<1x2000x64xf32>
    %get3A_6 = vector.shape_cast %get3A_5 : vector<1x2000x64xf32> to vector<2000x64xf32>
    %get3A_7 = arith.constant 1 : index
    %get3A_8 = arith.constant 0 : index
    %get3A_9 = arith.constant 0 : index
    %get3A_10 = vector.load %arg1[%get3A_7, %get3A_8, %get3A_9] : memref<2x2000x64xf32, #tpu.memory_space<vmem>>, vector<1x2000x64xf32>
    %get3A_11 = vector.shape_cast %get3A_10 : vector<1x2000x64xf32> to vector<2000x64xf32>
    %concatenate3A = tpu.concatenate %get3A_6, %get3A_11 in 1 : vector<2000x64xf32>, vector<2000x64xf32> -> vector<2000x128xf32>
    %get3A_12 = arith.constant 0 : index
    %get3A_13 = arith.constant 0 : index
    %get3A_14 = vector.load %arg2[%get3A_12, %get3A_13] : memref<2000x128xf32, #tpu.memory_space<vmem>>, vector<2000x128xf32>
    %add3A = arith.addf %concatenate3A, %get3A_14 : vector<2000x128xf32>
    %mul3A = vector.broadcast %get3A_1 : vector<2000x1xf32> to vector<2000x128xf32>
    %mul3A_15 = arith.mulf %mul3A, %add3A : vector<2000x128xf32>
    %get3A_16 = arith.constant 0 : index
    %get3A_17 = arith.constant 0 : index
    %get3A_18 = vector.load %arg4[%get3A_16, %get3A_17] : memref<1x128xf32, #tpu.memory_space<vmem>>, vector<1x128xf32>
    %add3A_19 = vector.broadcast %get3A_18 : vector<1x128xf32> to vector<2000x128xf32>
    %add3A_20 = arith.addf %mul3A_15, %add3A_19 : vector<2000x128xf32>
    %max3A = arith.constant 0.000000e+00 : f32
    %max3A_21 = vector.broadcast %max3A : f32 to vector<2000x128xf32>
    %max3A_22 = arith.maximumf %add3A_20, %max3A_21 : vector<2000x128xf32>
    %get3A_23 = arith.constant 0 : index
    %get3A_24 = arith.constant 0 : index
    %get3A_25 = vector.load %arg5[%get3A_23, %get3A_24] : memref<128x128xf32, #tpu.memory_space<vmem>>, vector<128x128xf32>
    %dot_general3A = arith.constant dense<0.000000e+00> : vector<2000x128xf32>
    %dot_general3A_26 = tpu.matmul %max3A_22, %get3A_25, %dot_general3A {dimension_numbers = #tpu.dot_dimension_numbers<[1], [0], [0], [1], [0, 0, 1, 1], [], []>, precision = #tpu.contract_precision<fp32>, transpose_lhs_hint = false} : vector<2000x128xf32>, vector<128x128xf32>, vector<2000x128xf32> -> vector<2000x128xf32>
    %mul3A_27 = vector.broadcast %get3A_1 : vector<2000x1xf32> to vector<2000x128xf32>
    %mul3A_28 = arith.mulf %dot_general3A_26, %mul3A_27 : vector<2000x128xf32>
    %swap3A = arith.constant 0 : index
    %swap3A_29 = arith.constant 0 : index
    %swap3A_30 = vector.load %arg6[%swap3A, %swap3A_29] : memref<2000x128xf32, #tpu.memory_space<vmem>>, vector<2000x128xf32>
    tpu.vector_store %arg6[%swap3A, %swap3A_29], %mul3A_28 {strides = array<i32>} : memref<2000x128xf32, #tpu.memory_space<vmem>>, vector<2000x128xf32>,
    return
  }
  func.func @transform_0(%arg0: i32) -> (i32, i32, i32) {
    %c0_i32 = arith.constant 0 : i32
    %c0_i32_0 = arith.constant 0 : i32
    %c0_i32_1 = arith.constant 0 : i32
    return %c0_i32, %arg0, %c0_i32_0 : i32, i32, i32
  }
  func.func @transform_1(%arg0: i32) -> (i32, i32) {
    %c0_i32 = arith.constant 0 : i32
    %c0_i32_0 = arith.constant 0 : i32
    return %arg0, %c0_i32 : i32, i32
  }
  func.func @transform_2(%arg0: i32) -> (i32, i32) {
    %c0_i32 = arith.constant 0 : i32
    %c0_i32_0 = arith.constant 0 : i32
    return %arg0, %c0_i32 : i32, i32
  }
  func.func @transform_3(%arg0: i32) -> (i32, i32) {
    %c0_i32 = arith.constant 0 : i32
    %c0_i32_0 = arith.constant 0 : i32
    %c0_i32_1 = arith.constant 0 : i32
    return %c0_i32, %c0_i32_0 : i32, i32
  }
  func.func @transform_4(%arg0: i32) -> (i32, i32) {
    %c0_i32 = arith.constant 0 : i32
    %c0_i32_0 = arith.constant 0 : i32
    %c0_i32_1 = arith.constant 0 : i32
    return %c0_i32, %c0_i32_0 : i32, i32
  }
  func.func @transform_5(%arg0: i32) -> (i32, i32) {
    %c0_i32 = arith.constant 0 : i32
    %c0_i32_0 = arith.constant 0 : i32
    return %arg0, %c0_i32 : i32, i32
  }
}

module attributes {stable_mosaic.version = 14 : i64} {
  func.func @_tc_c_body(%arg0: i32, %arg1: memref<2x2000x64xf32, #tpu.memory_space<vmem>>, %arg2: memref<2000x128xf32, #tpu.memory_space<vmem>>, %arg3: memref<2000x1xf32, #tpu.memory_space<vmem>>, %arg4: memref<1x128xf32, #tpu.memory_space<vmem>>, %arg5: memref<2000x128xf32, #tpu.memory_space<vmem>>) attributes {dimension_semantics = [#tpu.dimension_semantics<arbitrary>], iteration_bounds = array<i64: 5>, scalar_prefetch = 0 : i64, scratch_operands = 0 : i64, tpu.core_type = #tpu.core_type<tc>, window_params = [{transform_indices = @transform_0, window_bounds = array<i64: 2, 2000, 64>}, {transform_indices = @transform_1, window_bounds = array<i64: 2000, 128>}, {transform_indices = @transform_2, window_bounds = array<i64: 2000, 1>}, {pipeline_mode = #tpu.pipeline_mode<synchronous>, transform_indices = @transform_3, window_bounds = array<i64: 1, 128>}, {transform_indices = @transform_4, window_bounds = array<i64: 2000, 128>}]} {
    %get3A = arith.constant 0 : index
    %get3A_0 = arith.constant 0 : index
    %get3A_1 = arith.constant 0 : index
    %get3A_2 = vector.load %arg1[%get3A, %get3A_0, %get3A_1] : memref<2x2000x64xf32, #tpu.memory_space<vmem>>, vector<1x2000x64xf32>
    %get3A_3 = vector.shape_cast %get3A_2 : vector<1x2000x64xf32> to vector<2000x64xf32>
    %get3A_4 = arith.constant 1 : index
    %get3A_5 = arith.constant 0 : index
    %get3A_6 = arith.constant 0 : index
    %get3A_7 = vector.load %arg1[%get3A_4, %get3A_5, %get3A_6] : memref<2x2000x64xf32, #tpu.memory_space<vmem>>, vector<1x2000x64xf32>
    %get3A_8 = vector.shape_cast %get3A_7 : vector<1x2000x64xf32> to vector<2000x64xf32>
    %concatenate3A = tpu.concatenate %get3A_3, %get3A_8 in 1 : vector<2000x64xf32>, vector<2000x64xf32> -> vector<2000x128xf32>
    %get3A_9 = arith.constant 0 : index
    %get3A_10 = arith.constant 0 : index
    %get3A_11 = vector.load %arg3[%get3A_9, %get3A_10] : memref<2000x1xf32, #tpu.memory_space<vmem>>, vector<2000x1xf32>
    %get3A_12 = arith.constant 0 : index
    %get3A_13 = arith.constant 0 : index
    %get3A_14 = vector.load %arg2[%get3A_12, %get3A_13] : memref<2000x128xf32, #tpu.memory_space<vmem>>, vector<2000x128xf32>
    %add3A = arith.addf %concatenate3A, %get3A_14 : vector<2000x128xf32>
    %mul3A = vector.broadcast %get3A_11 : vector<2000x1xf32> to vector<2000x128xf32>
    %mul3A_15 = arith.mulf %mul3A, %add3A : vector<2000x128xf32>
    %get3A_16 = arith.constant 0 : index
    %get3A_17 = arith.constant 0 : index
    %get3A_18 = vector.load %arg4[%get3A_16, %get3A_17] : memref<1x128xf32, #tpu.memory_space<vmem>>, vector<1x128xf32>
    %add3A_19 = vector.broadcast %get3A_18 : vector<1x128xf32> to vector<2000x128xf32>
    %add3A_20 = arith.addf %mul3A_15, %add3A_19 : vector<2000x128xf32>
    %swap3A = arith.constant 0 : index
    %swap3A_21 = arith.constant 0 : index
    %swap3A_22 = vector.load %arg5[%swap3A, %swap3A_21] : memref<2000x128xf32, #tpu.memory_space<vmem>>, vector<2000x128xf32>
    tpu.vector_store %arg5[%swap3A, %swap3A_21], %add3A_20 {strides = array<i32>} : memref<2000x128xf32, #tpu.memory_space<vmem>>, vector<2000x128xf32>,
    return
  }
  func.func @transform_0(%arg0: i32) -> (i32, i32, i32) {
    %c0_i32 = arith.constant 0 : i32
    %c0_i32_0 = arith.constant 0 : i32
    %c0_i32_1 = arith.constant 0 : i32
    return %c0_i32, %arg0, %c0_i32_0 : i32, i32, i32
  }
  func.func @transform_1(%arg0: i32) -> (i32, i32) {
    %c0_i32 = arith.constant 0 : i32
    %c0_i32_0 = arith.constant 0 : i32
    return %arg0, %c0_i32 : i32, i32
  }
  func.func @transform_2(%arg0: i32) -> (i32, i32) {
    %c0_i32 = arith.constant 0 : i32
    %c0_i32_0 = arith.constant 0 : i32
    return %arg0, %c0_i32 : i32, i32
  }
  func.func @transform_3(%arg0: i32) -> (i32, i32) {
    %c0_i32 = arith.constant 0 : i32
    %c0_i32_0 = arith.constant 0 : i32
    %c0_i32_1 = arith.constant 0 : i32
    return %c0_i32, %c0_i32_0 : i32, i32
  }
  func.func @transform_4(%arg0: i32) -> (i32, i32) {
    %c0_i32 = arith.constant 0 : i32
    %c0_i32_0 = arith.constant 0 : i32
    return %arg0, %c0_i32 : i32, i32
  }
}

</mosaic_0001>

<sc_bundles>
// kernel: kernel.12.cloned.1.call-start
scs
__scs_entry_jumppad:
0x0: {  	(pc) =	sbr.rel $0x88, $3  }
0x1: {  	(tag) =	ssettag $0x0;
	lr =	simm.s32 $0x1  }
0x2: {  	[smem:$0x3F9B] =	sst lr;
	_ =	strace $0xD0000000  }
0x3: {  	_ = 	snop  }
0x4: {  	_ = 	snop  }
0x5: {  	_ = 	snop  }
0x6: {  	_ = 	snop  }
0x7: {  	_ = 	snop  }
__scs_overlays_trampoline_lowered:
0x8: {  	[smem:$0x3FAA] =	sst s0  }
0x9: {  	[smem:$0x3FAB] =	sst s1  }
0xa: {  	[smem:$0x3FAC] =	sst s2  }
0xb: {  	[smem:$0x3FAD] =	sst s3  }
0xc: {  	[smem:$0x3FAE] =	sst s4  }
0xd: {  	[smem:$0x3FAF] =	sst s5  }
0xe: {  	[smem:$0x3FB0] =	sst s6  }
0xf: {  	[smem:$0x3FB1] =	sst s7  }
0x10: {  	[smem:$0x3FB2] =	sst s8  }
0x11: {  	[smem:$0x3FB3] =	sst s9;
	s0 =	simm.s32 @!p0 $0x0  }
0x12: {  	s1 =	sld [smem:$0x3F99];
	s0 =	simm.s32 @p0 $0x1  }
0x13: {  	[smem:$0x3FB4] =	sst s0;
	s0 =	simm.s32 @!p1 $0x0  }
0x14: {  	s2 =	sld [smem:$0x3F98];
	s0 =	simm.s32 @p1 $0x1  }
0x15: {  	[smem:$0x3FB5] =	sst s0;
	s0 =	simm.s32 @!p2 $0x0  }
0x16: {  	s3 =	sld [smem:$0x3FDB];
	s0 =	simm.s32 @p2 $0x1  }
0x17: {  	s4 =	simm.s32 $0x1BF5;
	[smem:$0x3FB7] =	sst s0  }
0x18: {  	s0 =	sld [smem:$0x3F9A];
	_ =	swait.ge [sflag:s4], $0x0  }
0x19: {  	s7 =	sld [smem:$0x3F9B]  }
0x1a: {  	s8 =	sadd.s32 $0xFFFFE003, lr  }
0x1b: {  	s9 =	sadd.s32 $0xFFFFFEF7, lr;
	s5 =	simm.s32 $0xFFFFFFFF;
	p2 =	slt.u32 s8, $0xFFFFF086  }
0x1c: {  	p1 =	slt.u32 s9, $0xF7A;
	s5 =	simm.s32 @!p2 $0x0  }
0x1d: {  	s5 =	simm.s32 @p1 $0x1;
	p0 =	seq.s32 s7, s2  }
0x1e: {  	s7 =	smul.u32 @!p0 $0xF7A, s2;
	p2 =	seq.s32 @!p0 s5, $0x0  }
0x1f: {  	s9 =	smul.u32 $0xF7A, s1;
	s8 =	simm.s32 @!p0 $0x1BF5;
	p2 =	por !p2, p0  }
0x20: {  	[sflag:s8] =	ssyncset.s32 @!p0 $0xFFFFF086;
	s6 =	sadd.s32 @!p0 s3, s7;
	s7 =	simm.s32 @!p0 $0x108  }
0x21: {  	s3 =	sadd.s32 s3, s9;
	s6 =	sadd.s32 @!p0 $0x88, s6;
	s7 =	simm.s32 @p2 $0x1082  }
0x22: {  	[simem:s7], [sflag:s8] =	dma.local @!p0 [hbm:s6], $0xF7A  }
0x23: {  	s9 =	sor.u32 $0xD0000000, s2;
	s6 =	simm.s32 $0x108;
	_ =	swait.ge @!p0 [sflag:s8], $0x0  }
0x24: {  	s3 =	sadd.s32 $0x88, s3;
	s6 =	simm.s32 @!p1 $0x1082;
	[sflag:s4] =	ssyncset.s32 $0xFFFFF086  }
0x25: {  	[simem:s6], [sflag:s4] =	dma.local [hbm:s3], $0xF7A  }
0x26: {  	[smem:$0x3F9B] =	sst s1;
	(tag) =	ssettag s2;
	_ =	strace s9  }
0x27: {  	s1 =	sld [smem:$0x3FAB]  }
0x28: {  	s2 =	sld [smem:$0x3FAC]  }
0x29: {  	s4 =	sld [smem:$0x3FAE]  }
0x2a: {  	p0 =	seq.s32 s5, $0x0;
	s5 =	sld [smem:$0x3FAF]  }
0x2b: {  	s6 =	sld [smem:$0x3FB0]  }
0x2c: {  	s7 =	sld [smem:$0x3FB1]  }
0x2d: {  	s3 =	simm.s32 $0x108;
	s8 =	sld [smem:$0x3FB2]  }
0x2e: {  	s3 =	simm.s32 @!p0 $0x1082;
	s9 =	sld [smem:$0x3FB3]  }
0x2f: {  	lr =	sadd.s32 s0, s3;
	s0 =	sld [smem:$0x3FAA]  }
0x30: {  	s3 =	sld [smem:$0x3FAD]  }
0x31: {  	[smem:$0x3FB6] =	sst s10  }
0x32: {  	s10 =	sld [smem:$0x3FB4];
	_ =	sdelay $0x3  }
0x33: {  	p0 =	seq.s32 s10, $0x1;
	s10 =	sld [smem:$0x3FB6];
	_ =	sdelay $0x3  }
0x34: {  	[smem:$0x3FB6] =	sst s10  }
0x35: {  	s10 =	sld [smem:$0x3FB5];
	_ =	sdelay $0x3  }
0x36: {  	p1 =	seq.s32 s10, $0x1;
	s10 =	sld [smem:$0x3FB6];
	_ =	sdelay $0x3  }
0x37: {  	[smem:$0x3FB6] =	sst s10  }
0x38: {  	s10 =	sld [smem:$0x3FB7]  }
0x39: {  	_ = 	snop;
	(pc) =	sbr.ind lr, $3  }
0x3a: {  	_ = 	snop  }
0x3b: {  	_ = 	snop  }
0x3c: {  	p2 =	seq.s32 s10, $0x1;
	s10 =	sld [smem:$0x3FB6]  }
0x3d: {  	_ =	shalt  }
0x3e: {  	_ =	shalt  }
0x3f: {  	_ =	shalt  }
0x40: {  	_ =	shalt  }
0x41: {  	_ =	shalt  }
0x42: {  	_ =	shalt  }
0x43: {  	_ =	shalt  }
0x44: {  	_ =	shalt  }
0x45: {  	_ =	shalt  }
0x46: {  	_ =	shalt  }
0x47: {  	_ =	shalt  }
0x48: {  	_ =	shalt  }
0x49: {  	_ =	shalt  }
0x4a: {  	_ =	shalt  }
0x4b: {  	_ =	shalt  }
0x4c: {  	_ =	shalt  }
0x4d: {  	_ =	shalt  }
0x4e: {  	_ =	shalt  }
0x4f: {  	_ =	shalt  }
0x50: {  	_ =	shalt  }
0x51: {  	_ =	shalt  }
0x52: {  	_ =	shalt  }
0x53: {  	_ =	shalt  }
0x54: {  	_ =	shalt  }
0x55: {  	_ =	shalt  }
0x56: {  	_ =	shalt  }
0x57: {  	_ =	shalt  }
0x58: {  	_ =	shalt  }
0x59: {  	_ =	shalt  }
0x5a: {  	_ =	shalt  }
0x5b: {  	_ =	shalt  }
0x5c: {  	_ =	shalt  }
0x5d: {  	_ =	shalt  }
0x5e: {  	_ =	shalt  }
0x5f: {  	_ =	shalt  }
0x60: {  	_ =	shalt  }
0x61: {  	_ =	shalt  }
0x62: {  	_ =	shalt  }
0x63: {  	_ =	shalt  }
0x64: {  	_ =	shalt  }
0x65: {  	_ =	shalt  }
0x66: {  	_ =	shalt  }
0x67: {  	_ =	shalt  }
0x68: {  	_ =	shalt  }
0x69: {  	_ =	shalt  }
0x6a: {  	_ =	shalt  }
0x6b: {  	_ =	shalt  }
0x6c: {  	_ =	shalt  }
0x6d: {  	_ =	shalt  }
0x6e: {  	_ =	shalt  }
0x6f: {  	_ =	shalt  }
0x70: {  	_ =	shalt  }
0x71: {  	_ =	shalt  }
0x72: {  	_ =	shalt  }
0x73: {  	_ =	shalt  }
0x74: {  	_ =	shalt  }
0x75: {  	_ =	shalt  }
0x76: {  	_ =	shalt  }
0x77: {  	_ =	shalt  }
0x78: {  	_ =	shalt  }
0x79: {  	_ =	shalt  }
0x7a: {  	_ =	shalt  }
0x7b: {  	_ =	shalt  }
0x7c: {  	_ =	shalt  }
0x7d: {  	_ =	shalt  }
0x7e: {  	_ =	shalt  }
0x7f: {  	_ =	shalt  }
0x80: {  	_ =	shalt  }
0x81: {  	_ =	shalt  }
0x82: {  	_ =	shalt  }
0x83: {  	_ =	shalt  }
0x84: {  	_ =	shalt  }
0x85: {  	_ =	shalt  }
0x86: {  	_ =	shalt  }
0x87: {  	_ =	shalt  }
.Lfunc_end0:
.L_simem_size_0:
called_computation.1_lowered:
.L_overlay_start_0:
0x88: {  	s2 =	sld [smem:$0x3FD9]  }
0x89: {  	s3 =	sld [smem:$0x3FFE];
	_ =	sdelay $0x1  }
0x8a: {  	s1 =	srdreg.scid  }
0x8b: {  	s0 =	sand.u32 $0x1, s1  }
0x8c: {  	s17 =	sshll.u32 s0, $0xA;
	s2 =	sadd.s32 s3, s2  }
0x8d: {  	s2 =	sadd.s32 s2, s17  }
0x8e: {  	[smem:$0x3FC2] =	sst s2  }
0x8f: {  	_ = 	snop  }
0x90: {  	s2 =	sld [smem:$0x3FD0];
	(tm) =	ssettm $0x1  }
0x91: {  	s18 =	sld [smem:$0x3FFB];
	_ =	sdelay $0x3  }
0x92: {  	_ =	strace s18  }
0x93: {  	s3 =	sld [smem:$0x3FFC];
	_ =	sdelay $0x3  }
0x94: {  	_ =	strace s3  }
0x95: {  	s3 =	sld [smem:$0x3FFD];
	_ =	sdelay $0x3  }
0x96: {  	_ =	strace s3  }
0x97: {  	_ =	strace $0x8FFFFFFF  }
0x98: {  	s19 =	sld [smem:$0x3FDB];
	_ =	sdelay $0x1  }
0x99: {  	s4 =	simm.s32 $_scs_section_size  }
0x9a: {  	s5 =	simm.s32 $_size__tile_overlayer_lowered;
	s6 =	simm.s32 $_tile_overlayer_lowered  }
0x9b: {  	s22 =	simm.s32 $0x1BFF;
	s21 =	sshll.u32 s6, $0x1;
	s3 =	sadd.s32 s4, s19  }
0x9c: {  	s7 =	simm.s32 $0x0;
	s20 =	sshll.u32 s5, $0x1;
	s5 =	sadd.s32 s21, s3  }
0x9d: {  	[timem:s7], [sflag:s22] =	dma.local [hbm:s5], s20  }
0x9e: {  	_ =	swait.ge [sflag:s22], s20  }
0x9f: {  	s4 =	ssub.s32 $0x0, s20;
	[sflag:s22] =	ssyncset.done $0x0  }
0xa0: {  	[sflag:s22] =	ssyncadd.s32 s4;
	_ =	sdelay $0x1  }
0xa1: {  	s23 =	simm.s32 $0x1B8B  }
0xa2: {  	_ =	swait.ge [sflag:s23], $0x1  }
0xa3: {  	[sflag:s23] =	ssyncset.done $0x0  }
0xa4: {  	s25 =	simm.s32 $0x1B8E;
	s24 =	sld [smem:$0x3FFE];
	[sflag:s23] =	ssyncadd.s32 $0xFFFFFFFF  }
0xa5: {  	s26 =	simm.s32 $execute0_lowered;
	[smem:$0x3FD2] =	sst s25  }
0xa6: {  	s5 =	sshll.u32 s26, $0x1;
	_ =	strace $0x80000049;
	[dreg:$0x1] =	wrdreg $0xFFFFFFFF  }
0xa7: {  	s28 =	simm.s32 $_size_execute0_lowered;
	s3 =	sadd.s32 s3, s5;
	[dreg:$0x0] =	wrdreg $0x0  }
0xa8: {  	s5 =	sshll.u32 s28, $0x1;
	[dreg:$0x2] =	wrdreg s3  }
0xa9: {  	[dreg:$0x3] =	wrdreg s5  }
0xaa: {  	[dreg:$0x4] =	wrdreg $0xC0  }
0xab: {  	_ =	task [dreg:s7], $0x5FFFF  }
0xac: {  	[dreg:$0x1] =	wrdreg $0xFFFFFFFF  }
0xad: {  	[dreg:$0x0] =	wrdreg $0x60  }
0xae: {  	[dreg:$0x2] =	wrdreg s2  }
0xaf: {  	[dreg:$0x3] =	wrdreg s24  }
0xb0: {  	[dreg:$0x4] =	wrdreg $0x100400  }
0xb1: {  	[dreg:$0x5] =	wrdreg $0x9  }
0xb2: {  	_ =	task.clear_ibuf [dreg:s7], $0x6FFFF;
	_ =	strace $0x90000049  }
0xb3: {  	s29 =	simm.s32 $0x9;
	_ =	strace $0x8000004B  }
0xb4: {  	_ =	swait.ge [sflag:s29], $0x1  }
0xb5: {  	[sflag:s29] =	ssyncadd.s32 $0xFFFFFFFF  }
0xb6: {  	_ =	strace $0x9000004B  }
0xb7: {  	_ =	sfence  }
0xb8: {  	s30 =	sld [smem:$0x0];
	_ =	sdelay $0x2  }
0xb9: {  	s31 =	sshll.u32 s1, $0xD;
	s1 =	sshrl.u32 s1, $0x2  }
0xba: {  	s3 =	sand.u32 $0x4000, s31;
	s1 =	sadd.s32 s1, s30  }
0xbb: {  	s0 =	sor.u32 s3, s0;
	s1 =	sshll.u32 s1, $0x11  }
0xbc: {  	s0 =	sor.u32 s1, s0  }
0xbd: {  	s0 =	sadd.s32 $0x8F2B, s0  }
0xbe: {  	[sflag:s0] =	ssyncadd.remote.s32 $0x1  }
0xbf: {  	_ =	sfence.sel $0xFFFF  }
0xc0: {  	[dreg:$0x0] =	wrdreg $0xFFFFFFFF;
	(pc) =	sbr.abs _section_cstart, $3  }
0xc1: {  	[dreg:$0x1] =	wrdreg $0xFFFFFFFF  }
0xc2: {  	_ =	task.clear_ibuf [dreg:s7], $0x2FFFF;
	_ =	strace $0x9FFFFFFF  }
0xc3: {  	(tm) =	ssettm $0x7FFFFFFF  }
tec
execute0_lowered:
.L_overlay_start_1:
0x0: {  	(tag) =	ssettag $0x1  }
0x1: {  	s2 =	rddreg [dreg:$0x0]  }
0x2: {  	s0 =	srdreg.scid;
	s6 =	rddreg [dreg:$0x1]  }
0x3: {  	s16 =	stileid.u32;
	s3 =	rddreg [dreg:$0x2]  }
0x4: {  	s4 =	simm.s32 $0x0;
	s14 =	simm.s32 $0x6;
	s29 =	simm.s32 $0xD840  }
0x5: {  	s31 =	simm.s32 $0xEC40;
	s28 =	simm.s32 $0x5;
	s5 =	smul.u32 $0x9C4, s16  }
0x6: {  	s30 =	simm.s32 $0x0;
	s0 =	sand.u32 $0x1, s0;
	s7 =	smul.u32 $0x271, s16  }
0x7: {  	[smem:$0x7FF] =	sst s4;
	s21 =	smul.u32 $0x27100, s16;
	s26 =	sshll.u32 s16, $0x6  }
0x8: {  	s1 =	sshll.u32 s0, $0x4;
	s8 =	smul.u32 $0x2710, s0;
	_ =	strace $0x8000004A  }
0x9: {  	s0 =	ssub.s32 $0x2, s0;
	s1 =	sor.u32 s16, s1;
	s9 =	sadd.s32 s5, s6  }
0xa: {  	s5 =	sadd.s32 $0x20000, s6;
	s10 =	sshrl.u32 s0, $0x1;
	s22 =	sshrl.u32 s21, $0x2  }
0xb: {  	s16 =	sor.u32 $0x1C06, s26;
	s26 =	simm.s32 $0xC440;
	s1 =	smul.u32 $0x9C4, s1  }
0xc: {  	s7 =	sadd.s32 s7, s8;
	s0 =	ssub.s32 s0, s10;
	s23 =	sadd.s32 $0x2400, s9  }
0xd: {  	s24 =	sadd.s32 s22, s3;
	s22 =	simm.s32 $0x50;
	s7 =	sshll.u32 s7, $0x3  }
0xe: {  	[dreg:$0x5] =	wrdreg s23;
	s15 =	sadd.s32 $0x3E80, s24;
	s20 =	sadd.s32 $0x5DC0, s24  }
0xf: {  	s21 =	sadd.s32 $0x7D00, s24;
	s13 =	smax.u32 s0, $0x1;
	s17 =	sshrl.u32 s24, $0x3  }
0x10: {  	s23 =	simm.s32 $0x9C40;
	s0 =	simm.s32 $0x2;
	s1 =	sadd.s32 s1, s6  }
0x11: {  	s6 =	sadd.s32 s7, s6;
	s7 =	sadd.s32 $0x1F40, s24;
	s19 =	sshrl.u32 s15, $0x3  }
0x12: {  	s20 =	sshrl.u32 s20, $0x3;
	s21 =	sshrl.u32 s21, $0x3;
	s24 =	simm.s32 $0xB040  }
0x13: {  	s15 =	simm.s32 $0x3;
	s1 =	sadd.s32 $0xC600, s1;
	s25 =	sadd.s32 $0x20400, s6  }
0x14: {  	s9 =	sadd.s32 $0x207E8, s6;
	s10 =	sadd.s32 $0x20BD0, s6;
	s11 =	sadd.s32 $0x20FB8, s6  }
0x15: {  	s12 =	sadd.s32 $0x213A0, s6;
	s18 =	sshrl.u32 s7, $0x3;
	[dreg:$0x4] =	wrdreg s1  }
0x16: {  	[dreg:$0x6] =	wrdreg s25;
	s1 =	simm.s32 $0x1;
	s25 =	simm.s32 $0x4  }
.LBB2_1:
0x17: {  	s6 =	rddreg [dreg:$0x4]  }
0x18: {  	[tilespmem:s4], [sflag:$0x6] =	stream.linear.gather [hbm4b:s6+s4], $0x4E20, $0x38;
	[tilespmem:$0x19C80] =	vst v63  }
0x19: {  	_ =	swait.ge [sflag:s14], $0x4E20  }
0x1a: {  	[sflag:s14] =	ssyncset.done $0x0  }
0x1b: {  	s7 =	simm.s32 $0x4E20;
	s8 =	rddreg [dreg:$0x5];
	[sflag:s14] =	ssyncadd.s32 $0xFFFFB1E0  }
0x1c: {  	[tilespmem:s7], [sflag:$0x6] =	stream.linear.gather [hbm4b:s8+s4], $0x4E20, $0x38;
	[tilespmem:$0x19C80] =	vst v63  }
0x1d: {  	_ =	swait.ge [sflag:s14], $0x4E20  }
0x1e: {  	[sflag:s14] =	ssyncset.done $0x0  }
0x1f: {  	[sflag:s14] =	ssyncadd.s32 $0xFFFFB1E0  }
0x20: {  	[spmem:s17], [sflag:s16] =	dma.local [hbm:s5], $0x3E8  }
0x21: {  	_ =	swait.ge [sflag:s14], $0x3E8  }
0x22: {  	[sflag:s14] =	ssyncset.done $0x0  }
0x23: {  	[sflag:s14] =	ssyncadd.s32 $0xFFFFFC18  }
0x24: {  	[spmem:s18], [sflag:s16] =	dma.local [hbm:s5], $0x3E8  }
0x25: {  	_ =	swait.ge [sflag:s14], $0x3E8  }
0x26: {  	[sflag:s14] =	ssyncset.done $0x0  }
0x27: {  	[sflag:s14] =	ssyncadd.s32 $0xFFFFFC18  }
0x28: {  	[spmem:s19], [sflag:s16] =	dma.local [hbm:s5], $0x3E8  }
0x29: {  	_ =	swait.ge [sflag:s14], $0x3E8  }
0x2a: {  	[sflag:s14] =	ssyncset.done $0x0  }
0x2b: {  	[sflag:s14] =	ssyncadd.s32 $0xFFFFFC18  }
0x2c: {  	[spmem:s20], [sflag:s16] =	dma.local [hbm:s5], $0x3E8  }
0x2d: {  	_ =	swait.ge [sflag:s14], $0x3E8  }
0x2e: {  	[sflag:s14] =	ssyncset.done $0x0  }
0x2f: {  	[sflag:s14] =	ssyncadd.s32 $0xFFFFFC18  }
0x30: {  	[spmem:s21], [sflag:s16] =	dma.local [hbm:s5], $0x3E8  }
0x31: {  	_ =	swait.ge [sflag:s14], $0x3E8  }
0x32: {  	[sflag:s14] =	ssyncset.done $0x0  }
0x33: {  	[sflag:s14] =	ssyncadd.s32 $0xFFFFFC18  }
0x34: {  	[bflag:$0x0] =	sbarrier.arrive $0xFFFF  }
0x35: {  	[tilespmem:s23], [sflag:$0x1] =	stream.indirect.gather [hbm4b:s2+s22], $0x40, s4, s22, $0xb8;
	[tilespmem:$0x19C80] =	vst v63  }
0x36: {  	_ = 	snop  }
0x37: {  	[tilespmem:s24], [sflag:$0x2] =	stream.indirect.gather [hbm4b:s2+s22], $0x40, s22, s22, $0xb8;
	[tilespmem:$0x19C80] =	vst v63  }
0x38: {  	s7 =	simm.s32 $0xA0  }
0x39: {  	[tilespmem:s26], [sflag:$0x3] =	stream.indirect.gather [hbm4b:s2+s22], $0x40, s7, s22, $0xb8;
	[tilespmem:$0x19C80] =	vst v63  }
0x3a: {  	s8 =	simm.s32 $0xF0  }
0x3b: {  	[tilespmem:s29], [sflag:$0x4] =	stream.indirect.gather [hbm4b:s2+s22], $0x40, s8, s22, $0xb8;
	[tilespmem:$0x19C80] =	vst v63  }
0x3c: {  	s7 =	simm.s32 $0x140  }
0x3d: {  	[tilespmem:s31], [sflag:$0x5] =	stream.indirect.gather [hbm4b:s2+s22], $0x40, s7, s22, $0xb8;
	[tilespmem:$0x19C80] =	vst v63  }
0x3e: {  	_ =	swait.ge [sflag:s1], $0x1400  }
0x3f: {  	[sflag:s1] =	ssyncset.done $0x0  }
0x40: {  	s8 =	simm.s32 $0x4E20;
	[sflag:s1] =	ssyncadd.s32 $0xFFFFEC00  }
0x41: {  	[spmem:s3] =	stream.indirect.scatter.add.f32 [tilespmem:s23], [sflag:$0x6], $0x40, s8, s22, $0xb8;
	[tilespmem:$0x19C80] =	vst v63  }
0x42: {  	_ =	swait.ge [sflag:s14], $0x1400  }
0x43: {  	[sflag:s14] =	ssyncset.done $0x0  }
0x44: {  	s7 =	simm.s32 $0x190;
	[sflag:s14] =	ssyncadd.s32 $0xFFFFEC00  }
0x45: {  	[tilespmem:s23], [sflag:$0x1] =	stream.indirect.gather [hbm4b:s2+s22], $0x40, s7, s22, $0xb8;
	[tilespmem:$0x19C80] =	vst v63  }
0x46: {  	_ =	swait.ge [sflag:s0], $0x1400  }
0x47: {  	[sflag:s0] =	ssyncset.done $0x0  }
0x48: {  	s8 =	simm.s32 $0x4E70;
	[sflag:s0] =	ssyncadd.s32 $0xFFFFEC00  }
0x49: {  	[spmem:s3] =	stream.indirect.scatter.add.f32 [tilespmem:s24], [sflag:$0x6], $0x40, s8, s22, $0xb8;
	[tilespmem:$0x19C80] =	vst v63  }
0x4a: {  	_ =	swait.ge [sflag:s14], $0x1400  }
0x4b: {  	[sflag:s14] =	ssyncset.done $0x0  }
0x4c: {  	s7 =	simm.s32 $0x1E0;
	[sflag:s14] =	ssyncadd.s32 $0xFFFFEC00  }
0x4d: {  	[tilespmem:s24], [sflag:$0x2] =	stream.indirect.gather [hbm4b:s2+s22], $0x40, s7, s22, $0xb8;
	[tilespmem:$0x19C80] =	vst v63  }
0x4e: {  	_ =	swait.ge [sflag:s15], $0x1400  }
0x4f: {  	[sflag:s15] =	ssyncset.done $0x0  }
0x50: {  	s8 =	simm.s32 $0x4EC0;
	[sflag:s15] =	ssyncadd.s32 $0xFFFFEC00  }
0x51: {  	[spmem:s3] =	stream.indirect.scatter.add.f32 [tilespmem:s26], [sflag:$0x6], $0x40, s8, s22, $0xb8;
	[tilespmem:$0x19C80] =	vst v63  }
0x52: {  	_ =	swait.ge [sflag:s14], $0x1400  }
0x53: {  	[sflag:s14] =	ssyncset.done $0x0  }
0x54: {  	s7 =	simm.s32 $0x230;
	[sflag:s14] =	ssyncadd.s32 $0xFFFFEC00  }
0x55: {  	[tilespmem:s26], [sflag:$0x3] =	stream.indirect.gather [hbm4b:s2+s22], $0x40, s7, s22, $0xb8;
	[tilespmem:$0x19C80] =	vst v63  }
0x56: {  	_ =	swait.ge [sflag:s25], $0x1400  }
0x57: {  	[sflag:s25] =	ssyncset.done $0x0  }
0x58: {  	s8 =	simm.s32 $0x4F10;
	[sflag:s25] =	ssyncadd.s32 $0xFFFFEC00  }
0x59: {  	[spmem:s3] =	stream.indirect.scatter.add.f32 [tilespmem:s29], [sflag:$0x6], $0x40, s8, s22, $0xb8;
	[tilespmem:$0x19C80] =	vst v63  }
0x5a: {  	_ =	swait.ge [sflag:s14], $0x1400  }
0x5b: {  	[sflag:s14] =	ssyncset.done $0x0  }
0x5c: {  	s7 =	simm.s32 $0x280;
	[sflag:s14] =	ssyncadd.s32 $0xFFFFEC00  }
0x5d: {  	[tilespmem:s29], [sflag:$0x4] =	stream.indirect.gather [hbm4b:s2+s22], $0x40, s7, s22, $0xb8;
	[tilespmem:$0x19C80] =	vst v63  }
0x5e: {  	_ =	swait.ge [sflag:s28], $0x1400  }
0x5f: {  	[sflag:s28] =	ssyncset.done $0x0  }
0x60: {  	s8 =	simm.s32 $0x4F60;
	[sflag:s28] =	ssyncadd.s32 $0xFFFFEC00  }
0x61: {  	[spmem:s3] =	stream.indirect.scatter.add.f32 [tilespmem:s31], [sflag:$0x6], $0x40, s8, s22, $0xb8;
	[tilespmem:$0x19C80] =	vst v63  }
0x62: {  	_ =	swait.ge [sflag:s14], $0x1400  }
0x63: {  	[sflag:s14] =	ssyncset.done $0x0  }
0x64: {  	s6 =	simm.s32 $0x640;
	s7 =	simm.s32 $0x2D0;
	[sflag:s14] =	ssyncadd.s32 $0xFFFFEC00  }
.LBB2_2:
0x65: {  	[tilespmem:s31], [sflag:$0x5] =	stream.indirect.gather [hbm4b:s2+s22], $0x40, s7, s22, $0xb8;
	[tilespmem:$0x19C80] =	vst v63  }
0x66: {  	s7 =	smov.u32 s6  }
0x67: {  	p0 =	sne.s32 s6, $0x12C00;
	s6 =	sadd.s32 $0x640, s6;
	_ =	swait.ge [sflag:s1], $0x1400  }
0x68: {  	s7 =	sshra.s32 s7, $0x2;
	[sflag:s1] =	ssyncset.done $0x0  }
0x69: {  	s8 =	sadd.s32 $0x4E20, s7;
	[sflag:s1] =	ssyncadd.s32 $0xFFFFEC00  }
0x6a: {  	[spmem:s3] =	stream.indirect.scatter.add.f32 [tilespmem:s23], [sflag:$0x6], $0x40, s8, s22, $0xb8;
	[tilespmem:$0x19C80] =	vst v63  }
0x6b: {  	_ =	swait.ge [sflag:s14], $0x1400  }
0x6c: {  	[sflag:s14] =	ssyncset.done $0x0  }
0x6d: {  	s8 =	sadd.s32 $0x190, s7;
	[sflag:s14] =	ssyncadd.s32 $0xFFFFEC00  }
0x6e: {  	[tilespmem:s23], [sflag:$0x1] =	stream.indirect.gather [hbm4b:s2+s22], $0x40, s8, s22, $0xb8;
	[tilespmem:$0x19C80] =	vst v63  }
0x6f: {  	_ =	swait.ge [sflag:s0], $0x1400  }
0x70: {  	[sflag:s0] =	ssyncset.done $0x0  }
0x71: {  	s8 =	sadd.s32 $0x4E70, s7;
	[sflag:s0] =	ssyncadd.s32 $0xFFFFEC00  }
0x72: {  	[spmem:s3] =	stream.indirect.scatter.add.f32 [tilespmem:s24], [sflag:$0x6], $0x40, s8, s22, $0xb8;
	[tilespmem:$0x19C80] =	vst v63  }
0x73: {  	_ =	swait.ge [sflag:s14], $0x1400  }
0x74: {  	[sflag:s14] =	ssyncset.done $0x0  }
0x75: {  	s8 =	sadd.s32 $0x1E0, s7;
	[sflag:s14] =	ssyncadd.s32 $0xFFFFEC00  }
0x76: {  	[tilespmem:s24], [sflag:$0x2] =	stream.indirect.gather [hbm4b:s2+s22], $0x40, s8, s22, $0xb8;
	[tilespmem:$0x19C80] =	vst v63  }
0x77: {  	_ =	swait.ge [sflag:s15], $0x1400  }
0x78: {  	[sflag:s15] =	ssyncset.done $0x0  }
0x79: {  	s8 =	sadd.s32 $0x4EC0, s7;
	[sflag:s15] =	ssyncadd.s32 $0xFFFFEC00  }
0x7a: {  	[spmem:s3] =	stream.indirect.scatter.add.f32 [tilespmem:s26], [sflag:$0x6], $0x40, s8, s22, $0xb8;
	[tilespmem:$0x19C80] =	vst v63  }
0x7b: {  	_ =	swait.ge [sflag:s14], $0x1400  }
0x7c: {  	[sflag:s14] =	ssyncset.done $0x0  }
0x7d: {  	s8 =	sadd.s32 $0x230, s7;
	[sflag:s14] =	ssyncadd.s32 $0xFFFFEC00  }
0x7e: {  	[tilespmem:s26], [sflag:$0x3] =	stream.indirect.gather [hbm4b:s2+s22], $0x40, s8, s22, $0xb8;
	[tilespmem:$0x19C80] =	vst v63  }
0x7f: {  	_ =	swait.ge [sflag:s25], $0x1400  }
0x80: {  	[sflag:s25] =	ssyncset.done $0x0  }
0x81: {  	s8 =	sadd.s32 $0x4F10, s7;
	[sflag:s25] =	ssyncadd.s32 $0xFFFFEC00  }
0x82: {  	[spmem:s3] =	stream.indirect.scatter.add.f32 [tilespmem:s29], [sflag:$0x6], $0x40, s8, s22, $0xb8;
	[tilespmem:$0x19C80] =	vst v63  }
0x83: {  	_ =	swait.ge [sflag:s14], $0x1400  }
0x84: {  	[sflag:s14] =	ssyncset.done $0x0  }
0x85: {  	s8 =	sadd.s32 $0x280, s7;
	[sflag:s14] =	ssyncadd.s32 $0xFFFFEC00  }
0x86: {  	[tilespmem:s29], [sflag:$0x4] =	stream.indirect.gather [hbm4b:s2+s22], $0x40, s8, s22, $0xb8;
	[tilespmem:$0x19C80] =	vst v63  }
0x87: {  	_ =	swait.ge [sflag:s28], $0x1400  }
0x88: {  	[sflag:s28] =	ssyncset.done $0x0  }
.Ltmp0:
0x89: {  	s8 =	sadd.s32 $0x4F60, s7;
	[sflag:s28] =	ssyncadd.s32 $0xFFFFEC00;
	(pc) =	sbr.rel @p0 .LBB2_2-.Ltmp0, $4  }
0x8a: {  	[spmem:s3] =	stream.indirect.scatter.add.f32 [tilespmem:s31], [sflag:$0x6], $0x40, s8, s22, $0xb8;
	[tilespmem:$0x19C80] =	vst v63  }
0x8b: {  	_ =	swait.ge [sflag:s14], $0x1400  }
0x8c: {  	[sflag:s14] =	ssyncset.done $0x0  }
0x8d: {  	s7 =	sadd.s32 $0x2D0, s7;
	[sflag:s14] =	ssyncadd.s32 $0xFFFFEC00  }
0x8e: {  	[tilespmem:s31], [sflag:$0x5] =	stream.indirect.gather [hbm4b:s2+s22], $0x40, s7, s22, $0xb8;
	[tilespmem:$0x19C80] =	vst v63  }
0x8f: {  	_ =	swait.ge [sflag:s1], $0x1400  }
0x90: {  	[sflag:s1] =	ssyncset.done $0x0  }
0x91: {  	s6 =	simm.s32 $0x9AB0;
	[sflag:s1] =	ssyncadd.s32 $0xFFFFEC00  }
0x92: {  	[spmem:s3] =	stream.indirect.scatter.add.f32 [tilespmem:s23], [sflag:$0x6], $0x40, s6, s22, $0xb8;
	[tilespmem:$0x19C80] =	vst v63  }
0x93: {  	_ =	swait.ge [sflag:s14], $0x1400  }
0x94: {  	[sflag:s14] =	ssyncset.done $0x0  }
0x95: {  	[sflag:s14] =	ssyncadd.s32 $0xFFFFEC00  }
0x96: {  	_ =	swait.ge [sflag:s0], $0x1400  }
0x97: {  	[sflag:s0] =	ssyncset.done $0x0  }
0x98: {  	s8 =	simm.s32 $0x9B00;
	[sflag:s0] =	ssyncadd.s32 $0xFFFFEC00  }
0x99: {  	[spmem:s3] =	stream.indirect.scatter.add.f32 [tilespmem:s24], [sflag:$0x6], $0x40, s8, s22, $0xb8;
	[tilespmem:$0x19C80] =	vst v63  }
0x9a: {  	_ =	swait.ge [sflag:s14], $0x1400  }
0x9b: {  	[sflag:s14] =	ssyncset.done $0x0  }
0x9c: {  	[sflag:s14] =	ssyncadd.s32 $0xFFFFEC00  }
0x9d: {  	_ =	swait.ge [sflag:s15], $0x1400  }
0x9e: {  	[sflag:s15] =	ssyncset.done $0x0  }
0x9f: {  	s7 =	simm.s32 $0x9B50;
	[sflag:s15] =	ssyncadd.s32 $0xFFFFEC00  }
0xa0: {  	[spmem:s3] =	stream.indirect.scatter.add.f32 [tilespmem:s26], [sflag:$0x6], $0x40, s7, s22, $0xb8;
	[tilespmem:$0x19C80] =	vst v63  }
0xa1: {  	_ =	swait.ge [sflag:s14], $0x1400  }
0xa2: {  	[sflag:s14] =	ssyncset.done $0x0  }
0xa3: {  	[sflag:s14] =	ssyncadd.s32 $0xFFFFEC00  }
0xa4: {  	_ =	swait.ge [sflag:s25], $0x1400  }
0xa5: {  	[sflag:s25] =	ssyncset.done $0x0  }
0xa6: {  	s8 =	simm.s32 $0x9BA0;
	[sflag:s25] =	ssyncadd.s32 $0xFFFFEC00  }
0xa7: {  	[spmem:s3] =	stream.indirect.scatter.add.f32 [tilespmem:s29], [sflag:$0x6], $0x40, s8, s22, $0xb8;
	[tilespmem:$0x19C80] =	vst v63  }
0xa8: {  	_ =	swait.ge [sflag:s14], $0x1400  }
0xa9: {  	[sflag:s14] =	ssyncset.done $0x0  }
0xaa: {  	[sflag:s14] =	ssyncadd.s32 $0xFFFFEC00  }
0xab: {  	_ =	swait.ge [sflag:s28], $0x1400  }
0xac: {  	[sflag:s28] =	ssyncset.done $0x0  }
0xad: {  	s7 =	simm.s32 $0x9BF0;
	[sflag:s28] =	ssyncadd.s32 $0xFFFFEC00  }
0xae: {  	[spmem:s3] =	stream.indirect.scatter.add.f32 [tilespmem:s31], [sflag:$0x6], $0x40, s7, s22, $0xb8;
	[tilespmem:$0x19C80] =	vst v63  }
0xaf: {  	_ =	swait.ge [sflag:s14], $0x1400  }
0xb0: {  	[sflag:s14] =	ssyncset.done $0x0  }
0xb1: {  	[sflag:s14] =	ssyncadd.s32 $0xFFFFEC00  }
0xb2: {  	[bflag:$0x0] =	sbarrier.arrive $0xFFFF  }
0xb3: {  	s8 =	rddreg [dreg:$0x6]  }
0xb4: {  	[hbm:s8], [sflag:s16] =	dma.local [spmem:s17], $0x3E8  }
0xb5: {  	_ =	swait.ge [sflag:s14], $0x3E8  }
0xb6: {  	[sflag:s14] =	ssyncset.done $0x0  }
0xb7: {  	[sflag:s14] =	ssyncadd.s32 $0xFFFFFC18  }
0xb8: {  	[hbm:s9], [sflag:s16] =	dma.local [spmem:s18], $0x3E8  }
0xb9: {  	_ =	swait.ge [sflag:s14], $0x3E8  }
0xba: {  	[sflag:s14] =	ssyncset.done $0x0  }
0xbb: {  	[sflag:s14] =	ssyncadd.s32 $0xFFFFFC18  }
0xbc: {  	[hbm:s10], [sflag:s16] =	dma.local [spmem:s19], $0x3E8  }
0xbd: {  	_ =	swait.ge [sflag:s14], $0x3E8  }
0xbe: {  	[sflag:s14] =	ssyncset.done $0x0  }
0xbf: {  	[sflag:s14] =	ssyncadd.s32 $0xFFFFFC18  }
0xc0: {  	[hbm:s11], [sflag:s16] =	dma.local [spmem:s20], $0x3E8  }
0xc1: {  	s30 =	sadd.s32 $0x1, s30;
	_ =	swait.ge [sflag:s14], $0x3E8  }
0xc2: {  	p0 =	sne.s32 s30, s13;
	[sflag:s14] =	ssyncset.done $0x0  }
.Ltmp1:
0xc3: {  	[sflag:s14] =	ssyncadd.s32 $0xFFFFFC18;
	(pc) =	sbr.rel @p0 .LBB2_1-.Ltmp1, $4  }
0xc4: {  	[hbm:s12], [sflag:s16] =	dma.local [spmem:s21], $0x3E8  }
0xc5: {  	_ =	swait.ge [sflag:s14], $0x3E8  }
0xc6: {  	[sflag:s14] =	ssyncset.done $0x0  }
0xc7: {  	[sflag:s14] =	ssyncadd.s32 $0xFFFFFC18  }
0xc8: {  	_ =	sfence.sel $0x180000  }
0xc9: {  	[bflag:$0x0] =	sbarrier.arrive $0xFFFF  }
0xca: {  	_ =	strace $0x9000004A  }
0xcb: {  	s0 =	stileid.u32;
	[bflag:$0x2] =	sbarrier.arrive $0xFFFF  }
0xcc: {  	p0 =	sne.s32 s0, $0x0;
	s0 =	rddreg [dreg:$0x3]  }
0xcd: {  	s0 =	sadd.s32 @!p0 $0x100000, s0  }
0xce: {  	[sflag:s0] =	ssyncadd.tile.s32 @!p0 $0x1;
	_ =	shalt  }
.Lfunc_end2:
_tile_overlayer_lowered:
.L_overlay_start_2:
0xcf: {  	(tag) =	ssettag $0x2  }
0xd0: {  	s0 =	rddreg [dreg:$0x0];
	s2 =	stileid.u32  }
0xd1: {  	s1 =	rddreg [dreg:$0x1];
	p0 =	sne.s32 s2, $0x0  }
0xd2: {  	s3 =	rddreg [dreg:$0x2];
	[bflag:$0x3] =	sbarrier.arrive $0xFFFF;
	s2 =	simm.s32 @!p0 $0x1C06  }
0xd3: {  	[timem:s3], [sflag:s2] =	dma.local @!p0 [hbm:s0], s1  }
0xd4: {  	s0 =	simm.s32 @!p0 $0x6  }
0xd5: {  	_ =	swait.ge @!p0 [sflag:s0], s1  }
0xd6: {  	s1 =	ssub.s32 @!p0 $0x0, s1;
	[sflag:s0] =	ssyncset.done @!p0 $0x0  }
0xd7: {  	[sflag:s0] =	ssyncadd.s32 @!p0 s1  }
0xd8: {  	[bflag:$0x3] =	sbarrier.arrive $0xFFFF  }
0xd9: {  	_ =	shalt  }

// kernel: kernel.15.cloned.1.call-start
scs
__scs_entry_jumppad:
0x0: {  	(pc) =	sbr.rel $0x88, $3  }
0x1: {  	(tag) =	ssettag $0x0;
	lr =	simm.s32 $0x1  }
0x2: {  	[smem:$0x3F9B] =	sst lr;
	_ =	strace $0xD0000000  }
0x3: {  	_ = 	snop  }
0x4: {  	_ = 	snop  }
0x5: {  	_ = 	snop  }
0x6: {  	_ = 	snop  }
0x7: {  	_ = 	snop  }
__scs_overlays_trampoline_lowered:
0x8: {  	[smem:$0x3FAA] =	sst s0  }
0x9: {  	[smem:$0x3FAB] =	sst s1  }
0xa: {  	[smem:$0x3FAC] =	sst s2  }
0xb: {  	[smem:$0x3FAD] =	sst s3  }
0xc: {  	[smem:$0x3FAE] =	sst s4  }
0xd: {  	[smem:$0x3FAF] =	sst s5  }
0xe: {  	[smem:$0x3FB0] =	sst s6  }
0xf: {  	[smem:$0x3FB1] =	sst s7  }
0x10: {  	[smem:$0x3FB2] =	sst s8  }
0x11: {  	[smem:$0x3FB3] =	sst s9;
	s0 =	simm.s32 @!p0 $0x0  }
0x12: {  	s1 =	sld [smem:$0x3F99];
	s0 =	simm.s32 @p0 $0x1  }
0x13: {  	[smem:$0x3FB4] =	sst s0;
	s0 =	simm.s32 @!p1 $0x0  }
0x14: {  	s2 =	sld [smem:$0x3F98];
	s0 =	simm.s32 @p1 $0x1  }
0x15: {  	[smem:$0x3FB5] =	sst s0;
	s0 =	simm.s32 @!p2 $0x0  }
0x16: {  	s3 =	sld [smem:$0x3FDB];
	s0 =	simm.s32 @p2 $0x1  }
0x17: {  	s4 =	simm.s32 $0x1BF5;
	[smem:$0x3FB7] =	sst s0  }
0x18: {  	s0 =	sld [smem:$0x3F9A];
	_ =	swait.ge [sflag:s4], $0x0  }
0x19: {  	s7 =	sld [smem:$0x3F9B]  }
0x1a: {  	s8 =	sadd.s32 $0xFFFFE003, lr  }
0x1b: {  	s9 =	sadd.s32 $0xFFFFFEF7, lr;
	s5 =	simm.s32 $0xFFFFFFFF;
	p2 =	slt.u32 s8, $0xFFFFF086  }
0x1c: {  	p1 =	slt.u32 s9, $0xF7A;
	s5 =	simm.s32 @!p2 $0x0  }
0x1d: {  	s5 =	simm.s32 @p1 $0x1;
	p0 =	seq.s32 s7, s2  }
0x1e: {  	s7 =	smul.u32 @!p0 $0xF7A, s2;
	p2 =	seq.s32 @!p0 s5, $0x0  }
0x1f: {  	s9 =	smul.u32 $0xF7A, s1;
	s8 =	simm.s32 @!p0 $0x1BF5;
	p2 =	por !p2, p0  }
0x20: {  	[sflag:s8] =	ssyncset.s32 @!p0 $0xFFFFF086;
	s6 =	sadd.s32 @!p0 s3, s7;
	s7 =	simm.s32 @!p0 $0x108  }
0x21: {  	s3 =	sadd.s32 s3, s9;
	s6 =	sadd.s32 @!p0 $0x88, s6;
	s7 =	simm.s32 @p2 $0x1082  }
0x22: {  	[simem:s7], [sflag:s8] =	dma.local @!p0 [hbm:s6], $0xF7A  }
0x23: {  	s9 =	sor.u32 $0xD0000000, s2;
	s6 =	simm.s32 $0x108;
	_ =	swait.ge @!p0 [sflag:s8], $0x0  }
0x24: {  	s3 =	sadd.s32 $0x88, s3;
	s6 =	simm.s32 @!p1 $0x1082;
	[sflag:s4] =	ssyncset.s32 $0xFFFFF086  }
0x25: {  	[simem:s6], [sflag:s4] =	dma.local [hbm:s3], $0xF7A  }
0x26: {  	[smem:$0x3F9B] =	sst s1;
	(tag) =	ssettag s2;
	_ =	strace s9  }
0x27: {  	s1 =	sld [smem:$0x3FAB]  }
0x28: {  	s2 =	sld [smem:$0x3FAC]  }
0x29: {  	s4 =	sld [smem:$0x3FAE]  }
0x2a: {  	p0 =	seq.s32 s5, $0x0;
	s5 =	sld [smem:$0x3FAF]  }
0x2b: {  	s6 =	sld [smem:$0x3FB0]  }
0x2c: {  	s7 =	sld [smem:$0x3FB1]  }
0x2d: {  	s3 =	simm.s32 $0x108;
	s8 =	sld [smem:$0x3FB2]  }
0x2e: {  	s3 =	simm.s32 @!p0 $0x1082;
	s9 =	sld [smem:$0x3FB3]  }
0x2f: {  	lr =	sadd.s32 s0, s3;
	s0 =	sld [smem:$0x3FAA]  }
0x30: {  	s3 =	sld [smem:$0x3FAD]  }
0x31: {  	[smem:$0x3FB6] =	sst s10  }
0x32: {  	s10 =	sld [smem:$0x3FB4];
	_ =	sdelay $0x3  }
0x33: {  	p0 =	seq.s32 s10, $0x1;
	s10 =	sld [smem:$0x3FB6];
	_ =	sdelay $0x3  }
0x34: {  	[smem:$0x3FB6] =	sst s10  }
0x35: {  	s10 =	sld [smem:$0x3FB5];
	_ =	sdelay $0x3  }
0x36: {  	p1 =	seq.s32 s10, $0x1;
	s10 =	sld [smem:$0x3FB6];
	_ =	sdelay $0x3  }
0x37: {  	[smem:$0x3FB6] =	sst s10  }
0x38: {  	s10 =	sld [smem:$0x3FB7]  }
0x39: {  	_ = 	snop;
	(pc) =	sbr.ind lr, $3  }
0x3a: {  	_ = 	snop  }
0x3b: {  	_ = 	snop  }
0x3c: {  	p2 =	seq.s32 s10, $0x1;
	s10 =	sld [smem:$0x3FB6]  }
0x3d: {  	_ =	shalt  }
0x3e: {  	_ =	shalt  }
0x3f: {  	_ =	shalt  }
0x40: {  	_ =	shalt  }
0x41: {  	_ =	shalt  }
0x42: {  	_ =	shalt  }
0x43: {  	_ =	shalt  }
0x44: {  	_ =	shalt  }
0x45: {  	_ =	shalt  }
0x46: {  	_ =	shalt  }
0x47: {  	_ =	shalt  }
0x48: {  	_ =	shalt  }
0x49: {  	_ =	shalt  }
0x4a: {  	_ =	shalt  }
0x4b: {  	_ =	shalt  }
0x4c: {  	_ =	shalt  }
0x4d: {  	_ =	shalt  }
0x4e: {  	_ =	shalt  }
0x4f: {  	_ =	shalt  }
0x50: {  	_ =	shalt  }
0x51: {  	_ =	shalt  }
0x52: {  	_ =	shalt  }
0x53: {  	_ =	shalt  }
0x54: {  	_ =	shalt  }
0x55: {  	_ =	shalt  }
0x56: {  	_ =	shalt  }
0x57: {  	_ =	shalt  }
0x58: {  	_ =	shalt  }
0x59: {  	_ =	shalt  }
0x5a: {  	_ =	shalt  }
0x5b: {  	_ =	shalt  }
0x5c: {  	_ =	shalt  }
0x5d: {  	_ =	shalt  }
0x5e: {  	_ =	shalt  }
0x5f: {  	_ =	shalt  }
0x60: {  	_ =	shalt  }
0x61: {  	_ =	shalt  }
0x62: {  	_ =	shalt  }
0x63: {  	_ =	shalt  }
0x64: {  	_ =	shalt  }
0x65: {  	_ =	shalt  }
0x66: {  	_ =	shalt  }
0x67: {  	_ =	shalt  }
0x68: {  	_ =	shalt  }
0x69: {  	_ =	shalt  }
0x6a: {  	_ =	shalt  }
0x6b: {  	_ =	shalt  }
0x6c: {  	_ =	shalt  }
0x6d: {  	_ =	shalt  }
0x6e: {  	_ =	shalt  }
0x6f: {  	_ =	shalt  }
0x70: {  	_ =	shalt  }
0x71: {  	_ =	shalt  }
0x72: {  	_ =	shalt  }
0x73: {  	_ =	shalt  }
0x74: {  	_ =	shalt  }
0x75: {  	_ =	shalt  }
0x76: {  	_ =	shalt  }
0x77: {  	_ =	shalt  }
0x78: {  	_ =	shalt  }
0x79: {  	_ =	shalt  }
0x7a: {  	_ =	shalt  }
0x7b: {  	_ =	shalt  }
0x7c: {  	_ =	shalt  }
0x7d: {  	_ =	shalt  }
0x7e: {  	_ =	shalt  }
0x7f: {  	_ =	shalt  }
0x80: {  	_ =	shalt  }
0x81: {  	_ =	shalt  }
0x82: {  	_ =	shalt  }
0x83: {  	_ =	shalt  }
0x84: {  	_ =	shalt  }
0x85: {  	_ =	shalt  }
0x86: {  	_ =	shalt  }
0x87: {  	_ =	shalt  }
.Lfunc_end0:
.L_simem_size_0:
called_computation.2_lowered:
.L_overlay_start_0:
0x88: {  	s2 =	sld [smem:$0x3FD9]  }
0x89: {  	s3 =	sld [smem:$0x3FFE];
	_ =	sdelay $0x1  }
0x8a: {  	s1 =	srdreg.scid  }
0x8b: {  	s0 =	sand.u32 $0x1, s1  }
0x8c: {  	s17 =	sshll.u32 s0, $0xA;
	s2 =	sadd.s32 s3, s2  }
0x8d: {  	s2 =	sadd.s32 s2, s17  }
0x8e: {  	[smem:$0x3FC2] =	sst s2  }
0x8f: {  	_ = 	snop  }
0x90: {  	s2 =	sld [smem:$0x3FD0];
	(tm) =	ssettm $0x1  }
0x91: {  	s18 =	sld [smem:$0x3FFB];
	_ =	sdelay $0x3  }
0x92: {  	_ =	strace s18  }
0x93: {  	s3 =	sld [smem:$0x3FFC];
	_ =	sdelay $0x3  }
0x94: {  	_ =	strace s3  }
0x95: {  	s3 =	sld [smem:$0x3FFD];
	_ =	sdelay $0x3  }
0x96: {  	_ =	strace s3  }
0x97: {  	_ =	strace $0x8FFFFFFF  }
0x98: {  	s19 =	sld [smem:$0x3FDB];
	_ =	sdelay $0x1  }
0x99: {  	s4 =	simm.s32 $_scs_section_size  }
0x9a: {  	s5 =	simm.s32 $_size__tile_overlayer_lowered;
	s6 =	simm.s32 $_tile_overlayer_lowered  }
0x9b: {  	s22 =	simm.s32 $0x1BFF;
	s21 =	sshll.u32 s6, $0x1;
	s3 =	sadd.s32 s4, s19  }
0x9c: {  	s7 =	simm.s32 $0x0;
	s20 =	sshll.u32 s5, $0x1;
	s5 =	sadd.s32 s21, s3  }
0x9d: {  	[timem:s7], [sflag:s22] =	dma.local [hbm:s5], s20  }
0x9e: {  	_ =	swait.ge [sflag:s22], s20  }
0x9f: {  	s4 =	ssub.s32 $0x0, s20;
	[sflag:s22] =	ssyncset.done $0x0  }
0xa0: {  	[sflag:s22] =	ssyncadd.s32 s4;
	_ =	sdelay $0x1  }
0xa1: {  	s23 =	simm.s32 $0x1B8B  }
0xa2: {  	_ =	swait.ge [sflag:s23], $0x1  }
0xa3: {  	[sflag:s23] =	ssyncset.done $0x0  }
0xa4: {  	s25 =	simm.s32 $0x1B8E;
	s24 =	sld [smem:$0x3FFE];
	[sflag:s23] =	ssyncadd.s32 $0xFFFFFFFF  }
0xa5: {  	s26 =	simm.s32 $execute0_lowered;
	[smem:$0x3FD2] =	sst s25  }
0xa6: {  	s5 =	sshll.u32 s26, $0x1;
	_ =	strace $0x8000004C;
	[dreg:$0x1] =	wrdreg $0xFFFFFFFF  }
0xa7: {  	s28 =	simm.s32 $_size_execute0_lowered;
	s3 =	sadd.s32 s3, s5;
	[dreg:$0x0] =	wrdreg $0x0  }
0xa8: {  	s5 =	sshll.u32 s28, $0x1;
	[dreg:$0x2] =	wrdreg s3  }
0xa9: {  	[dreg:$0x3] =	wrdreg s5  }
0xaa: {  	[dreg:$0x4] =	wrdreg $0xC0  }
0xab: {  	_ =	task [dreg:s7], $0x5FFFF  }
0xac: {  	[dreg:$0x1] =	wrdreg $0xFFFFFFFF  }
0xad: {  	[dreg:$0x0] =	wrdreg $0x60  }
0xae: {  	[dreg:$0x2] =	wrdreg s2  }
0xaf: {  	[dreg:$0x3] =	wrdreg s24  }
0xb0: {  	[dreg:$0x4] =	wrdreg $0x100400  }
0xb1: {  	[dreg:$0x5] =	wrdreg $0x9  }
0xb2: {  	_ =	task.clear_ibuf [dreg:s7], $0x6FFFF;
	_ =	strace $0x9000004C  }
0xb3: {  	s29 =	simm.s32 $0x9;
	_ =	strace $0x8000004E  }
0xb4: {  	_ =	swait.ge [sflag:s29], $0x1  }
0xb5: {  	[sflag:s29] =	ssyncadd.s32 $0xFFFFFFFF  }
0xb6: {  	_ =	strace $0x9000004E  }
0xb7: {  	_ =	sfence  }
0xb8: {  	s30 =	sld [smem:$0x0];
	_ =	sdelay $0x2  }
0xb9: {  	s31 =	sshll.u32 s1, $0xD;
	s1 =	sshrl.u32 s1, $0x2  }
0xba: {  	s3 =	sand.u32 $0x4000, s31;
	s1 =	sadd.s32 s1, s30  }
0xbb: {  	s0 =	sor.u32 s3, s0;
	s1 =	sshll.u32 s1, $0x11  }
0xbc: {  	s0 =	sor.u32 s1, s0  }
0xbd: {  	s0 =	sadd.s32 $0x8F2B, s0  }
0xbe: {  	[sflag:s0] =	ssyncadd.remote.s32 $0x1  }
0xbf: {  	_ =	sfence.sel $0xFFFF  }
0xc0: {  	[dreg:$0x0] =	wrdreg $0xFFFFFFFF;
	(pc) =	sbr.abs _section_cstart, $3  }
0xc1: {  	[dreg:$0x1] =	wrdreg $0xFFFFFFFF  }
0xc2: {  	_ =	task.clear_ibuf [dreg:s7], $0x2FFFF;
	_ =	strace $0x9FFFFFFF  }
0xc3: {  	(tm) =	ssettm $0x7FFFFFFF  }
tec
execute0_lowered:
.L_overlay_start_1:
0x0: {  	(tag) =	ssettag $0x1  }
0x1: {  	s2 =	rddreg [dreg:$0x0]  }
0x2: {  	s0 =	srdreg.scid;
	s6 =	rddreg [dreg:$0x1]  }
0x3: {  	s16 =	stileid.u32;
	s3 =	rddreg [dreg:$0x2]  }
0x4: {  	s4 =	simm.s32 $0x0;
	s14 =	simm.s32 $0x6;
	s29 =	simm.s32 $0xD840  }
0x5: {  	s31 =	simm.s32 $0xEC40;
	s28 =	simm.s32 $0x5;
	s5 =	smul.u32 $0x9C4, s16  }
0x6: {  	s30 =	simm.s32 $0x0;
	s0 =	sand.u32 $0x1, s0;
	s7 =	smul.u32 $0x271, s16  }
0x7: {  	[smem:$0x7FF] =	sst s4;
	s21 =	smul.u32 $0x27100, s16;
	s26 =	sshll.u32 s16, $0x6  }
0x8: {  	s1 =	sshll.u32 s0, $0x4;
	s8 =	smul.u32 $0x2710, s0;
	_ =	strace $0x8000004D  }
0x9: {  	s0 =	ssub.s32 $0x2, s0;
	s1 =	sor.u32 s16, s1;
	s9 =	sadd.s32 s5, s6  }
0xa: {  	s5 =	sadd.s32 $0x20000, s6;
	s10 =	sshrl.u32 s0, $0x1;
	s22 =	sshrl.u32 s21, $0x2  }
0xb: {  	s16 =	sor.u32 $0x1C06, s26;
	s26 =	simm.s32 $0xC440;
	s1 =	smul.u32 $0x9C4, s1  }
0xc: {  	s7 =	sadd.s32 s7, s8;
	s0 =	ssub.s32 s0, s10;
	s23 =	sadd.s32 $0x2400, s9  }
0xd: {  	s24 =	sadd.s32 s22, s3;
	s22 =	simm.s32 $0x50;
	s7 =	sshll.u32 s7, $0x3  }
0xe: {  	[dreg:$0x5] =	wrdreg s23;
	s15 =	sadd.s32 $0x3E80, s24;
	s20 =	sadd.s32 $0x5DC0, s24  }
0xf: {  	s21 =	sadd.s32 $0x7D00, s24;
	s13 =	smax.u32 s0, $0x1;
	s17 =	sshrl.u32 s24, $0x3  }
0x10: {  	s23 =	simm.s32 $0x9C40;
	s0 =	simm.s32 $0x2;
	s1 =	sadd.s32 s1, s6  }
0x11: {  	s6 =	sadd.s32 s7, s6;
	s7 =	sadd.s32 $0x1F40, s24;
	s19 =	sshrl.u32 s15, $0x3  }
0x12: {  	s20 =	sshrl.u32 s20, $0x3;
	s21 =	sshrl.u32 s21, $0x3;
	s24 =	simm.s32 $0xB040  }
0x13: {  	s15 =	simm.s32 $0x3;
	s1 =	sadd.s32 $0xC600, s1;
	s25 =	sadd.s32 $0x20400, s6  }
0x14: {  	s9 =	sadd.s32 $0x207E8, s6;
	s10 =	sadd.s32 $0x20BD0, s6;
	s11 =	sadd.s32 $0x20FB8, s6  }
0x15: {  	s12 =	sadd.s32 $0x213A0, s6;
	s18 =	sshrl.u32 s7, $0x3;
	[dreg:$0x4] =	wrdreg s1  }
0x16: {  	[dreg:$0x6] =	wrdreg s25;
	s1 =	simm.s32 $0x1;
	s25 =	simm.s32 $0x4  }
.LBB2_1:
0x17: {  	s6 =	rddreg [dreg:$0x4]  }
0x18: {  	[tilespmem:s4], [sflag:$0x6] =	stream.linear.gather [hbm4b:s6+s4], $0x4E20, $0x38;
	[tilespmem:$0x19C80] =	vst v63  }
0x19: {  	_ =	swait.ge [sflag:s14], $0x4E20  }
0x1a: {  	[sflag:s14] =	ssyncset.done $0x0  }
0x1b: {  	s7 =	simm.s32 $0x4E20;
	s8 =	rddreg [dreg:$0x5];
	[sflag:s14] =	ssyncadd.s32 $0xFFFFB1E0  }
0x1c: {  	[tilespmem:s7], [sflag:$0x6] =	stream.linear.gather [hbm4b:s8+s4], $0x4E20, $0x38;
	[tilespmem:$0x19C80] =	vst v63  }
0x1d: {  	_ =	swait.ge [sflag:s14], $0x4E20  }
0x1e: {  	[sflag:s14] =	ssyncset.done $0x0  }
0x1f: {  	[sflag:s14] =	ssyncadd.s32 $0xFFFFB1E0  }
0x20: {  	[spmem:s17], [sflag:s16] =	dma.local [hbm:s5], $0x3E8  }
0x21: {  	_ =	swait.ge [sflag:s14], $0x3E8  }
0x22: {  	[sflag:s14] =	ssyncset.done $0x0  }
0x23: {  	[sflag:s14] =	ssyncadd.s32 $0xFFFFFC18  }
0x24: {  	[spmem:s18], [sflag:s16] =	dma.local [hbm:s5], $0x3E8  }
0x25: {  	_ =	swait.ge [sflag:s14], $0x3E8  }
0x26: {  	[sflag:s14] =	ssyncset.done $0x0  }
0x27: {  	[sflag:s14] =	ssyncadd.s32 $0xFFFFFC18  }
0x28: {  	[spmem:s19], [sflag:s16] =	dma.local [hbm:s5], $0x3E8  }
0x29: {  	_ =	swait.ge [sflag:s14], $0x3E8  }
0x2a: {  	[sflag:s14] =	ssyncset.done $0x0  }
0x2b: {  	[sflag:s14] =	ssyncadd.s32 $0xFFFFFC18  }
0x2c: {  	[spmem:s20], [sflag:s16] =	dma.local [hbm:s5], $0x3E8  }
0x2d: {  	_ =	swait.ge [sflag:s14], $0x3E8  }
0x2e: {  	[sflag:s14] =	ssyncset.done $0x0  }
0x2f: {  	[sflag:s14] =	ssyncadd.s32 $0xFFFFFC18  }
0x30: {  	[spmem:s21], [sflag:s16] =	dma.local [hbm:s5], $0x3E8  }
0x31: {  	_ =	swait.ge [sflag:s14], $0x3E8  }
0x32: {  	[sflag:s14] =	ssyncset.done $0x0  }
0x33: {  	[sflag:s14] =	ssyncadd.s32 $0xFFFFFC18  }
0x34: {  	[bflag:$0x0] =	sbarrier.arrive $0xFFFF  }
0x35: {  	[tilespmem:s23], [sflag:$0x1] =	stream.indirect.gather [hbm4b:s2+s22], $0x40, s4, s22, $0xb8;
	[tilespmem:$0x19C80] =	vst v63  }
0x36: {  	_ = 	snop  }
0x37: {  	[tilespmem:s24], [sflag:$0x2] =	stream.indirect.gather [hbm4b:s2+s22], $0x40, s22, s22, $0xb8;
	[tilespmem:$0x19C80] =	vst v63  }
0x38: {  	s7 =	simm.s32 $0xA0  }
0x39: {  	[tilespmem:s26], [sflag:$0x3] =	stream.indirect.gather [hbm4b:s2+s22], $0x40, s7, s22, $0xb8;
	[tilespmem:$0x19C80] =	vst v63  }
0x3a: {  	s8 =	simm.s32 $0xF0  }
0x3b: {  	[tilespmem:s29], [sflag:$0x4] =	stream.indirect.gather [hbm4b:s2+s22], $0x40, s8, s22, $0xb8;
	[tilespmem:$0x19C80] =	vst v63  }
0x3c: {  	s7 =	simm.s32 $0x140  }
0x3d: {  	[tilespmem:s31], [sflag:$0x5] =	stream.indirect.gather [hbm4b:s2+s22], $0x40, s7, s22, $0xb8;
	[tilespmem:$0x19C80] =	vst v63  }
0x3e: {  	_ =	swait.ge [sflag:s1], $0x1400  }
0x3f: {  	[sflag:s1] =	ssyncset.done $0x0  }
0x40: {  	s8 =	simm.s32 $0x4E20;
	[sflag:s1] =	ssyncadd.s32 $0xFFFFEC00  }
0x41: {  	[spmem:s3] =	stream.indirect.scatter.add.f32 [tilespmem:s23], [sflag:$0x6], $0x40, s8, s22, $0xb8;
	[tilespmem:$0x19C80] =	vst v63  }
0x42: {  	_ =	swait.ge [sflag:s14], $0x1400  }
0x43: {  	[sflag:s14] =	ssyncset.done $0x0  }
0x44: {  	s7 =	simm.s32 $0x190;
	[sflag:s14] =	ssyncadd.s32 $0xFFFFEC00  }
0x45: {  	[tilespmem:s23], [sflag:$0x1] =	stream.indirect.gather [hbm4b:s2+s22], $0x40, s7, s22, $0xb8;
	[tilespmem:$0x19C80] =	vst v63  }
0x46: {  	_ =	swait.ge [sflag:s0], $0x1400  }
0x47: {  	[sflag:s0] =	ssyncset.done $0x0  }
0x48: {  	s8 =	simm.s32 $0x4E70;
	[sflag:s0] =	ssyncadd.s32 $0xFFFFEC00  }
0x49: {  	[spmem:s3] =	stream.indirect.scatter.add.f32 [tilespmem:s24], [sflag:$0x6], $0x40, s8, s22, $0xb8;
	[tilespmem:$0x19C80] =	vst v63  }
0x4a: {  	_ =	swait.ge [sflag:s14], $0x1400  }
0x4b: {  	[sflag:s14] =	ssyncset.done $0x0  }
0x4c: {  	s7 =	simm.s32 $0x1E0;
	[sflag:s14] =	ssyncadd.s32 $0xFFFFEC00  }
0x4d: {  	[tilespmem:s24], [sflag:$0x2] =	stream.indirect.gather [hbm4b:s2+s22], $0x40, s7, s22, $0xb8;
	[tilespmem:$0x19C80] =	vst v63  }
0x4e: {  	_ =	swait.ge [sflag:s15], $0x1400  }
0x4f: {  	[sflag:s15] =	ssyncset.done $0x0  }
0x50: {  	s8 =	simm.s32 $0x4EC0;
	[sflag:s15] =	ssyncadd.s32 $0xFFFFEC00  }
0x51: {  	[spmem:s3] =	stream.indirect.scatter.add.f32 [tilespmem:s26], [sflag:$0x6], $0x40, s8, s22, $0xb8;
	[tilespmem:$0x19C80] =	vst v63  }
0x52: {  	_ =	swait.ge [sflag:s14], $0x1400  }
0x53: {  	[sflag:s14] =	ssyncset.done $0x0  }
0x54: {  	s7 =	simm.s32 $0x230;
	[sflag:s14] =	ssyncadd.s32 $0xFFFFEC00  }
0x55: {  	[tilespmem:s26], [sflag:$0x3] =	stream.indirect.gather [hbm4b:s2+s22], $0x40, s7, s22, $0xb8;
	[tilespmem:$0x19C80] =	vst v63  }
0x56: {  	_ =	swait.ge [sflag:s25], $0x1400  }
0x57: {  	[sflag:s25] =	ssyncset.done $0x0  }
0x58: {  	s8 =	simm.s32 $0x4F10;
	[sflag:s25] =	ssyncadd.s32 $0xFFFFEC00  }
0x59: {  	[spmem:s3] =	stream.indirect.scatter.add.f32 [tilespmem:s29], [sflag:$0x6], $0x40, s8, s22, $0xb8;
	[tilespmem:$0x19C80] =	vst v63  }
0x5a: {  	_ =	swait.ge [sflag:s14], $0x1400  }
0x5b: {  	[sflag:s14] =	ssyncset.done $0x0  }
0x5c: {  	s7 =	simm.s32 $0x280;
	[sflag:s14] =	ssyncadd.s32 $0xFFFFEC00  }
0x5d: {  	[tilespmem:s29], [sflag:$0x4] =	stream.indirect.gather [hbm4b:s2+s22], $0x40, s7, s22, $0xb8;
	[tilespmem:$0x19C80] =	vst v63  }
0x5e: {  	_ =	swait.ge [sflag:s28], $0x1400  }
0x5f: {  	[sflag:s28] =	ssyncset.done $0x0  }
0x60: {  	s8 =	simm.s32 $0x4F60;
	[sflag:s28] =	ssyncadd.s32 $0xFFFFEC00  }
0x61: {  	[spmem:s3] =	stream.indirect.scatter.add.f32 [tilespmem:s31], [sflag:$0x6], $0x40, s8, s22, $0xb8;
	[tilespmem:$0x19C80] =	vst v63  }
0x62: {  	_ =	swait.ge [sflag:s14], $0x1400  }
0x63: {  	[sflag:s14] =	ssyncset.done $0x0  }
0x64: {  	s6 =	simm.s32 $0x640;
	s7 =	simm.s32 $0x2D0;
	[sflag:s14] =	ssyncadd.s32 $0xFFFFEC00  }
.LBB2_2:
0x65: {  	[tilespmem:s31], [sflag:$0x5] =	stream.indirect.gather [hbm4b:s2+s22], $0x40, s7, s22, $0xb8;
	[tilespmem:$0x19C80] =	vst v63  }
0x66: {  	s7 =	smov.u32 s6  }
0x67: {  	p0 =	sne.s32 s6, $0x12C00;
	s6 =	sadd.s32 $0x640, s6;
	_ =	swait.ge [sflag:s1], $0x1400  }
0x68: {  	s7 =	sshra.s32 s7, $0x2;
	[sflag:s1] =	ssyncset.done $0x0  }
0x69: {  	s8 =	sadd.s32 $0x4E20, s7;
	[sflag:s1] =	ssyncadd.s32 $0xFFFFEC00  }
0x6a: {  	[spmem:s3] =	stream.indirect.scatter.add.f32 [tilespmem:s23], [sflag:$0x6], $0x40, s8, s22, $0xb8;
	[tilespmem:$0x19C80] =	vst v63  }
0x6b: {  	_ =	swait.ge [sflag:s14], $0x1400  }
0x6c: {  	[sflag:s14] =	ssyncset.done $0x0  }
0x6d: {  	s8 =	sadd.s32 $0x190, s7;
	[sflag:s14] =	ssyncadd.s32 $0xFFFFEC00  }
0x6e: {  	[tilespmem:s23], [sflag:$0x1] =	stream.indirect.gather [hbm4b:s2+s22], $0x40, s8, s22, $0xb8;
	[tilespmem:$0x19C80] =	vst v63  }
0x6f: {  	_ =	swait.ge [sflag:s0], $0x1400  }
0x70: {  	[sflag:s0] =	ssyncset.done $0x0  }
0x71: {  	s8 =	sadd.s32 $0x4E70, s7;
	[sflag:s0] =	ssyncadd.s32 $0xFFFFEC00  }
0x72: {  	[spmem:s3] =	stream.indirect.scatter.add.f32 [tilespmem:s24], [sflag:$0x6], $0x40, s8, s22, $0xb8;
	[tilespmem:$0x19C80] =	vst v63  }
0x73: {  	_ =	swait.ge [sflag:s14], $0x1400  }
0x74: {  	[sflag:s14] =	ssyncset.done $0x0  }
0x75: {  	s8 =	sadd.s32 $0x1E0, s7;
	[sflag:s14] =	ssyncadd.s32 $0xFFFFEC00  }
0x76: {  	[tilespmem:s24], [sflag:$0x2] =	stream.indirect.gather [hbm4b:s2+s22], $0x40, s8, s22, $0xb8;
	[tilespmem:$0x19C80] =	vst v63  }
0x77: {  	_ =	swait.ge [sflag:s15], $0x1400  }
0x78: {  	[sflag:s15] =	ssyncset.done $0x0  }
0x79: {  	s8 =	sadd.s32 $0x4EC0, s7;
	[sflag:s15] =	ssyncadd.s32 $0xFFFFEC00  }
0x7a: {  	[spmem:s3] =	stream.indirect.scatter.add.f32 [tilespmem:s26], [sflag:$0x6], $0x40, s8, s22, $0xb8;
	[tilespmem:$0x19C80] =	vst v63  }
0x7b: {  	_ =	swait.ge [sflag:s14], $0x1400  }
0x7c: {  	[sflag:s14] =	ssyncset.done $0x0  }
0x7d: {  	s8 =	sadd.s32 $0x230, s7;
	[sflag:s14] =	ssyncadd.s32 $0xFFFFEC00  }
0x7e: {  	[tilespmem:s26], [sflag:$0x3] =	stream.indirect.gather [hbm4b:s2+s22], $0x40, s8, s22, $0xb8;
	[tilespmem:$0x19C80] =	vst v63  }
0x7f: {  	_ =	swait.ge [sflag:s25], $0x1400  }
0x80: {  	[sflag:s25] =	ssyncset.done $0x0  }
0x81: {  	s8 =	sadd.s32 $0x4F10, s7;
	[sflag:s25] =	ssyncadd.s32 $0xFFFFEC00  }
0x82: {  	[spmem:s3] =	stream.indirect.scatter.add.f32 [tilespmem:s29], [sflag:$0x6], $0x40, s8, s22, $0xb8;
	[tilespmem:$0x19C80] =	vst v63  }
0x83: {  	_ =	swait.ge [sflag:s14], $0x1400  }
0x84: {  	[sflag:s14] =	ssyncset.done $0x0  }
0x85: {  	s8 =	sadd.s32 $0x280, s7;
	[sflag:s14] =	ssyncadd.s32 $0xFFFFEC00  }
0x86: {  	[tilespmem:s29], [sflag:$0x4] =	stream.indirect.gather [hbm4b:s2+s22], $0x40, s8, s22, $0xb8;
	[tilespmem:$0x19C80] =	vst v63  }
0x87: {  	_ =	swait.ge [sflag:s28], $0x1400  }
0x88: {  	[sflag:s28] =	ssyncset.done $0x0  }
.Ltmp0:
0x89: {  	s8 =	sadd.s32 $0x4F60, s7;
	[sflag:s28] =	ssyncadd.s32 $0xFFFFEC00;
	(pc) =	sbr.rel @p0 .LBB2_2-.Ltmp0, $4  }
0x8a: {  	[spmem:s3] =	stream.indirect.scatter.add.f32 [tilespmem:s31], [sflag:$0x6], $0x40, s8, s22, $0xb8;
	[tilespmem:$0x19C80] =	vst v63  }
0x8b: {  	_ =	swait.ge [sflag:s14], $0x1400  }
0x8c: {  	[sflag:s14] =	ssyncset.done $0x0  }
0x8d: {  	s7 =	sadd.s32 $0x2D0, s7;
	[sflag:s14] =	ssyncadd.s32 $0xFFFFEC00  }
0x8e: {  	[tilespmem:s31], [sflag:$0x5] =	stream.indirect.gather [hbm4b:s2+s22], $0x40, s7, s22, $0xb8;
	[tilespmem:$0x19C80] =	vst v63  }
0x8f: {  	_ =	swait.ge [sflag:s1], $0x1400  }
0x90: {  	[sflag:s1] =	ssyncset.done $0x0  }
0x91: {  	s6 =	simm.s32 $0x9AB0;
	[sflag:s1] =	ssyncadd.s32 $0xFFFFEC00  }
0x92: {  	[spmem:s3] =	stream.indirect.scatter.add.f32 [tilespmem:s23], [sflag:$0x6], $0x40, s6, s22, $0xb8;
	[tilespmem:$0x19C80] =	vst v63  }
0x93: {  	_ =	swait.ge [sflag:s14], $0x1400  }
0x94: {  	[sflag:s14] =	ssyncset.done $0x0  }
0x95: {  	[sflag:s14] =	ssyncadd.s32 $0xFFFFEC00  }
0x96: {  	_ =	swait.ge [sflag:s0], $0x1400  }
0x97: {  	[sflag:s0] =	ssyncset.done $0x0  }
0x98: {  	s8 =	simm.s32 $0x9B00;
	[sflag:s0] =	ssyncadd.s32 $0xFFFFEC00  }
0x99: {  	[spmem:s3] =	stream.indirect.scatter.add.f32 [tilespmem:s24], [sflag:$0x6], $0x40, s8, s22, $0xb8;
	[tilespmem:$0x19C80] =	vst v63  }
0x9a: {  	_ =	swait.ge [sflag:s14], $0x1400  }
0x9b: {  	[sflag:s14] =	ssyncset.done $0x0  }
0x9c: {  	[sflag:s14] =	ssyncadd.s32 $0xFFFFEC00  }
0x9d: {  	_ =	swait.ge [sflag:s15], $0x1400  }
0x9e: {  	[sflag:s15] =	ssyncset.done $0x0  }
0x9f: {  	s7 =	simm.s32 $0x9B50;
	[sflag:s15] =	ssyncadd.s32 $0xFFFFEC00  }
0xa0: {  	[spmem:s3] =	stream.indirect.scatter.add.f32 [tilespmem:s26], [sflag:$0x6], $0x40, s7, s22, $0xb8;
	[tilespmem:$0x19C80] =	vst v63  }
0xa1: {  	_ =	swait.ge [sflag:s14], $0x1400  }
0xa2: {  	[sflag:s14] =	ssyncset.done $0x0  }
0xa3: {  	[sflag:s14] =	ssyncadd.s32 $0xFFFFEC00  }
0xa4: {  	_ =	swait.ge [sflag:s25], $0x1400  }
0xa5: {  	[sflag:s25] =	ssyncset.done $0x0  }
0xa6: {  	s8 =	simm.s32 $0x9BA0;
	[sflag:s25] =	ssyncadd.s32 $0xFFFFEC00  }
0xa7: {  	[spmem:s3] =	stream.indirect.scatter.add.f32 [tilespmem:s29], [sflag:$0x6], $0x40, s8, s22, $0xb8;
	[tilespmem:$0x19C80] =	vst v63  }
0xa8: {  	_ =	swait.ge [sflag:s14], $0x1400  }
0xa9: {  	[sflag:s14] =	ssyncset.done $0x0  }
0xaa: {  	[sflag:s14] =	ssyncadd.s32 $0xFFFFEC00  }
0xab: {  	_ =	swait.ge [sflag:s28], $0x1400  }
0xac: {  	[sflag:s28] =	ssyncset.done $0x0  }
0xad: {  	s7 =	simm.s32 $0x9BF0;
	[sflag:s28] =	ssyncadd.s32 $0xFFFFEC00  }
0xae: {  	[spmem:s3] =	stream.indirect.scatter.add.f32 [tilespmem:s31], [sflag:$0x6], $0x40, s7, s22, $0xb8;
	[tilespmem:$0x19C80] =	vst v63  }
0xaf: {  	_ =	swait.ge [sflag:s14], $0x1400  }
0xb0: {  	[sflag:s14] =	ssyncset.done $0x0  }
0xb1: {  	[sflag:s14] =	ssyncadd.s32 $0xFFFFEC00  }
0xb2: {  	[bflag:$0x0] =	sbarrier.arrive $0xFFFF  }
0xb3: {  	s8 =	rddreg [dreg:$0x6]  }
0xb4: {  	[hbm:s8], [sflag:s16] =	dma.local [spmem:s17], $0x3E8  }
0xb5: {  	_ =	swait.ge [sflag:s14], $0x3E8  }
0xb6: {  	[sflag:s14] =	ssyncset.done $0x0  }
0xb7: {  	[sflag:s14] =	ssyncadd.s32 $0xFFFFFC18  }
0xb8: {  	[hbm:s9], [sflag:s16] =	dma.local [spmem:s18], $0x3E8  }
0xb9: {  	_ =	swait.ge [sflag:s14], $0x3E8  }
0xba: {  	[sflag:s14] =	ssyncset.done $0x0  }
0xbb: {  	[sflag:s14] =	ssyncadd.s32 $0xFFFFFC18  }
0xbc: {  	[hbm:s10], [sflag:s16] =	dma.local [spmem:s19], $0x3E8  }
0xbd: {  	_ =	swait.ge [sflag:s14], $0x3E8  }
0xbe: {  	[sflag:s14] =	ssyncset.done $0x0  }
0xbf: {  	[sflag:s14] =	ssyncadd.s32 $0xFFFFFC18  }
0xc0: {  	[hbm:s11], [sflag:s16] =	dma.local [spmem:s20], $0x3E8  }
0xc1: {  	s30 =	sadd.s32 $0x1, s30;
	_ =	swait.ge [sflag:s14], $0x3E8  }
0xc2: {  	p0 =	sne.s32 s30, s13;
	[sflag:s14] =	ssyncset.done $0x0  }
.Ltmp1:
0xc3: {  	[sflag:s14] =	ssyncadd.s32 $0xFFFFFC18;
	(pc) =	sbr.rel @p0 .LBB2_1-.Ltmp1, $4  }
0xc4: {  	[hbm:s12], [sflag:s16] =	dma.local [spmem:s21], $0x3E8  }
0xc5: {  	_ =	swait.ge [sflag:s14], $0x3E8  }
0xc6: {  	[sflag:s14] =	ssyncset.done $0x0  }
0xc7: {  	[sflag:s14] =	ssyncadd.s32 $0xFFFFFC18  }
0xc8: {  	_ =	sfence.sel $0x180000  }
0xc9: {  	[bflag:$0x0] =	sbarrier.arrive $0xFFFF  }
0xca: {  	_ =	strace $0x9000004D  }
0xcb: {  	s0 =	stileid.u32;
	[bflag:$0x2] =	sbarrier.arrive $0xFFFF  }
0xcc: {  	p0 =	sne.s32 s0, $0x0;
	s0 =	rddreg [dreg:$0x3]  }
0xcd: {  	s0 =	sadd.s32 @!p0 $0x100000, s0  }
0xce: {  	[sflag:s0] =	ssyncadd.tile.s32 @!p0 $0x1;
	_ =	shalt  }
.Lfunc_end2:
_tile_overlayer_lowered:
.L_overlay_start_2:
0xcf: {  	(tag) =	ssettag $0x2  }
0xd0: {  	s0 =	rddreg [dreg:$0x0];
	s2 =	stileid.u32  }
0xd1: {  	s1 =	rddreg [dreg:$0x1];
	p0 =	sne.s32 s2, $0x0  }
0xd2: {  	s3 =	rddreg [dreg:$0x2];
	[bflag:$0x3] =	sbarrier.arrive $0xFFFF;
	s2 =	simm.s32 @!p0 $0x1C06  }
0xd3: {  	[timem:s3], [sflag:s2] =	dma.local @!p0 [hbm:s0], s1  }
0xd4: {  	s0 =	simm.s32 @!p0 $0x6  }
0xd5: {  	_ =	swait.ge @!p0 [sflag:s0], s1  }
0xd6: {  	s1 =	ssub.s32 @!p0 $0x0, s1;
	[sflag:s0] =	ssyncset.done @!p0 $0x0  }
0xd7: {  	[sflag:s0] =	ssyncadd.s32 @!p0 s1  }
0xd8: {  	[bflag:$0x3] =	sbarrier.arrive $0xFFFF  }
0xd9: {  	_ =	shalt  }

// kernel: kernel.9.cloned.1.call-start
scs
__scs_entry_jumppad:
0x0: {  	(pc) =	sbr.rel $0x88, $3  }
0x1: {  	(tag) =	ssettag $0x0;
	lr =	simm.s32 $0x1  }
0x2: {  	[smem:$0x3F9B] =	sst lr;
	_ =	strace $0xD0000000  }
0x3: {  	_ = 	snop  }
0x4: {  	_ = 	snop  }
0x5: {  	_ = 	snop  }
0x6: {  	_ = 	snop  }
0x7: {  	_ = 	snop  }
__scs_overlays_trampoline_lowered:
0x8: {  	[smem:$0x3FAA] =	sst s0  }
0x9: {  	[smem:$0x3FAB] =	sst s1  }
0xa: {  	[smem:$0x3FAC] =	sst s2  }
0xb: {  	[smem:$0x3FAD] =	sst s3  }
0xc: {  	[smem:$0x3FAE] =	sst s4  }
0xd: {  	[smem:$0x3FAF] =	sst s5  }
0xe: {  	[smem:$0x3FB0] =	sst s6  }
0xf: {  	[smem:$0x3FB1] =	sst s7  }
0x10: {  	[smem:$0x3FB2] =	sst s8  }
0x11: {  	[smem:$0x3FB3] =	sst s9;
	s0 =	simm.s32 @!p0 $0x0  }
0x12: {  	s1 =	sld [smem:$0x3F99];
	s0 =	simm.s32 @p0 $0x1  }
0x13: {  	[smem:$0x3FB4] =	sst s0;
	s0 =	simm.s32 @!p1 $0x0  }
0x14: {  	s2 =	sld [smem:$0x3F98];
	s0 =	simm.s32 @p1 $0x1  }
0x15: {  	[smem:$0x3FB5] =	sst s0;
	s0 =	simm.s32 @!p2 $0x0  }
0x16: {  	s3 =	sld [smem:$0x3FDB];
	s0 =	simm.s32 @p2 $0x1  }
0x17: {  	s4 =	simm.s32 $0x1BF5;
	[smem:$0x3FB7] =	sst s0  }
0x18: {  	s0 =	sld [smem:$0x3F9A];
	_ =	swait.ge [sflag:s4], $0x0  }
0x19: {  	s7 =	sld [smem:$0x3F9B]  }
0x1a: {  	s8 =	sadd.s32 $0xFFFFE003, lr  }
0x1b: {  	s9 =	sadd.s32 $0xFFFFFEF7, lr;
	s5 =	simm.s32 $0xFFFFFFFF;
	p2 =	slt.u32 s8, $0xFFFFF086  }
0x1c: {  	p1 =	slt.u32 s9, $0xF7A;
	s5 =	simm.s32 @!p2 $0x0  }
0x1d: {  	s5 =	simm.s32 @p1 $0x1;
	p0 =	seq.s32 s7, s2  }
0x1e: {  	s7 =	smul.u32 @!p0 $0xF7A, s2;
	p2 =	seq.s32 @!p0 s5, $0x0  }
0x1f: {  	s9 =	smul.u32 $0xF7A, s1;
	s8 =	simm.s32 @!p0 $0x1BF5;
	p2 =	por !p2, p0  }
0x20: {  	[sflag:s8] =	ssyncset.s32 @!p0 $0xFFFFF086;
	s6 =	sadd.s32 @!p0 s3, s7;
	s7 =	simm.s32 @!p0 $0x108  }
0x21: {  	s3 =	sadd.s32 s3, s9;
	s6 =	sadd.s32 @!p0 $0x88, s6;
	s7 =	simm.s32 @p2 $0x1082  }
0x22: {  	[simem:s7], [sflag:s8] =	dma.local @!p0 [hbm:s6], $0xF7A  }
0x23: {  	s9 =	sor.u32 $0xD0000000, s2;
	s6 =	simm.s32 $0x108;
	_ =	swait.ge @!p0 [sflag:s8], $0x0  }
0x24: {  	s3 =	sadd.s32 $0x88, s3;
	s6 =	simm.s32 @!p1 $0x1082;
	[sflag:s4] =	ssyncset.s32 $0xFFFFF086  }
0x25: {  	[simem:s6], [sflag:s4] =	dma.local [hbm:s3], $0xF7A  }
0x26: {  	[smem:$0x3F9B] =	sst s1;
	(tag) =	ssettag s2;
	_ =	strace s9  }
0x27: {  	s1 =	sld [smem:$0x3FAB]  }
0x28: {  	s2 =	sld [smem:$0x3FAC]  }
0x29: {  	s4 =	sld [smem:$0x3FAE]  }
0x2a: {  	p0 =	seq.s32 s5, $0x0;
	s5 =	sld [smem:$0x3FAF]  }
0x2b: {  	s6 =	sld [smem:$0x3FB0]  }
0x2c: {  	s7 =	sld [smem:$0x3FB1]  }
0x2d: {  	s3 =	simm.s32 $0x108;
	s8 =	sld [smem:$0x3FB2]  }
0x2e: {  	s3 =	simm.s32 @!p0 $0x1082;
	s9 =	sld [smem:$0x3FB3]  }
0x2f: {  	lr =	sadd.s32 s0, s3;
	s0 =	sld [smem:$0x3FAA]  }
0x30: {  	s3 =	sld [smem:$0x3FAD]  }
0x31: {  	[smem:$0x3FB6] =	sst s10  }
0x32: {  	s10 =	sld [smem:$0x3FB4];
	_ =	sdelay $0x3  }
0x33: {  	p0 =	seq.s32 s10, $0x1;
	s10 =	sld [smem:$0x3FB6];
	_ =	sdelay $0x3  }
0x34: {  	[smem:$0x3FB6] =	sst s10  }
0x35: {  	s10 =	sld [smem:$0x3FB5];
	_ =	sdelay $0x3  }
0x36: {  	p1 =	seq.s32 s10, $0x1;
	s10 =	sld [smem:$0x3FB6];
	_ =	sdelay $0x3  }
0x37: {  	[smem:$0x3FB6] =	sst s10  }
0x38: {  	s10 =	sld [smem:$0x3FB7]  }
0x39: {  	_ = 	snop;
	(pc) =	sbr.ind lr, $3  }
0x3a: {  	_ = 	snop  }
0x3b: {  	_ = 	snop  }
0x3c: {  	p2 =	seq.s32 s10, $0x1;
	s10 =	sld [smem:$0x3FB6]  }
0x3d: {  	_ =	shalt  }
0x3e: {  	_ =	shalt  }
0x3f: {  	_ =	shalt  }
0x40: {  	_ =	shalt  }
0x41: {  	_ =	shalt  }
0x42: {  	_ =	shalt  }
0x43: {  	_ =	shalt  }
0x44: {  	_ =	shalt  }
0x45: {  	_ =	shalt  }
0x46: {  	_ =	shalt  }
0x47: {  	_ =	shalt  }
0x48: {  	_ =	shalt  }
0x49: {  	_ =	shalt  }
0x4a: {  	_ =	shalt  }
0x4b: {  	_ =	shalt  }
0x4c: {  	_ =	shalt  }
0x4d: {  	_ =	shalt  }
0x4e: {  	_ =	shalt  }
0x4f: {  	_ =	shalt  }
0x50: {  	_ =	shalt  }
0x51: {  	_ =	shalt  }
0x52: {  	_ =	shalt  }
0x53: {  	_ =	shalt  }
0x54: {  	_ =	shalt  }
0x55: {  	_ =	shalt  }
0x56: {  	_ =	shalt  }
0x57: {  	_ =	shalt  }
0x58: {  	_ =	shalt  }
0x59: {  	_ =	shalt  }
0x5a: {  	_ =	shalt  }
0x5b: {  	_ =	shalt  }
0x5c: {  	_ =	shalt  }
0x5d: {  	_ =	shalt  }
0x5e: {  	_ =	shalt  }
0x5f: {  	_ =	shalt  }
0x60: {  	_ =	shalt  }
0x61: {  	_ =	shalt  }
0x62: {  	_ =	shalt  }
0x63: {  	_ =	shalt  }
0x64: {  	_ =	shalt  }
0x65: {  	_ =	shalt  }
0x66: {  	_ =	shalt  }
0x67: {  	_ =	shalt  }
0x68: {  	_ =	shalt  }
0x69: {  	_ =	shalt  }
0x6a: {  	_ =	shalt  }
0x6b: {  	_ =	shalt  }
0x6c: {  	_ =	shalt  }
0x6d: {  	_ =	shalt  }
0x6e: {  	_ =	shalt  }
0x6f: {  	_ =	shalt  }
0x70: {  	_ =	shalt  }
0x71: {  	_ =	shalt  }
0x72: {  	_ =	shalt  }
0x73: {  	_ =	shalt  }
0x74: {  	_ =	shalt  }
0x75: {  	_ =	shalt  }
0x76: {  	_ =	shalt  }
0x77: {  	_ =	shalt  }
0x78: {  	_ =	shalt  }
0x79: {  	_ =	shalt  }
0x7a: {  	_ =	shalt  }
0x7b: {  	_ =	shalt  }
0x7c: {  	_ =	shalt  }
0x7d: {  	_ =	shalt  }
0x7e: {  	_ =	shalt  }
0x7f: {  	_ =	shalt  }
0x80: {  	_ =	shalt  }
0x81: {  	_ =	shalt  }
0x82: {  	_ =	shalt  }
0x83: {  	_ =	shalt  }
0x84: {  	_ =	shalt  }
0x85: {  	_ =	shalt  }
0x86: {  	_ =	shalt  }
0x87: {  	_ =	shalt  }
.Lfunc_end0:
.L_simem_size_0:
called_computation_lowered:
.L_overlay_start_0:
0x88: {  	s2 =	sld [smem:$0x3FD9]  }
0x89: {  	s3 =	sld [smem:$0x3FFE];
	_ =	sdelay $0x1  }
0x8a: {  	s1 =	srdreg.scid  }
0x8b: {  	s0 =	sand.u32 $0x1, s1  }
0x8c: {  	s17 =	sshll.u32 s0, $0xA;
	s2 =	sadd.s32 s3, s2  }
0x8d: {  	s2 =	sadd.s32 s2, s17  }
0x8e: {  	[smem:$0x3FC2] =	sst s2  }
0x8f: {  	_ = 	snop  }
0x90: {  	s2 =	sld [smem:$0x3FD0];
	(tm) =	ssettm $0x1  }
0x91: {  	s18 =	sld [smem:$0x3FFB];
	_ =	sdelay $0x3  }
0x92: {  	_ =	strace s18  }
0x93: {  	s3 =	sld [smem:$0x3FFC];
	_ =	sdelay $0x3  }
0x94: {  	_ =	strace s3  }
0x95: {  	s3 =	sld [smem:$0x3FFD];
	_ =	sdelay $0x3  }
0x96: {  	_ =	strace s3  }
0x97: {  	_ =	strace $0x8FFFFFFF  }
0x98: {  	s19 =	sld [smem:$0x3FDB];
	_ =	sdelay $0x1  }
0x99: {  	s4 =	simm.s32 $_scs_section_size  }
0x9a: {  	s5 =	simm.s32 $_size__tile_overlayer_lowered;
	s6 =	simm.s32 $_tile_overlayer_lowered  }
0x9b: {  	s22 =	simm.s32 $0x1BFF;
	s21 =	sshll.u32 s6, $0x1;
	s3 =	sadd.s32 s4, s19  }
0x9c: {  	s7 =	simm.s32 $0x0;
	s20 =	sshll.u32 s5, $0x1;
	s5 =	sadd.s32 s21, s3  }
0x9d: {  	[timem:s7], [sflag:s22] =	dma.local [hbm:s5], s20  }
0x9e: {  	_ =	swait.ge [sflag:s22], s20  }
0x9f: {  	s4 =	ssub.s32 $0x0, s20;
	[sflag:s22] =	ssyncset.done $0x0  }
0xa0: {  	[sflag:s22] =	ssyncadd.s32 s4;
	_ =	sdelay $0x1  }
0xa1: {  	s23 =	simm.s32 $0x1B8B  }
0xa2: {  	_ =	swait.ge [sflag:s23], $0x1  }
0xa3: {  	[sflag:s23] =	ssyncset.done $0x0  }
0xa4: {  	s25 =	simm.s32 $0x1B8E;
	s24 =	sld [smem:$0x3FFE];
	[sflag:s23] =	ssyncadd.s32 $0xFFFFFFFF  }
0xa5: {  	s26 =	simm.s32 $execute0_lowered;
	[smem:$0x3FD2] =	sst s25  }
0xa6: {  	s5 =	sshll.u32 s26, $0x1;
	_ =	strace $0x80000046;
	[dreg:$0x1] =	wrdreg $0xFFFFFFFF  }
0xa7: {  	s28 =	simm.s32 $_size_execute0_lowered;
	s3 =	sadd.s32 s3, s5;
	[dreg:$0x0] =	wrdreg $0x0  }
0xa8: {  	s5 =	sshll.u32 s28, $0x1;
	[dreg:$0x2] =	wrdreg s3  }
0xa9: {  	[dreg:$0x3] =	wrdreg s5  }
0xaa: {  	[dreg:$0x4] =	wrdreg $0xC0  }
0xab: {  	_ =	task [dreg:s7], $0x5FFFF  }
0xac: {  	[dreg:$0x1] =	wrdreg $0xFFFFFFFF  }
0xad: {  	[dreg:$0x0] =	wrdreg $0x60  }
0xae: {  	[dreg:$0x2] =	wrdreg s24  }
0xaf: {  	[dreg:$0x3] =	wrdreg s2  }
0xb0: {  	[dreg:$0x4] =	wrdreg $0x2C100  }
0xb1: {  	[dreg:$0x5] =	wrdreg $0x9  }
0xb2: {  	_ =	task.clear_ibuf [dreg:s7], $0x6FFFF;
	_ =	strace $0x90000046  }
0xb3: {  	s29 =	simm.s32 $0x9;
	_ =	strace $0x80000048  }
0xb4: {  	_ =	swait.ge [sflag:s29], $0x1  }
0xb5: {  	[sflag:s29] =	ssyncadd.s32 $0xFFFFFFFF  }
0xb6: {  	_ =	strace $0x90000048  }
0xb7: {  	_ =	sfence  }
0xb8: {  	s30 =	sld [smem:$0x0];
	_ =	sdelay $0x2  }
0xb9: {  	s31 =	sshll.u32 s1, $0xD;
	s1 =	sshrl.u32 s1, $0x2  }
0xba: {  	s3 =	sand.u32 $0x4000, s31;
	s1 =	sadd.s32 s1, s30  }
0xbb: {  	s0 =	sor.u32 s3, s0;
	s1 =	sshll.u32 s1, $0x11  }
0xbc: {  	s0 =	sor.u32 s1, s0  }
0xbd: {  	s0 =	sadd.s32 $0x8F2B, s0  }
0xbe: {  	[sflag:s0] =	ssyncadd.remote.s32 $0x1  }
0xbf: {  	_ =	sfence.sel $0xFFFF  }
0xc0: {  	[dreg:$0x0] =	wrdreg $0xFFFFFFFF;
	(pc) =	sbr.abs _section_cstart, $3  }
0xc1: {  	[dreg:$0x1] =	wrdreg $0xFFFFFFFF  }
0xc2: {  	_ =	task.clear_ibuf [dreg:s7], $0x2FFFF;
	_ =	strace $0x9FFFFFFF  }
0xc3: {  	(tm) =	ssettm $0x7FFFFFFF  }
tec
execute0_lowered:
.L_overlay_start_1:
0x0: {  	(tag) =	ssettag $0x1  }
0x1: {  	s1 =	rddreg [dreg:$0x0]  }
0x2: {  	s2 =	srdreg.scid;
	s0 =	stileid.u32  }
0x3: {  	s7 =	rddreg [dreg:$0x1];
	s13 =	simm.s32 $0x2;
	s14 =	simm.s32 $0x2710  }
0x4: {  	s21 =	simm.s32 $0x50;
	s22 =	simm.s32 $0xA0;
	s23 =	simm.s32 $0xF0  }
0x5: {  	s28 =	simm.s32 $0x230;
	s29 =	simm.s32 $0x1;
	s30 =	simm.s32 $0x0  }
0x6: {  	s5 =	sand.u32 $0x1, s2;
	s3 =	sshll.u32 s0, $0x1;
	s6 =	smul.u32 $0x271, s0  }
0x7: {  	s2 =	rddreg [dreg:$0x2];
	s9 =	smul.u32 $0x9C40, s0;
	s31 =	sshll.u32 s0, $0x6  }
0x8: {  	s4 =	sor.u32 s5, s3;
	s3 =	simm.s32 $0x0;
	s10 =	ssub.s32 $0x2, s5  }
0x9: {  	s11 =	smul.u32 $0x2710, s5;
	s5 =	sadd.s32 $0xC200, s1;
	s15 =	sor.u32 $0x1C02, s31  }
0xa: {  	s4 =	smul.u32 $0x4E2, s4;
	[smem:$0x7FF] =	sst s3;
	s9 =	sshrl.u32 s9, $0x2  }
0xb: {  	s24 =	sshrl.u32 s10, $0x1;
	_ =	strace $0x80000047;
	s16 =	sadd.s32 s9, s2  }
0xc: {  	s25 =	sadd.s32 s6, s11;
	s8 =	sadd.s32 s4, s1;
	s4 =	sadd.s32 $0xC400, s1  }
0xd: {  	s1 =	ssub.s32 s10, s24;
	s17 =	sadd.s32 $0x7D0, s16;
	s26 =	sshll.u32 s25, $0x1  }
0xe: {  	s18 =	sadd.s32 $0xFA0, s16;
	s19 =	sadd.s32 $0x1770, s16;
	s20 =	sadd.s32 $0x1F40, s16  }
0xf: {  	s16 =	sshrl.u32 s16, $0x3;
	s24 =	simm.s32 $0x140;
	s25 =	simm.s32 $0x190  }
0x10: {  	s6 =	sadd.s32 $0x2400, s8;
	s7 =	sadd.s32 s7, s26;
	s12 =	smax.u32 s1, $0x1  }
0x11: {  	s17 =	sshrl.u32 s17, $0x3;
	s18 =	sshrl.u32 s18, $0x3;
	s19 =	sshrl.u32 s19, $0x3  }
0x12: {  	s20 =	sshrl.u32 s20, $0x3;
	s26 =	simm.s32 $0x1E0;
	s8 =	sadd.s32 $0xFA, s7  }
0x13: {  	s9 =	sadd.s32 $0x1F4, s7;
	s10 =	sadd.s32 $0x2EE, s7;
	s11 =	sadd.s32 $0x3E8, s7  }
.LBB2_1:
0x14: {  	[tilespmem:s3], [sflag:$0x2] =	stream.linear.gather [hbm4b:s6+s3], $0x2710, $0x38;
	[tilespmem:$0x5320] =	vst v63  }
0x15: {  	_ =	swait.ge [sflag:s13], $0x2710  }
0x16: {  	[sflag:s13] =	ssyncset.done $0x0  }
0x17: {  	[sflag:s13] =	ssyncadd.s32 $0xFFFFD8F0  }
0x18: {  	[tilespmem:s14], [sflag:$0x2] =	stream.linear.gather [hbm4b:s4+s3], $0x500, $0x38;
	[tilespmem:$0x5320] =	vst v63  }
0x19: {  	_ =	swait.ge [sflag:s13], $0x500  }
0x1a: {  	[sflag:s13] =	ssyncset.done $0x0  }
0x1b: {  	[sflag:s13] =	ssyncadd.s32 $0xFFFFFB00  }
0x1c: {  	[spmem:s16], [sflag:s15] =	dma.local [hbm:s5], $0xFA  }
0x1d: {  	_ =	swait.ge [sflag:s13], $0xFA  }
0x1e: {  	[sflag:s13] =	ssyncset.done $0x0  }
0x1f: {  	[sflag:s13] =	ssyncadd.s32 $0xFFFFFF06  }
0x20: {  	[spmem:s17], [sflag:s15] =	dma.local [hbm:s5], $0xFA  }
0x21: {  	_ =	swait.ge [sflag:s13], $0xFA  }
0x22: {  	[sflag:s13] =	ssyncset.done $0x0  }
0x23: {  	[sflag:s13] =	ssyncadd.s32 $0xFFFFFF06  }
0x24: {  	[spmem:s18], [sflag:s15] =	dma.local [hbm:s5], $0xFA  }
0x25: {  	_ =	swait.ge [sflag:s13], $0xFA  }
0x26: {  	[sflag:s13] =	ssyncset.done $0x0  }
0x27: {  	[sflag:s13] =	ssyncadd.s32 $0xFFFFFF06  }
0x28: {  	[spmem:s19], [sflag:s15] =	dma.local [hbm:s5], $0xFA  }
0x29: {  	_ =	swait.ge [sflag:s13], $0xFA  }
0x2a: {  	[sflag:s13] =	ssyncset.done $0x0  }
0x2b: {  	[sflag:s13] =	ssyncadd.s32 $0xFFFFFF06  }
0x2c: {  	[spmem:s20], [sflag:s15] =	dma.local [hbm:s5], $0xFA  }
0x2d: {  	_ =	swait.ge [sflag:s13], $0xFA  }
0x2e: {  	[sflag:s13] =	ssyncset.done $0x0  }
0x2f: {  	[sflag:s13] =	ssyncadd.s32 $0xFFFFFF06  }
0x30: {  	[bflag:$0x0] =	sbarrier.arrive $0xFFFF  }
0x31: {  	[spmem:s2] =	stream.indirect.scatter.add.f32 [tilespmem:s14], [sflag:$0x1], $0x10, s3, s21, $0xb8;
	[tilespmem:$0x5320] =	vst v63  }
0x32: {  	_ = 	snop  }
0x33: {  	[spmem:s2] =	stream.indirect.scatter.add.f32 [tilespmem:s14], [sflag:$0x1], $0x10, s21, s21, $0xb8;
	[tilespmem:$0x5320] =	vst v63  }
0x34: {  	_ = 	snop  }
0x35: {  	[spmem:s2] =	stream.indirect.scatter.add.f32 [tilespmem:s14], [sflag:$0x1], $0x10, s22, s21, $0xb8;
	[tilespmem:$0x5320] =	vst v63  }
0x36: {  	_ = 	snop  }
0x37: {  	[spmem:s2] =	stream.indirect.scatter.add.f32 [tilespmem:s14], [sflag:$0x1], $0x10, s23, s21, $0xb8;
	[tilespmem:$0x5320] =	vst v63  }
0x38: {  	_ = 	snop  }
0x39: {  	[spmem:s2] =	stream.indirect.scatter.add.f32 [tilespmem:s14], [sflag:$0x1], $0x10, s24, s21, $0xb8;
	[tilespmem:$0x5320] =	vst v63  }
0x3a: {  	_ = 	snop  }
0x3b: {  	[spmem:s2] =	stream.indirect.scatter.add.f32 [tilespmem:s14], [sflag:$0x1], $0x10, s25, s21, $0xb8;
	[tilespmem:$0x5320] =	vst v63  }
0x3c: {  	_ = 	snop  }
0x3d: {  	[spmem:s2] =	stream.indirect.scatter.add.f32 [tilespmem:s14], [sflag:$0x1], $0x10, s26, s21, $0xb8;
	[tilespmem:$0x5320] =	vst v63  }
0x3e: {  	_ = 	snop  }
0x3f: {  	[spmem:s2] =	stream.indirect.scatter.add.f32 [tilespmem:s14], [sflag:$0x1], $0x10, s28, s21, $0xb8;
	[tilespmem:$0x5320] =	vst v63  }
0x40: {  	_ =	swait.ge [sflag:s29], $0x500  }
0x41: {  	[sflag:s29] =	ssyncset.done $0x0  }
0x42: {  	s31 =	simm.s32 $0xB40;
	s1 =	simm.s32 $0x280;
	[sflag:s29] =	ssyncadd.s32 $0xFFFFFB00  }
.LBB2_2:
0x43: {  	[spmem:s2] =	stream.indirect.scatter.add.f32 [tilespmem:s14], [sflag:$0x1], $0x10, s1, s21, $0xb8;
	[tilespmem:$0x5320] =	vst v63  }
0x44: {  	s1 =	smov.u32 s31;
	p0 =	sne.s32 s31, $0x9B00  }
.Ltmp0:
0x45: {  	s31 =	sadd.s32 $0x140, s31;
	(pc) =	sbr.rel @p0 .LBB2_2-.Ltmp0, $4  }
0x46: {  	_ = 	snop  }
0x47: {  	_ =	swait.ge [sflag:s29], $0x500  }
0x48: {  	[sflag:s29] =	ssyncset.done $0x0  }
0x49: {  	s1 =	sshra.s32 s1, $0x2;
	[sflag:s29] =	ssyncadd.s32 $0xFFFFFB00  }
0x4a: {  	[spmem:s2] =	stream.indirect.scatter.add.f32 [tilespmem:s14], [sflag:$0x1], $0x10, s1, s21, $0xb8;
	[tilespmem:$0x5320] =	vst v63  }
0x4b: {  	_ =	swait.ge [sflag:s29], $0x500  }
0x4c: {  	[sflag:s29] =	ssyncset.done $0x0  }
0x4d: {  	[sflag:s29] =	ssyncadd.s32 $0xFFFFFB00  }
0x4e: {  	_ =	swait.ge [sflag:s29], $0x500  }
0x4f: {  	[sflag:s29] =	ssyncset.done $0x0  }
0x50: {  	[sflag:s29] =	ssyncadd.s32 $0xFFFFFB00  }
0x51: {  	_ =	swait.ge [sflag:s29], $0x500  }
0x52: {  	[sflag:s29] =	ssyncset.done $0x0  }
0x53: {  	[sflag:s29] =	ssyncadd.s32 $0xFFFFFB00  }
0x54: {  	_ =	swait.ge [sflag:s29], $0x500  }
0x55: {  	[sflag:s29] =	ssyncset.done $0x0  }
0x56: {  	[sflag:s29] =	ssyncadd.s32 $0xFFFFFB00  }
0x57: {  	_ =	swait.ge [sflag:s29], $0x500  }
0x58: {  	[sflag:s29] =	ssyncset.done $0x0  }
0x59: {  	[sflag:s29] =	ssyncadd.s32 $0xFFFFFB00  }
0x5a: {  	_ =	swait.ge [sflag:s29], $0x500  }
0x5b: {  	[sflag:s29] =	ssyncset.done $0x0  }
0x5c: {  	[sflag:s29] =	ssyncadd.s32 $0xFFFFFB00  }
0x5d: {  	_ =	swait.ge [sflag:s29], $0x500  }
0x5e: {  	[sflag:s29] =	ssyncset.done $0x0  }
0x5f: {  	[sflag:s29] =	ssyncadd.s32 $0xFFFFFB00  }
0x60: {  	_ =	swait.ge [sflag:s29], $0x500  }
0x61: {  	[sflag:s29] =	ssyncset.done $0x0  }
0x62: {  	[sflag:s29] =	ssyncadd.s32 $0xFFFFFB00  }
0x63: {  	[bflag:$0x0] =	sbarrier.arrive $0xFFFF  }
0x64: {  	[hbm:s7], [sflag:s15] =	dma.local [spmem:s16], $0xFA  }
0x65: {  	_ =	swait.ge [sflag:s13], $0xFA  }
0x66: {  	[sflag:s13] =	ssyncset.done $0x0  }
0x67: {  	[sflag:s13] =	ssyncadd.s32 $0xFFFFFF06  }
0x68: {  	[hbm:s8], [sflag:s15] =	dma.local [spmem:s17], $0xFA  }
0x69: {  	_ =	swait.ge [sflag:s13], $0xFA  }
0x6a: {  	[sflag:s13] =	ssyncset.done $0x0  }
0x6b: {  	[sflag:s13] =	ssyncadd.s32 $0xFFFFFF06  }
0x6c: {  	[hbm:s9], [sflag:s15] =	dma.local [spmem:s18], $0xFA  }
0x6d: {  	_ =	swait.ge [sflag:s13], $0xFA  }
0x6e: {  	[sflag:s13] =	ssyncset.done $0x0  }
0x6f: {  	[sflag:s13] =	ssyncadd.s32 $0xFFFFFF06  }
0x70: {  	[hbm:s10], [sflag:s15] =	dma.local [spmem:s19], $0xFA  }
0x71: {  	s30 =	sadd.s32 $0x1, s30;
	_ =	swait.ge [sflag:s13], $0xFA  }
0x72: {  	p0 =	sne.s32 s30, s12;
	[sflag:s13] =	ssyncset.done $0x0  }
.Ltmp1:
0x73: {  	[sflag:s13] =	ssyncadd.s32 $0xFFFFFF06;
	(pc) =	sbr.rel @p0 .LBB2_1-.Ltmp1, $4  }
0x74: {  	[hbm:s11], [sflag:s15] =	dma.local [spmem:s20], $0xFA  }
0x75: {  	_ =	swait.ge [sflag:s13], $0xFA  }
0x76: {  	[sflag:s13] =	ssyncset.done $0x0  }
0x77: {  	[sflag:s13] =	ssyncadd.s32 $0xFFFFFF06  }
0x78: {  	_ =	sfence.sel $0x180000  }
0x79: {  	[bflag:$0x0] =	sbarrier.arrive $0xFFFF  }
0x7a: {  	_ =	strace $0x90000047  }
0x7b: {  	[bflag:$0x2] =	sbarrier.arrive $0xFFFF  }
0x7c: {  	p0 =	sne.s32 s0, $0x0;
	s0 =	rddreg [dreg:$0x3]  }
0x7d: {  	s0 =	sadd.s32 @!p0 $0x100000, s0  }
0x7e: {  	[sflag:s0] =	ssyncadd.tile.s32 @!p0 $0x1;
	_ =	shalt  }
.Lfunc_end2:
_tile_overlayer_lowered:
.L_overlay_start_2:
0x7f: {  	(tag) =	ssettag $0x2  }
0x80: {  	s0 =	rddreg [dreg:$0x0];
	s2 =	stileid.u32  }
0x81: {  	s1 =	rddreg [dreg:$0x1];
	p0 =	sne.s32 s2, $0x0  }
0x82: {  	s3 =	rddreg [dreg:$0x2];
	[bflag:$0x3] =	sbarrier.arrive $0xFFFF;
	s2 =	simm.s32 @!p0 $0x1C02  }
0x83: {  	[timem:s3], [sflag:s2] =	dma.local @!p0 [hbm:s0], s1  }
0x84: {  	s0 =	simm.s32 @!p0 $0x2  }
0x85: {  	_ =	swait.ge @!p0 [sflag:s0], s1  }
0x86: {  	s1 =	ssub.s32 @!p0 $0x0, s1;
	[sflag:s0] =	ssyncset.done @!p0 $0x0  }
0x87: {  	[sflag:s0] =	ssyncadd.s32 @!p0 s1  }
0x88: {  	[bflag:$0x3] =	sbarrier.arrive $0xFFFF  }
0x89: {  	_ =	shalt  }

</sc_bundles>
